<compile_context>
chip_gen: v7x
topology: tpu7x:2x2x1
jax: 0.10.2.dev20260603
libtpu: 0.0.44.dev20260713+nightly
codegen_flags: <defaults>
</compile_context>

<pallas_src>
import functools

import jax
import jax.numpy as jnp
from jax import lax
from jax.experimental import pallas as pl
from jax.experimental.pallas import tpu as pltpu
from jax.experimental.pallas import tpu_sc as plsc

B = 16384
D = 64
NUM_CORES = 2
NUM_SUBCORES = 16
NW = NUM_CORES * NUM_SUBCORES
BW = B // NW
NCHUNK = 2
CW = BW // NCHUNK


def _build():
    mesh = plsc.VectorSubcoreMesh(core_axis_name="c", subcore_axis_name="s")

    @functools.partial(
        pl.kernel,
        mesh=mesh,
        out_type=jax.ShapeDtypeStruct((3 * B, D), jnp.float32),
        scratch_types=[
            pltpu.VMEM((CW,), jnp.int32),
            pltpu.VMEM((CW,), jnp.int32),
            pltpu.VMEM((CW,), jnp.int32),
            pltpu.VMEM((3 * CW, D), jnp.float32),
            pltpu.SemaphoreType.DMA,
        ],
    )
    def k(head_h, rel_h, tail_h, ent_h, rele_h, out_h, ih, ir, it, comb, sem):
        wid = lax.axis_index("s") * NUM_CORES + lax.axis_index("c")
        for c in range(NCHUNK):
            base = wid * BW + c * CW
            pltpu.sync_copy(head_h.at[pl.ds(base, CW)], ih)
            pltpu.sync_copy(rel_h.at[pl.ds(base, CW)], ir)
            pltpu.sync_copy(tail_h.at[pl.ds(base, CW)], it)

            @pl.loop(0, CW // 16)
            def _(g):
                b0 = g * 16
                vh = ih[pl.ds(b0, 16)]
                vr = ir[pl.ds(b0, 16)]
                vt = it[pl.ds(b0, 16)]
                for j in range(16):
                    b = b0 + j
                    pltpu.async_copy(
                        ent_h.at[pl.ds(vh[j], 1)], comb.at[pl.ds(3 * b, 1)], sem)
                    pltpu.async_copy(
                        rele_h.at[pl.ds(vr[j], 1)], comb.at[pl.ds(3 * b + 1, 1)], sem)
                    pltpu.async_copy(
                        ent_h.at[pl.ds(vt[j], 1)], comb.at[pl.ds(3 * b + 2, 1)], sem)

            pltpu.make_async_copy(
                out_h.at[pl.ds(3 * base, 3 * CW)], comb, sem).wait()
            pltpu.sync_copy(comb, out_h.at[pl.ds(3 * base, 3 * CW)])

    return k


_gather = _build()


def kernel(head, rel, tail, ent_embeddings, rel_embeddings):
    out = _gather(head, rel, tail, ent_embeddings, rel_embeddings)
    return out.reshape(B, 3 * D)

# --- scband reference (transcript-rebuilt; emitter-appended) ---
"""Pipeline reference for scband-base-model-24404004176402 (READ-ONLY COPY).

The authoritative reference and input builder live on the scoring server;
editing this copy changes nothing except your own understanding.
"""

import jax, jax.numpy as jnp
import numpy as np

NUM_ENT = 1000000
NUM_REL = 1000
DIM_ENT = 64
DIM_REL = 64
B = 16384


def setup_inputs(seed: int = 0) -> dict:
    key = jax.random.key(seed)
    k1, k2, k3, k4, k5 = jax.random.split(key, 5)
    head = jax.random.randint(k1, (B,), 0, NUM_ENT, dtype=jnp.int64 if jax.config.jax_enable_x64 else jnp.int32).astype(jnp.int32)
    rel = jax.random.randint(k2, (B,), 0, NUM_REL).astype(jnp.int32)
    tail = jax.random.randint(k3, (B,), 0, NUM_ENT).astype(jnp.int32)
    # xavier_uniform init for embedding tables (margin/epsilon are None branch)
    bound_e = float(np.sqrt(6.0 / (NUM_ENT + DIM_ENT)))
    bound_r = float(np.sqrt(6.0 / (NUM_REL + DIM_REL)))
    ent_embeddings = jax.random.uniform(k4, (NUM_ENT, DIM_ENT), minval=-bound_e, maxval=bound_e, dtype=jnp.float32)
    rel_embeddings = jax.random.uniform(k5, (NUM_REL, DIM_REL), minval=-bound_r, maxval=bound_r, dtype=jnp.float32)
    return {
        "head": head,
        "rel": rel,
        "tail": tail,
        "ent_embeddings": ent_embeddings,
        "rel_embeddings": rel_embeddings,
    }


def reference(head, rel, tail, ent_embeddings, rel_embeddings):
    # Canonical KGE base forward: gather head/relation/tail embeddings.
    h_e = jnp.take(ent_embeddings, head, axis=0)
    r_e = jnp.take(rel_embeddings, rel, axis=0)
    t_e = jnp.take(ent_embeddings, tail, axis=0)
    return jnp.concatenate([h_e, r_e, t_e], axis=-1)

if __name__ == "__main__":
    import jax
    _d = setup_inputs()
    print(jax.jit(kernel)(*tuple(_d.values())))

</pallas_src>

<mosaic_0001>
#map = affine_map<(d0, d1) -> (0)>
#map1 = affine_map<(d0, d1) -> (0, 0)>
module attributes {stable_mosaic.version = 14 : i64} {
  func.func @k(%arg0: i32, %arg1: i32, %arg2: memref<16384xi32, #tpu.memory_space<hbm>>, %arg3: memref<16384xi32, #tpu.memory_space<hbm>>, %arg4: memref<16384xi32, #tpu.memory_space<hbm>>, %arg5: memref<1000000x64xf32, #tpu.memory_space<hbm>>, %arg6: memref<1000x64xf32, #tpu.memory_space<hbm>>, %arg7: memref<49152x64xf32, #tpu.memory_space<hbm>>, %arg8: memref<256xi32, #tpu.memory_space<vmem>>, %arg9: memref<256xi32, #tpu.memory_space<vmem>>, %arg10: memref<256xi32, #tpu.memory_space<vmem>>, %arg11: memref<768x64xf32, #tpu.memory_space<vmem>>, %arg12: memref<!tpu.dma_semaphore, #tpu.memory_space<semaphore_mem>>) attributes {dimension_semantics = [#tpu.dimension_semantics<core_parallel>, #tpu.dimension_semantics<subcore_parallel>], iteration_bounds = array<i64: 2, 16>, scalar_prefetch = 0 : i64, scratch_operands = 5 : i64, tpu.core_type = #tpu.core_type<sc_vector_subcore>, window_params = [{transform_indices = #map}, {transform_indices = #map}, {transform_indices = #map}, {transform_indices = #map1}, {transform_indices = #map1}, {transform_indices = #map1}]} {
    %mul3A = arith.constant 2 : i32
    %mul3A_0 = arith.muli %arg1, %mul3A : i32
    %add3A = arith.addi %mul3A_0, %arg0 : i32
    %mul3A_1 = arith.constant 512 : i32
    %mul3A_2 = arith.muli %add3A, %mul3A_1 : i32
    %add3A_3 = arith.constant 0 : i32
    %add3A_4 = arith.addi %mul3A_2, %add3A_3 : i32
    "tpu.region"() ({
      %run_scoped3A = tpu.sem_alloc : memref<!tpu.dma_semaphore, #tpu.memory_space<semaphore_mem>>
      %dma_start3A = tpu.memref_slice %arg2[%add3A_4] : memref<16384xi32, #tpu.memory_space<hbm>> -> memref<256xi32, #tpu.memory_space<hbm>>
      %dma_start3A_33 = tpu.memref_slice %arg2[%add3A_4] : memref<16384xi32, #tpu.memory_space<hbm>> -> memref<256xi32, #tpu.memory_space<hbm>>
      tpu.enqueue_dma source(%dma_start3A_33 : memref<256xi32, #tpu.memory_space<hbm>>) target(%arg8 : memref<256xi32, #tpu.memory_space<vmem>>) target_semaphore(%run_scoped3A : memref<!tpu.dma_semaphore, #tpu.memory_space<semaphore_mem>>)
      %dma_wait3A_34 = tpu.memref_slice %arg2[%add3A_4] : memref<16384xi32, #tpu.memory_space<hbm>> -> memref<256xi32, #tpu.memory_space<hbm>>
      %dma_wait3A_35 = tpu.memref_slice %arg2[%add3A_4] : memref<16384xi32, #tpu.memory_space<hbm>> -> memref<256xi32, #tpu.memory_space<hbm>>
      tpu.wait_dma2 semaphore(%run_scoped3A : memref<!tpu.dma_semaphore, #tpu.memory_space<semaphore_mem>>) src(%dma_wait3A_35 : memref<256xi32, #tpu.memory_space<hbm>>) dst(%arg8 : memref<256xi32, #tpu.memory_space<vmem>>)
      tpu.yield
    }) : () -> ()
    "tpu.region"() ({
      %run_scoped3A = tpu.sem_alloc : memref<!tpu.dma_semaphore, #tpu.memory_space<semaphore_mem>>
      %dma_start3A = tpu.memref_slice %arg3[%add3A_4] : memref<16384xi32, #tpu.memory_space<hbm>> -> memref<256xi32, #tpu.memory_space<hbm>>
      %dma_start3A_33 = tpu.memref_slice %arg3[%add3A_4] : memref<16384xi32, #tpu.memory_space<hbm>> -> memref<256xi32, #tpu.memory_space<hbm>>
      tpu.enqueue_dma source(%dma_start3A_33 : memref<256xi32, #tpu.memory_space<hbm>>) target(%arg9 : memref<256xi32, #tpu.memory_space<vmem>>) target_semaphore(%run_scoped3A : memref<!tpu.dma_semaphore, #tpu.memory_space<semaphore_mem>>)
      %dma_wait3A_34 = tpu.memref_slice %arg3[%add3A_4] : memref<16384xi32, #tpu.memory_space<hbm>> -> memref<256xi32, #tpu.memory_space<hbm>>
      %dma_wait3A_35 = tpu.memref_slice %arg3[%add3A_4] : memref<16384xi32, #tpu.memory_space<hbm>> -> memref<256xi32, #tpu.memory_space<hbm>>
      tpu.wait_dma2 semaphore(%run_scoped3A : memref<!tpu.dma_semaphore, #tpu.memory_space<semaphore_mem>>) src(%dma_wait3A_35 : memref<256xi32, #tpu.memory_space<hbm>>) dst(%arg9 : memref<256xi32, #tpu.memory_space<vmem>>)
      tpu.yield
    }) : () -> ()
    "tpu.region"() ({
      %run_scoped3A = tpu.sem_alloc : memref<!tpu.dma_semaphore, #tpu.memory_space<semaphore_mem>>
      %dma_start3A = tpu.memref_slice %arg4[%add3A_4] : memref<16384xi32, #tpu.memory_space<hbm>> -> memref<256xi32, #tpu.memory_space<hbm>>
      %dma_start3A_33 = tpu.memref_slice %arg4[%add3A_4] : memref<16384xi32, #tpu.memory_space<hbm>> -> memref<256xi32, #tpu.memory_space<hbm>>
      tpu.enqueue_dma source(%dma_start3A_33 : memref<256xi32, #tpu.memory_space<hbm>>) target(%arg10 : memref<256xi32, #tpu.memory_space<vmem>>) target_semaphore(%run_scoped3A : memref<!tpu.dma_semaphore, #tpu.memory_space<semaphore_mem>>)
      %dma_wait3A_34 = tpu.memref_slice %arg4[%add3A_4] : memref<16384xi32, #tpu.memory_space<hbm>> -> memref<256xi32, #tpu.memory_space<hbm>>
      %dma_wait3A_35 = tpu.memref_slice %arg4[%add3A_4] : memref<16384xi32, #tpu.memory_space<hbm>> -> memref<256xi32, #tpu.memory_space<hbm>>
      tpu.wait_dma2 semaphore(%run_scoped3A : memref<!tpu.dma_semaphore, #tpu.memory_space<semaphore_mem>>) src(%dma_wait3A_35 : memref<256xi32, #tpu.memory_space<hbm>>) dst(%arg10 : memref<256xi32, #tpu.memory_space<vmem>>)
      tpu.yield
    }) : () -> ()
    %scan3A = arith.constant 0 : i32
    %scan3A_5 = arith.constant 16 : i32
    %scan3A_6 = arith.addi %scan3A, %scan3A_5 : i32
    %scan3A_7 = arith.constant 1 : i32
    scf.for %scan3A_33 = %scan3A to %scan3A_6 step %scan3A_7  : i32 {
      %mul3A_34 = arith.constant 1 : i32
      %mul3A_35 = arith.muli %scan3A_33, %mul3A_34 : i32
      %add3A_36 = arith.constant 0 : i32
      %add3A_37 = arith.addi %add3A_36, %mul3A_35 : i32
      %mul3A_38 = arith.constant 16 : i32
      %mul3A_39 = arith.muli %add3A_37, %mul3A_38 : i32
      %get3A = arith.index_cast %mul3A_39 : i32 to index
      %get3A_40 = tpu.vector_load %arg8[%get3A] {strides = array<i32>} : memref<256xi32, #tpu.memory_space<vmem>>, vector<16xi32>,
      %get3A_41 = vector.shape_cast %get3A_40 : vector<16xi32> to vector<16xi32>
      %get3A_42 = arith.index_cast %mul3A_39 : i32 to index
      %get3A_43 = tpu.vector_load %arg9[%get3A_42] {strides = array<i32>} : memref<256xi32, #tpu.memory_space<vmem>>, vector<16xi32>,
      %get3A_44 = vector.shape_cast %get3A_43 : vector<16xi32> to vector<16xi32>
      %get3A_45 = arith.index_cast %mul3A_39 : i32 to index
      %get3A_46 = tpu.vector_load %arg10[%get3A_45] {strides = array<i32>} : memref<256xi32, #tpu.memory_space<vmem>>, vector<16xi32>,
      %get3A_47 = vector.shape_cast %get3A_46 : vector<16xi32> to vector<16xi32>
      %add3A_48 = arith.constant 0 : i32
      %add3A_49 = arith.addi %mul3A_39, %add3A_48 : i32
      %slice3A = vector.extract_strided_slice %get3A_41 {offsets = [0], sizes = [1], strides = [1]} : vector<16xi32> to vector<1xi32>
      %squeeze3A = vector.extract %slice3A[0] : i32 from vector<1xi32>
      %mul3A_50 = arith.constant 3 : i32
      %mul3A_51 = arith.muli %mul3A_50, %add3A_49 : i32
      %dma_start3A = arith.constant 0 : i32
      %dma_start3A_52 = tpu.memref_slice %arg11[%mul3A_51, %dma_start3A] : memref<768x64xf32, #tpu.memory_space<vmem>> -> memref<1x64xf32, #tpu.memory_space<vmem>>
      %dma_start3A_53 = arith.constant 0 : i32
      %dma_start3A_54 = tpu.memref_slice %arg5[%squeeze3A, %dma_start3A_53] : memref<1000000x64xf32, #tpu.memory_space<hbm>> -> memref<1x64xf32, #tpu.memory_space<hbm>>
      %dma_start3A_55 = arith.constant 0 : i32
      %dma_start3A_56 = tpu.memref_slice %arg11[%mul3A_51, %dma_start3A_55] : memref<768x64xf32, #tpu.memory_space<vmem>> -> memref<1x64xf32, #tpu.memory_space<vmem>>
      %dma_start3A_57 = arith.constant 0 : i32
      %dma_start3A_58 = tpu.memref_slice %arg5[%squeeze3A, %dma_start3A_57] : memref<1000000x64xf32, #tpu.memory_space<hbm>> -> memref<1x64xf32, #tpu.memory_space<hbm>>
      tpu.enqueue_dma source(%dma_start3A_58 : memref<1x64xf32, #tpu.memory_space<hbm>>) target(%dma_start3A_56 : memref<1x64xf32, #tpu.memory_space<vmem>>) target_semaphore(%arg12 : memref<!tpu.dma_semaphore, #tpu.memory_space<semaphore_mem>>)
      %slice3A_59 = vector.extract_strided_slice %get3A_44 {offsets = [0], sizes = [1], strides = [1]} : vector<16xi32> to vector<1xi32>
      %squeeze3A_60 = vector.extract %slice3A_59[0] : i32 from vector<1xi32>
      %mul3A_61 = arith.constant 3 : i32
      %mul3A_62 = arith.muli %mul3A_61, %add3A_49 : i32
      %add3A_63 = arith.constant 1 : i32
      %add3A_64 = arith.addi %mul3A_62, %add3A_63 : i32
      %dma_start3A_65 = arith.constant 0 : i32
      %dma_start3A_66 = tpu.memref_slice %arg11[%add3A_64, %dma_start3A_65] : memref<768x64xf32, #tpu.memory_space<vmem>> -> memref<1x64xf32, #tpu.memory_space<vmem>>
      %dma_start3A_67 = arith.constant 0 : i32
      %dma_start3A_68 = tpu.memref_slice %arg6[%squeeze3A_60, %dma_start3A_67] : memref<1000x64xf32, #tpu.memory_space<hbm>> -> memref<1x64xf32, #tpu.memory_space<hbm>>
      %dma_start3A_69 = arith.constant 0 : i32
      %dma_start3A_70 = tpu.memref_slice %arg11[%add3A_64, %dma_start3A_69] : memref<768x64xf32, #tpu.memory_space<vmem>> -> memref<1x64xf32, #tpu.memory_space<vmem>>
      %dma_start3A_71 = arith.constant 0 : i32
      %dma_start3A_72 = tpu.memref_slice %arg6[%squeeze3A_60, %dma_start3A_71] : memref<1000x64xf32, #tpu.memory_space<hbm>> -> memref<1x64xf32, #tpu.memory_space<hbm>>
      tpu.enqueue_dma source(%dma_start3A_72 : memref<1x64xf32, #tpu.memory_space<hbm>>) target(%dma_start3A_70 : memref<1x64xf32, #tpu.memory_space<vmem>>) target_semaphore(%arg12 : memref<!tpu.dma_semaphore, #tpu.memory_space<semaphore_mem>>)
      %slice3A_73 = vector.extract_strided_slice %get3A_47 {offsets = [0], sizes = [1], strides = [1]} : vector<16xi32> to vector<1xi32>
      %squeeze3A_74 = vector.extract %slice3A_73[0] : i32 from vector<1xi32>
      %mul3A_75 = arith.constant 3 : i32
      %mul3A_76 = arith.muli %mul3A_75, %add3A_49 : i32
      %add3A_77 = arith.constant 2 : i32
      %add3A_78 = arith.addi %mul3A_76, %add3A_77 : i32
      %dma_start3A_79 = arith.constant 0 : i32
      %dma_start3A_80 = tpu.memref_slice %arg11[%add3A_78, %dma_start3A_79] : memref<768x64xf32, #tpu.memory_space<vmem>> -> memref<1x64xf32, #tpu.memory_space<vmem>>
      %dma_start3A_81 = arith.constant 0 : i32
      %dma_start3A_82 = tpu.memref_slice %arg5[%squeeze3A_74, %dma_start3A_81] : memref<1000000x64xf32, #tpu.memory_space<hbm>> -> memref<1x64xf32, #tpu.memory_space<hbm>>
      %dma_start3A_83 = arith.constant 0 : i32
      %dma_start3A_84 = tpu.memref_slice %arg11[%add3A_78, %dma_start3A_83] : memref<768x64xf32, #tpu.memory_space<vmem>> -> memref<1x64xf32, #tpu.memory_space<vmem>>
      %dma_start3A_85 = arith.constant 0 : i32
      %dma_start3A_86 = tpu.memref_slice %arg5[%squeeze3A_74, %dma_start3A_85] : memref<1000000x64xf32, #tpu.memory_space<hbm>> -> memref<1x64xf32, #tpu.memory_space<hbm>>
      tpu.enqueue_dma source(%dma_start3A_86 : memref<1x64xf32, #tpu.memory_space<hbm>>) target(%dma_start3A_84 : memref<1x64xf32, #tpu.memory_space<vmem>>) target_semaphore(%arg12 : memref<!tpu.dma_semaphore, #tpu.memory_space<semaphore_mem>>)
      %add3A_87 = arith.constant 1 : i32
      %add3A_88 = arith.addi %mul3A_39, %add3A_87 : i32
      %slice3A_89 = vector.extract_strided_slice %get3A_41 {offsets = [1], sizes = [1], strides = [1]} : vector<16xi32> to vector<1xi32>
      %squeeze3A_90 = vector.extract %slice3A_89[0] : i32 from vector<1xi32>
      %mul3A_91 = arith.constant 3 : i32
      %mul3A_92 = arith.muli %mul3A_91, %add3A_88 : i32
      %dma_start3A_93 = arith.constant 0 : i32
      %dma_start3A_94 = tpu.memref_slice %arg11[%mul3A_92, %dma_start3A_93] : memref<768x64xf32, #tpu.memory_space<vmem>> -> memref<1x64xf32, #tpu.memory_space<vmem>>
      %dma_start3A_95 = arith.constant 0 : i32
      %dma_start3A_96 = tpu.memref_slice %arg5[%squeeze3A_90, %dma_start3A_95] : memref<1000000x64xf32, #tpu.memory_space<hbm>> -> memref<1x64xf32, #tpu.memory_space<hbm>>
      %dma_start3A_97 = arith.constant 0 : i32
      %dma_start3A_98 = tpu.memref_slice %arg11[%mul3A_92, %dma_start3A_97] : memref<768x64xf32, #tpu.memory_space<vmem>> -> memref<1x64xf32, #tpu.memory_space<vmem>>
      %dma_start3A_99 = arith.constant 0 : i32
      %dma_start3A_100 = tpu.memref_slice %arg5[%squeeze3A_90, %dma_start3A_99] : memref<1000000x64xf32, #tpu.memory_space<hbm>> -> memref<1x64xf32, #tpu.memory_space<hbm>>
      tpu.enqueue_dma source(%dma_start3A_100 : memref<1x64xf32, #tpu.memory_space<hbm>>) target(%dma_start3A_98 : memref<1x64xf32, #tpu.memory_space<vmem>>) target_semaphore(%arg12 : memref<!tpu.dma_semaphore, #tpu.memory_space<semaphore_mem>>)
      %slice3A_101 = vector.extract_strided_slice %get3A_44 {offsets = [1], sizes = [1], strides = [1]} : vector<16xi32> to vector<1xi32>
      %squeeze3A_102 = vector.extract %slice3A_101[0] : i32 from vector<1xi32>
      %mul3A_103 = arith.constant 3 : i32
      %mul3A_104 = arith.muli %mul3A_103, %add3A_88 : i32
      %add3A_105 = arith.constant 1 : i32
      %add3A_106 = arith.addi %mul3A_104, %add3A_105 : i32
      %dma_start3A_107 = arith.constant 0 : i32
      %dma_start3A_108 = tpu.memref_slice %arg11[%add3A_106, %dma_start3A_107] : memref<768x64xf32, #tpu.memory_space<vmem>> -> memref<1x64xf32, #tpu.memory_space<vmem>>
      %dma_start3A_109 = arith.constant 0 : i32
      %dma_start3A_110 = tpu.memref_slice %arg6[%squeeze3A_102, %dma_start3A_109] : memref<1000x64xf32, #tpu.memory_space<hbm>> -> memref<1x64xf32, #tpu.memory_space<hbm>>
      %dma_start3A_111 = arith.constant 0 : i32
      %dma_start3A_112 = tpu.memref_slice %arg11[%add3A_106, %dma_start3A_111] : memref<768x64xf32, #tpu.memory_space<vmem>> -> memref<1x64xf32, #tpu.memory_space<vmem>>
      %dma_start3A_113 = arith.constant 0 : i32
      %dma_start3A_114 = tpu.memref_slice %arg6[%squeeze3A_102, %dma_start3A_113] : memref<1000x64xf32, #tpu.memory_space<hbm>> -> memref<1x64xf32, #tpu.memory_space<hbm>>
      tpu.enqueue_dma source(%dma_start3A_114 : memref<1x64xf32, #tpu.memory_space<hbm>>) target(%dma_start3A_112 : memref<1x64xf32, #tpu.memory_space<vmem>>) target_semaphore(%arg12 : memref<!tpu.dma_semaphore, #tpu.memory_space<semaphore_mem>>)
      %slice3A_115 = vector.extract_strided_slice %get3A_47 {offsets = [1], sizes = [1], strides = [1]} : vector<16xi32> to vector<1xi32>
      %squeeze3A_116 = vector.extract %slice3A_115[0] : i32 from vector<1xi32>
      %mul3A_117 = arith.constant 3 : i32
      %mul3A_118 = arith.muli %mul3A_117, %add3A_88 : i32
      %add3A_119 = arith.constant 2 : i32
      %add3A_120 = arith.addi %mul3A_118, %add3A_119 : i32
      %dma_start3A_121 = arith.constant 0 : i32
      %dma_start3A_122 = tpu.memref_slice %arg11[%add3A_120, %dma_start3A_121] : memref<768x64xf32, #tpu.memory_space<vmem>> -> memref<1x64xf32, #tpu.memory_space<vmem>>
      %dma_start3A_123 = arith.constant 0 : i32
      %dma_start3A_124 = tpu.memref_slice %arg5[%squeeze3A_116, %dma_start3A_123] : memref<1000000x64xf32, #tpu.memory_space<hbm>> -> memref<1x64xf32, #tpu.memory_space<hbm>>
      %dma_start3A_125 = arith.constant 0 : i32
      %dma_start3A_126 = tpu.memref_slice %arg11[%add3A_120, %dma_start3A_125] : memref<768x64xf32, #tpu.memory_space<vmem>> -> memref<1x64xf32, #tpu.memory_space<vmem>>
      %dma_start3A_127 = arith.constant 0 : i32
      %dma_start3A_128 = tpu.memref_slice %arg5[%squeeze3A_116, %dma_start3A_127] : memref<1000000x64xf32, #tpu.memory_space<hbm>> -> memref<1x64xf32, #tpu.memory_space<hbm>>
      tpu.enqueue_dma source(%dma_start3A_128 : memref<1x64xf32, #tpu.memory_space<hbm>>) target(%dma_start3A_126 : memref<1x64xf32, #tpu.memory_space<vmem>>) target_semaphore(%arg12 : memref<!tpu.dma_semaphore, #tpu.memory_space<semaphore_mem>>)
      %add3A_129 = arith.constant 2 : i32
      %add3A_130 = arith.addi %mul3A_39, %add3A_129 : i32
      %slice3A_131 = vector.extract_strided_slice %get3A_41 {offsets = [2], sizes = [1], strides = [1]} : vector<16xi32> to vector<1xi32>
      %squeeze3A_132 = vector.extract %slice3A_131[0] : i32 from vector<1xi32>
      %mul3A_133 = arith.constant 3 : i32
      %mul3A_134 = arith.muli %mul3A_133, %add3A_130 : i32
      %dma_start3A_135 = arith.constant 0 : i32
      %dma_start3A_136 = tpu.memref_slice %arg11[%mul3A_134, %dma_start3A_135] : memref<768x64xf32, #tpu.memory_space<vmem>> -> memref<1x64xf32, #tpu.memory_space<vmem>>
      %dma_start3A_137 = arith.constant 0 : i32
      %dma_start3A_138 = tpu.memref_slice %arg5[%squeeze3A_132, %dma_start3A_137] : memref<1000000x64xf32, #tpu.memory_space<hbm>> -> memref<1x64xf32, #tpu.memory_space<hbm>>
      %dma_start3A_139 = arith.constant 0 : i32
      %dma_start3A_140 = tpu.memref_slice %arg11[%mul3A_134, %dma_start3A_139] : memref<768x64xf32, #tpu.memory_space<vmem>> -> memref<1x64xf32, #tpu.memory_space<vmem>>
      %dma_start3A_141 = arith.constant 0 : i32
      %dma_start3A_142 = tpu.memref_slice %arg5[%squeeze3A_132, %dma_start3A_141] : memref<1000000x64xf32, #tpu.memory_space<hbm>> -> memref<1x64xf32, #tpu.memory_space<hbm>>
      tpu.enqueue_dma source(%dma_start3A_142 : memref<1x64xf32, #tpu.memory_space<hbm>>) target(%dma_start3A_140 : memref<1x64xf32, #tpu.memory_space<vmem>>) target_semaphore(%arg12 : memref<!tpu.dma_semaphore, #tpu.memory_space<semaphore_mem>>)
      %slice3A_143 = vector.extract_strided_slice %get3A_44 {offsets = [2], sizes = [1], strides = [1]} : vector<16xi32> to vector<1xi32>
      %squeeze3A_144 = vector.extract %slice3A_143[0] : i32 from vector<1xi32>
      %mul3A_145 = arith.constant 3 : i32
      %mul3A_146 = arith.muli %mul3A_145, %add3A_130 : i32
      %add3A_147 = arith.constant 1 : i32
      %add3A_148 = arith.addi %mul3A_146, %add3A_147 : i32
      %dma_start3A_149 = arith.constant 0 : i32
      %dma_start3A_150 = tpu.memref_slice %arg11[%add3A_148, %dma_start3A_149] : memref<768x64xf32, #tpu.memory_space<vmem>> -> memref<1x64xf32, #tpu.memory_space<vmem>>
      %dma_start3A_151 = arith.constant 0 : i32
      %dma_start3A_152 = tpu.memref_slice %arg6[%squeeze3A_144, %dma_start3A_151] : memref<1000x64xf32, #tpu.memory_space<hbm>> -> memref<1x64xf32, #tpu.memory_space<hbm>>
      %dma_start3A_153 = arith.constant 0 : i32
      %dma_start3A_154 = tpu.memref_slice %arg11[%add3A_148, %dma_start3A_153] : memref<768x64xf32, #tpu.memory_space<vmem>> -> memref<1x64xf32, #tpu.memory_space<vmem>>
      %dma_start3A_155 = arith.constant 0 : i32
      %dma_start3A_156 = tpu.memref_slice %arg6[%squeeze3A_144, %dma_start3A_155] : memref<1000x64xf32, #tpu.memory_space<hbm>> -> memref<1x64xf32, #tpu.memory_space<hbm>>
      tpu.enqueue_dma source(%dma_start3A_156 : memref<1x64xf32, #tpu.memory_space<hbm>>) target(%dma_start3A_154 : memref<1x64xf32, #tpu.memory_space<vmem>>) target_semaphore(%arg12 : memref<!tpu.dma_semaphore, #tpu.memory_space<semaphore_mem>>)
      %slice3A_157 = vector.extract_strided_slice %get3A_47 {offsets = [2], sizes = [1], strides = [1]} : vector<16xi32> to vector<1xi32>
      %squeeze3A_158 = vector.extract %slice3A_157[0] : i32 from vector<1xi32>
      %mul3A_159 = arith.constant 3 : i32
      %mul3A_160 = arith.muli %mul3A_159, %add3A_130 : i32
      %add3A_161 = arith.constant 2 : i32
      %add3A_162 = arith.addi %mul3A_160, %add3A_161 : i32
      %dma_start3A_163 = arith.constant 0 : i32
      %dma_start3A_164 = tpu.memref_slice %arg11[%add3A_162, %dma_start3A_163] : memref<768x64xf32, #tpu.memory_space<vmem>> -> memref<1x64xf32, #tpu.memory_space<vmem>>
      %dma_start3A_165 = arith.constant 0 : i32
      %dma_start3A_166 = tpu.memref_slice %arg5[%squeeze3A_158, %dma_start3A_165] : memref<1000000x64xf32, #tpu.memory_space<hbm>> -> memref<1x64xf32, #tpu.memory_space<hbm>>
      %dma_start3A_167 = arith.constant 0 : i32
      %dma_start3A_168 = tpu.memref_slice %arg11[%add3A_162, %dma_start3A_167] : memref<768x64xf32, #tpu.memory_space<vmem>> -> memref<1x64xf32, #tpu.memory_space<vmem>>
      %dma_start3A_169 = arith.constant 0 : i32
      %dma_start3A_170 = tpu.memref_slice %arg5[%squeeze3A_158, %dma_start3A_169] : memref<1000000x64xf32, #tpu.memory_space<hbm>> -> memref<1x64xf32, #tpu.memory_space<hbm>>
      tpu.enqueue_dma source(%dma_start3A_170 : memref<1x64xf32, #tpu.memory_space<hbm>>) target(%dma_start3A_168 : memref<1x64xf32, #tpu.memory_space<vmem>>) target_semaphore(%arg12 : memref<!tpu.dma_semaphore, #tpu.memory_space<semaphore_mem>>)
      %add3A_171 = arith.constant 3 : i32
      %add3A_172 = arith.addi %mul3A_39, %add3A_171 : i32
      %slice3A_173 = vector.extract_strided_slice %get3A_41 {offsets = [3], sizes = [1], strides = [1]} : vector<16xi32> to vector<1xi32>
      %squeeze3A_174 = vector.extract %slice3A_173[0] : i32 from vector<1xi32>
      %mul3A_175 = arith.constant 3 : i32
      %mul3A_176 = arith.muli %mul3A_175, %add3A_172 : i32
      %dma_start3A_177 = arith.constant 0 : i32
      %dma_start3A_178 = tpu.memref_slice %arg11[%mul3A_176, %dma_start3A_177] : memref<768x64xf32, #tpu.memory_space<vmem>> -> memref<1x64xf32, #tpu.memory_space<vmem>>
      %dma_start3A_179 = arith.constant 0 : i32
      %dma_start3A_180 = tpu.memref_slice %arg5[%squeeze3A_174, %dma_start3A_179] : memref<1000000x64xf32, #tpu.memory_space<hbm>> -> memref<1x64xf32, #tpu.memory_space<hbm>>
      %dma_start3A_181 = arith.constant 0 : i32
      %dma_start3A_182 = tpu.memref_slice %arg11[%mul3A_176, %dma_start3A_181] : memref<768x64xf32, #tpu.memory_space<vmem>> -> memref<1x64xf32, #tpu.memory_space<vmem>>
      %dma_start3A_183 = arith.constant 0 : i32
      %dma_start3A_184 = tpu.memref_slice %arg5[%squeeze3A_174, %dma_start3A_183] : memref<1000000x64xf32, #tpu.memory_space<hbm>> -> memref<1x64xf32, #tpu.memory_space<hbm>>
      tpu.enqueue_dma source(%dma_start3A_184 : memref<1x64xf32, #tpu.memory_space<hbm>>) target(%dma_start3A_182 : memref<1x64xf32, #tpu.memory_space<vmem>>) target_semaphore(%arg12 : memref<!tpu.dma_semaphore, #tpu.memory_space<semaphore_mem>>)
      %slice3A_185 = vector.extract_strided_slice %get3A_44 {offsets = [3], sizes = [1], strides = [1]} : vector<16xi32> to vector<1xi32>
      %squeeze3A_186 = vector.extract %slice3A_185[0] : i32 from vector<1xi32>
      %mul3A_187 = arith.constant 3 : i32
      %mul3A_188 = arith.muli %mul3A_187, %add3A_172 : i32
      %add3A_189 = arith.constant 1 : i32
      %add3A_190 = arith.addi %mul3A_188, %add3A_189 : i32
      %dma_start3A_191 = arith.constant 0 : i32
      %dma_start3A_192 = tpu.memref_slice %arg11[%add3A_190, %dma_start3A_191] : memref<768x64xf32, #tpu.memory_space<vmem>> -> memref<1x64xf32, #tpu.memory_space<vmem>>
      %dma_start3A_193 = arith.constant 0 : i32
      %dma_start3A_194 = tpu.memref_slice %arg6[%squeeze3A_186, %dma_start3A_193] : memref<1000x64xf32, #tpu.memory_space<hbm>> -> memref<1x64xf32, #tpu.memory_space<hbm>>
      %dma_start3A_195 = arith.constant 0 : i32
      %dma_start3A_196 = tpu.memref_slice %arg11[%add3A_190, %dma_start3A_195] : memref<768x64xf32, #tpu.memory_space<vmem>> -> memref<1x64xf32, #tpu.memory_space<vmem>>
      %dma_start3A_197 = arith.constant 0 : i32
      %dma_start3A_198 = tpu.memref_slice %arg6[%squeeze3A_186, %dma_start3A_197] : memref<1000x64xf32, #tpu.memory_space<hbm>> -> memref<1x64xf32, #tpu.memory_space<hbm>>
      tpu.enqueue_dma source(%dma_start3A_198 : memref<1x64xf32, #tpu.memory_space<hbm>>) target(%dma_start3A_196 : memref<1x64xf32, #tpu.memory_space<vmem>>) target_semaphore(%arg12 : memref<!tpu.dma_semaphore, #tpu.memory_space<semaphore_mem>>)
      %slice3A_199 = vector.extract_strided_slice %get3A_47 {offsets = [3], sizes = [1], strides = [1]} : vector<16xi32> to vector<1xi32>
      %squeeze3A_200 = vector.extract %slice3A_199[0] : i32 from vector<1xi32>
      %mul3A_201 = arith.constant 3 : i32
      %mul3A_202 = arith.muli %mul3A_201, %add3A_172 : i32
      %add3A_203 = arith.constant 2 : i32
      %add3A_204 = arith.addi %mul3A_202, %add3A_203 : i32
      %dma_start3A_205 = arith.constant 0 : i32
      %dma_start3A_206 = tpu.memref_slice %arg11[%add3A_204, %dma_start3A_205] : memref<768x64xf32, #tpu.memory_space<vmem>> -> memref<1x64xf32, #tpu.memory_space<vmem>>
      %dma_start3A_207 = arith.constant 0 : i32
      %dma_start3A_208 = tpu.memref_slice %arg5[%squeeze3A_200, %dma_start3A_207] : memref<1000000x64xf32, #tpu.memory_space<hbm>> -> memref<1x64xf32, #tpu.memory_space<hbm>>
      %dma_start3A_209 = arith.constant 0 : i32
      %dma_start3A_210 = tpu.memref_slice %arg11[%add3A_204, %dma_start3A_209] : memref<768x64xf32, #tpu.memory_space<vmem>> -> memref<1x64xf32, #tpu.memory_space<vmem>>
      %dma_start3A_211 = arith.constant 0 : i32
      %dma_start3A_212 = tpu.memref_slice %arg5[%squeeze3A_200, %dma_start3A_211] : memref<1000000x64xf32, #tpu.memory_space<hbm>> -> memref<1x64xf32, #tpu.memory_space<hbm>>
      tpu.enqueue_dma source(%dma_start3A_212 : memref<1x64xf32, #tpu.memory_space<hbm>>) target(%dma_start3A_210 : memref<1x64xf32, #tpu.memory_space<vmem>>) target_semaphore(%arg12 : memref<!tpu.dma_semaphore, #tpu.memory_space<semaphore_mem>>)
      %add3A_213 = arith.constant 4 : i32
      %add3A_214 = arith.addi %mul3A_39, %add3A_213 : i32
      %slice3A_215 = vector.extract_strided_slice %get3A_41 {offsets = [4], sizes = [1], strides = [1]} : vector<16xi32> to vector<1xi32>
      %squeeze3A_216 = vector.extract %slice3A_215[0] : i32 from vector<1xi32>
      %mul3A_217 = arith.constant 3 : i32
      %mul3A_218 = arith.muli %mul3A_217, %add3A_214 : i32
      %dma_start3A_219 = arith.constant 0 : i32
      %dma_start3A_220 = tpu.memref_slice %arg11[%mul3A_218, %dma_start3A_219] : memref<768x64xf32, #tpu.memory_space<vmem>> -> memref<1x64xf32, #tpu.memory_space<vmem>>
      %dma_start3A_221 = arith.constant 0 : i32
      %dma_start3A_222 = tpu.memref_slice %arg5[%squeeze3A_216, %dma_start3A_221] : memref<1000000x64xf32, #tpu.memory_space<hbm>> -> memref<1x64xf32, #tpu.memory_space<hbm>>
      %dma_start3A_223 = arith.constant 0 : i32
      %dma_start3A_224 = tpu.memref_slice %arg11[%mul3A_218, %dma_start3A_223] : memref<768x64xf32, #tpu.memory_space<vmem>> -> memref<1x64xf32, #tpu.memory_space<vmem>>
      %dma_start3A_225 = arith.constant 0 : i32
      %dma_start3A_226 = tpu.memref_slice %arg5[%squeeze3A_216, %dma_start3A_225] : memref<1000000x64xf32, #tpu.memory_space<hbm>> -> memref<1x64xf32, #tpu.memory_space<hbm>>
      tpu.enqueue_dma source(%dma_start3A_226 : memref<1x64xf32, #tpu.memory_space<hbm>>) target(%dma_start3A_224 : memref<1x64xf32, #tpu.memory_space<vmem>>) target_semaphore(%arg12 : memref<!tpu.dma_semaphore, #tpu.memory_space<semaphore_mem>>)
      %slice3A_227 = vector.extract_strided_slice %get3A_44 {offsets = [4], sizes = [1], strides = [1]} : vector<16xi32> to vector<1xi32>
      %squeeze3A_228 = vector.extract %slice3A_227[0] : i32 from vector<1xi32>
      %mul3A_229 = arith.constant 3 : i32
      %mul3A_230 = arith.muli %mul3A_229, %add3A_214 : i32
      %add3A_231 = arith.constant 1 : i32
      %add3A_232 = arith.addi %mul3A_230, %add3A_231 : i32
      %dma_start3A_233 = arith.constant 0 : i32
      %dma_start3A_234 = tpu.memref_slice %arg11[%add3A_232, %dma_start3A_233] : memref<768x64xf32, #tpu.memory_space<vmem>> -> memref<1x64xf32, #tpu.memory_space<vmem>>
      %dma_start3A_235 = arith.constant 0 : i32
      %dma_start3A_236 = tpu.memref_slice %arg6[%squeeze3A_228, %dma_start3A_235] : memref<1000x64xf32, #tpu.memory_space<hbm>> -> memref<1x64xf32, #tpu.memory_space<hbm>>
      %dma_start3A_237 = arith.constant 0 : i32
      %dma_start3A_238 = tpu.memref_slice %arg11[%add3A_232, %dma_start3A_237] : memref<768x64xf32, #tpu.memory_space<vmem>> -> memref<1x64xf32, #tpu.memory_space<vmem>>
      %dma_start3A_239 = arith.constant 0 : i32
      %dma_start3A_240 = tpu.memref_slice %arg6[%squeeze3A_228, %dma_start3A_239] : memref<1000x64xf32, #tpu.memory_space<hbm>> -> memref<1x64xf32, #tpu.memory_space<hbm>>
      tpu.enqueue_dma source(%dma_start3A_240 : memref<1x64xf32, #tpu.memory_space<hbm>>) target(%dma_start3A_238 : memref<1x64xf32, #tpu.memory_space<vmem>>) target_semaphore(%arg12 : memref<!tpu.dma_semaphore, #tpu.memory_space<semaphore_mem>>)
      %slice3A_241 = vector.extract_strided_slice %get3A_47 {offsets = [4], sizes = [1], strides = [1]} : vector<16xi32> to vector<1xi32>
      %squeeze3A_242 = vector.extract %slice3A_241[0] : i32 from vector<1xi32>
      %mul3A_243 = arith.constant 3 : i32
      %mul3A_244 = arith.muli %mul3A_243, %add3A_214 : i32
      %add3A_245 = arith.constant 2 : i32
      %add3A_246 = arith.addi %mul3A_244, %add3A_245 : i32
      %dma_start3A_247 = arith.constant 0 : i32
      %dma_start3A_248 = tpu.memref_slice %arg11[%add3A_246, %dma_start3A_247] : memref<768x64xf32, #tpu.memory_space<vmem>> -> memref<1x64xf32, #tpu.memory_space<vmem>>
      %dma_start3A_249 = arith.constant 0 : i32
      %dma_start3A_250 = tpu.memref_slice %arg5[%squeeze3A_242, %dma_start3A_249] : memref<1000000x64xf32, #tpu.memory_space<hbm>> -> memref<1x64xf32, #tpu.memory_space<hbm>>
      %dma_start3A_251 = arith.constant 0 : i32
      %dma_start3A_252 = tpu.memref_slice %arg11[%add3A_246, %dma_start3A_251] : memref<768x64xf32, #tpu.memory_space<vmem>> -> memref<1x64xf32, #tpu.memory_space<vmem>>
      %dma_start3A_253 = arith.constant 0 : i32
      %dma_start3A_254 = tpu.memref_slice %arg5[%squeeze3A_242, %dma_start3A_253] : memref<1000000x64xf32, #tpu.memory_space<hbm>> -> memref<1x64xf32, #tpu.memory_space<hbm>>
      tpu.enqueue_dma source(%dma_start3A_254 : memref<1x64xf32, #tpu.memory_space<hbm>>) target(%dma_start3A_252 : memref<1x64xf32, #tpu.memory_space<vmem>>) target_semaphore(%arg12 : memref<!tpu.dma_semaphore, #tpu.memory_space<semaphore_mem>>)
      %add3A_255 = arith.constant 5 : i32
      %add3A_256 = arith.addi %mul3A_39, %add3A_255 : i32
      %slice3A_257 = vector.extract_strided_slice %get3A_41 {offsets = [5], sizes = [1], strides = [1]} : vector<16xi32> to vector<1xi32>
      %squeeze3A_258 = vector.extract %slice3A_257[0] : i32 from vector<1xi32>
      %mul3A_259 = arith.constant 3 : i32
      %mul3A_260 = arith.muli %mul3A_259, %add3A_256 : i32
      %dma_start3A_261 = arith.constant 0 : i32
      %dma_start3A_262 = tpu.memref_slice %arg11[%mul3A_260, %dma_start3A_261] : memref<768x64xf32, #tpu.memory_space<vmem>> -> memref<1x64xf32, #tpu.memory_space<vmem>>
      %dma_start3A_263 = arith.constant 0 : i32
      %dma_start3A_264 = tpu.memref_slice %arg5[%squeeze3A_258, %dma_start3A_263] : memref<1000000x64xf32, #tpu.memory_space<hbm>> -> memref<1x64xf32, #tpu.memory_space<hbm>>
      %dma_start3A_265 = arith.constant 0 : i32
      %dma_start3A_266 = tpu.memref_slice %arg11[%mul3A_260, %dma_start3A_265] : memref<768x64xf32, #tpu.memory_space<vmem>> -> memref<1x64xf32, #tpu.memory_space<vmem>>
      %dma_start3A_267 = arith.constant 0 : i32
      %dma_start3A_268 = tpu.memref_slice %arg5[%squeeze3A_258, %dma_start3A_267] : memref<1000000x64xf32, #tpu.memory_space<hbm>> -> memref<1x64xf32, #tpu.memory_space<hbm>>
      tpu.enqueue_dma source(%dma_start3A_268 : memref<1x64xf32, #tpu.memory_space<hbm>>) target(%dma_start3A_266 : memref<1x64xf32, #tpu.memory_space<vmem>>) target_semaphore(%arg12 : memref<!tpu.dma_semaphore, #tpu.memory_space<semaphore_mem>>)
      %slice3A_269 = vector.extract_strided_slice %get3A_44 {offsets = [5], sizes = [1], strides = [1]} : vector<16xi32> to vector<1xi32>
      %squeeze3A_270 = vector.extract %slice3A_269[0] : i32 from vector<1xi32>
      %mul3A_271 = arith.constant 3 : i32
      %mul3A_272 = arith.muli %mul3A_271, %add3A_256 : i32
      %add3A_273 = arith.constant 1 : i32
      %add3A_274 = arith.addi %mul3A_272, %add3A_273 : i32
      %dma_start3A_275 = arith.constant 0 : i32
      %dma_start3A_276 = tpu.memref_slice %arg11[%add3A_274, %dma_start3A_275] : memref<768x64xf32, #tpu.memory_space<vmem>> -> memref<1x64xf32, #tpu.memory_space<vmem>>
      %dma_start3A_277 = arith.constant 0 : i32
      %dma_start3A_278 = tpu.memref_slice %arg6[%squeeze3A_270, %dma_start3A_277] : memref<1000x64xf32, #tpu.memory_space<hbm>> -> memref<1x64xf32, #tpu.memory_space<hbm>>
      %dma_start3A_279 = arith.constant 0 : i32
      %dma_start3A_280 = tpu.memref_slice %arg11[%add3A_274, %dma_start3A_279] : memref<768x64xf32, #tpu.memory_space<vmem>> -> memref<1x64xf32, #tpu.memory_space<vmem>>
      %dma_start3A_281 = arith.constant 0 : i32
      %dma_start3A_282 = tpu.memref_slice %arg6[%squeeze3A_270, %dma_start3A_281] : memref<1000x64xf32, #tpu.memory_space<hbm>> -> memref<1x64xf32, #tpu.memory_space<hbm>>
      tpu.enqueue_dma source(%dma_start3A_282 : memref<1x64xf32, #tpu.memory_space<hbm>>) target(%dma_start3A_280 : memref<1x64xf32, #tpu.memory_space<vmem>>) target_semaphore(%arg12 : memref<!tpu.dma_semaphore, #tpu.memory_space<semaphore_mem>>)
      %slice3A_283 = vector.extract_strided_slice %get3A_47 {offsets = [5], sizes = [1], strides = [1]} : vector<16xi32> to vector<1xi32>
      %squeeze3A_284 = vector.extract %slice3A_283[0] : i32 from vector<1xi32>
      %mul3A_285 = arith.constant 3 : i32
      %mul3A_286 = arith.muli %mul3A_285, %add3A_256 : i32
      %add3A_287 = arith.constant 2 : i32
      %add3A_288 = arith.addi %mul3A_286, %add3A_287 : i32
      %dma_start3A_289 = arith.constant 0 : i32
      %dma_start3A_290 = tpu.memref_slice %arg11[%add3A_288, %dma_start3A_289] : memref<768x64xf32, #tpu.memory_space<vmem>> -> memref<1x64xf32, #tpu.memory_space<vmem>>
      %dma_start3A_291 = arith.constant 0 : i32
      %dma_start3A_292 = tpu.memref_slice %arg5[%squeeze3A_284, %dma_start3A_291] : memref<1000000x64xf32, #tpu.memory_space<hbm>> -> memref<1x64xf32, #tpu.memory_space<hbm>>
      %dma_start3A_293 = arith.constant 0 : i32
      %dma_start3A_294 = tpu.memref_slice %arg11[%add3A_288, %dma_start3A_293] : memref<768x64xf32, #tpu.memory_space<vmem>> -> memref<1x64xf32, #tpu.memory_space<vmem>>
      %dma_start3A_295 = arith.constant 0 : i32
      %dma_start3A_296 = tpu.memref_slice %arg5[%squeeze3A_284, %dma_start3A_295] : memref<1000000x64xf32, #tpu.memory_space<hbm>> -> memref<1x64xf32, #tpu.memory_space<hbm>>
      tpu.enqueue_dma source(%dma_start3A_296 : memref<1x64xf32, #tpu.memory_space<hbm>>) target(%dma_start3A_294 : memref<1x64xf32, #tpu.memory_space<vmem>>) target_semaphore(%arg12 : memref<!tpu.dma_semaphore, #tpu.memory_space<semaphore_mem>>)
      %add3A_297 = arith.constant 6 : i32
      %add3A_298 = arith.addi %mul3A_39, %add3A_297 : i32
      %slice3A_299 = vector.extract_strided_slice %get3A_41 {offsets = [6], sizes = [1], strides = [1]} : vector<16xi32> to vector<1xi32>
      %squeeze3A_300 = vector.extract %slice3A_299[0] : i32 from vector<1xi32>
      %mul3A_301 = arith.constant 3 : i32
      %mul3A_302 = arith.muli %mul3A_301, %add3A_298 : i32
      %dma_start3A_303 = arith.constant 0 : i32
      %dma_start3A_304 = tpu.memref_slice %arg11[%mul3A_302, %dma_start3A_303] : memref<768x64xf32, #tpu.memory_space<vmem>> -> memref<1x64xf32, #tpu.memory_space<vmem>>
      %dma_start3A_305 = arith.constant 0 : i32
      %dma_start3A_306 = tpu.memref_slice %arg5[%squeeze3A_300, %dma_start3A_305] : memref<1000000x64xf32, #tpu.memory_space<hbm>> -> memref<1x64xf32, #tpu.memory_space<hbm>>
      %dma_start3A_307 = arith.constant 0 : i32
      %dma_start3A_308 = tpu.memref_slice %arg11[%mul3A_302, %dma_start3A_307] : memref<768x64xf32, #tpu.memory_space<vmem>> -> memref<1x64xf32, #tpu.memory_space<vmem>>
      %dma_start3A_309 = arith.constant 0 : i32
      %dma_start3A_310 = tpu.memref_slice %arg5[%squeeze3A_300, %dma_start3A_309] : memref<1000000x64xf32, #tpu.memory_space<hbm>> -> memref<1x64xf32, #tpu.memory_space<hbm>>
      tpu.enqueue_dma source(%dma_start3A_310 : memref<1x64xf32, #tpu.memory_space<hbm>>) target(%dma_start3A_308 : memref<1x64xf32, #tpu.memory_space<vmem>>) target_semaphore(%arg12 : memref<!tpu.dma_semaphore, #tpu.memory_space<semaphore_mem>>)
      %slice3A_311 = vector.extract_strided_slice %get3A_44 {offsets = [6], sizes = [1], strides = [1]} : vector<16xi32> to vector<1xi32>
      %squeeze3A_312 = vector.extract %slice3A_311[0] : i32 from vector<1xi32>
      %mul3A_313 = arith.constant 3 : i32
      %mul3A_314 = arith.muli %mul3A_313, %add3A_298 : i32
      %add3A_315 = arith.constant 1 : i32
      %add3A_316 = arith.addi %mul3A_314, %add3A_315 : i32
      %dma_start3A_317 = arith.constant 0 : i32
      %dma_start3A_318 = tpu.memref_slice %arg11[%add3A_316, %dma_start3A_317] : memref<768x64xf32, #tpu.memory_space<vmem>> -> memref<1x64xf32, #tpu.memory_space<vmem>>
      %dma_start3A_319 = arith.constant 0 : i32
      %dma_start3A_320 = tpu.memref_slice %arg6[%squeeze3A_312, %dma_start3A_319] : memref<1000x64xf32, #tpu.memory_space<hbm>> -> memref<1x64xf32, #tpu.memory_space<hbm>>
      %dma_start3A_321 = arith.constant 0 : i32
      %dma_start3A_322 = tpu.memref_slice %arg11[%add3A_316, %dma_start3A_321] : memref<768x64xf32, #tpu.memory_space<vmem>> -> memref<1x64xf32, #tpu.memory_space<vmem>>
      %dma_start3A_323 = arith.constant 0 : i32
      %dma_start3A_324 = tpu.memref_slice %arg6[%squeeze3A_312, %dma_start3A_323] : memref<1000x64xf32, #tpu.memory_space<hbm>> -> memref<1x64xf32, #tpu.memory_space<hbm>>
      tpu.enqueue_dma source(%dma_start3A_324 : memref<1x64xf32, #tpu.memory_space<hbm>>) target(%dma_start3A_322 : memref<1x64xf32, #tpu.memory_space<vmem>>) target_semaphore(%arg12 : memref<!tpu.dma_semaphore, #tpu.memory_space<semaphore_mem>>)
      %slice3A_325 = vector.extract_strided_slice %get3A_47 {offsets = [6], sizes = [1], strides = [1]} : vector<16xi32> to vector<1xi32>
      %squeeze3A_326 = vector.extract %slice3A_325[0] : i32 from vector<1xi32>
      %mul3A_327 = arith.constant 3 : i32
      %mul3A_328 = arith.muli %mul3A_327, %add3A_298 : i32
      %add3A_329 = arith.constant 2 : i32
      %add3A_330 = arith.addi %mul3A_328, %add3A_329 : i32
      %dma_start3A_331 = arith.constant 0 : i32
      %dma_start3A_332 = tpu.memref_slice %arg11[%add3A_330, %dma_start3A_331] : memref<768x64xf32, #tpu.memory_space<vmem>> -> memref<1x64xf32, #tpu.memory_space<vmem>>
      %dma_start3A_333 = arith.constant 0 : i32
      %dma_start3A_334 = tpu.memref_slice %arg5[%squeeze3A_326, %dma_start3A_333] : memref<1000000x64xf32, #tpu.memory_space<hbm>> -> memref<1x64xf32, #tpu.memory_space<hbm>>
      %dma_start3A_335 = arith.constant 0 : i32
      %dma_start3A_336 = tpu.memref_slice %arg11[%add3A_330, %dma_start3A_335] : memref<768x64xf32, #tpu.memory_space<vmem>> -> memref<1x64xf32, #tpu.memory_space<vmem>>
      %dma_start3A_337 = arith.constant 0 : i32
      %dma_start3A_338 = tpu.memref_slice %arg5[%squeeze3A_326, %dma_start3A_337] : memref<1000000x64xf32, #tpu.memory_space<hbm>> -> memref<1x64xf32, #tpu.memory_space<hbm>>
      tpu.enqueue_dma source(%dma_start3A_338 : memref<1x64xf32, #tpu.memory_space<hbm>>) target(%dma_start3A_336 : memref<1x64xf32, #tpu.memory_space<vmem>>) target_semaphore(%arg12 : memref<!tpu.dma_semaphore, #tpu.memory_space<semaphore_mem>>)
      %add3A_339 = arith.constant 7 : i32
      %add3A_340 = arith.addi %mul3A_39, %add3A_339 : i32
      %slice3A_341 = vector.extract_strided_slice %get3A_41 {offsets = [7], sizes = [1], strides = [1]} : vector<16xi32> to vector<1xi32>
      %squeeze3A_342 = vector.extract %slice3A_341[0] : i32 from vector<1xi32>
      %mul3A_343 = arith.constant 3 : i32
      %mul3A_344 = arith.muli %mul3A_343, %add3A_340 : i32
      %dma_start3A_345 = arith.constant 0 : i32
      %dma_start3A_346 = tpu.memref_slice %arg11[%mul3A_344, %dma_start3A_345] : memref<768x64xf32, #tpu.memory_space<vmem>> -> memref<1x64xf32, #tpu.memory_space<vmem>>
      %dma_start3A_347 = arith.constant 0 : i32
      %dma_start3A_348 = tpu.memref_slice %arg5[%squeeze3A_342, %dma_start3A_347] : memref<1000000x64xf32, #tpu.memory_space<hbm>> -> memref<1x64xf32, #tpu.memory_space<hbm>>
      %dma_start3A_349 = arith.constant 0 : i32
      %dma_start3A_350 = tpu.memref_slice %arg11[%mul3A_344, %dma_start3A_349] : memref<768x64xf32, #tpu.memory_space<vmem>> -> memref<1x64xf32, #tpu.memory_space<vmem>>
      %dma_start3A_351 = arith.constant 0 : i32
      %dma_start3A_352 = tpu.memref_slice %arg5[%squeeze3A_342, %dma_start3A_351] : memref<1000000x64xf32, #tpu.memory_space<hbm>> -> memref<1x64xf32, #tpu.memory_space<hbm>>
      tpu.enqueue_dma source(%dma_start3A_352 : memref<1x64xf32, #tpu.memory_space<hbm>>) target(%dma_start3A_350 : memref<1x64xf32, #tpu.memory_space<vmem>>) target_semaphore(%arg12 : memref<!tpu.dma_semaphore, #tpu.memory_space<semaphore_mem>>)
      %slice3A_353 = vector.extract_strided_slice %get3A_44 {offsets = [7], sizes = [1], strides = [1]} : vector<16xi32> to vector<1xi32>
      %squeeze3A_354 = vector.extract %slice3A_353[0] : i32 from vector<1xi32>
      %mul3A_355 = arith.constant 3 : i32
      %mul3A_356 = arith.muli %mul3A_355, %add3A_340 : i32
      %add3A_357 = arith.constant 1 : i32
      %add3A_358 = arith.addi %mul3A_356, %add3A_357 : i32
      %dma_start3A_359 = arith.constant 0 : i32
      %dma_start3A_360 = tpu.memref_slice %arg11[%add3A_358, %dma_start3A_359] : memref<768x64xf32, #tpu.memory_space<vmem>> -> memref<1x64xf32, #tpu.memory_space<vmem>>
      %dma_start3A_361 = arith.constant 0 : i32
      %dma_start3A_362 = tpu.memref_slice %arg6[%squeeze3A_354, %dma_start3A_361] : memref<1000x64xf32, #tpu.memory_space<hbm>> -> memref<1x64xf32, #tpu.memory_space<hbm>>
      %dma_start3A_363 = arith.constant 0 : i32
      %dma_start3A_364 = tpu.memref_slice %arg11[%add3A_358, %dma_start3A_363] : memref<768x64xf32, #tpu.memory_space<vmem>> -> memref<1x64xf32, #tpu.memory_space<vmem>>
      %dma_start3A_365 = arith.constant 0 : i32
      %dma_start3A_366 = tpu.memref_slice %arg6[%squeeze3A_354, %dma_start3A_365] : memref<1000x64xf32, #tpu.memory_space<hbm>> -> memref<1x64xf32, #tpu.memory_space<hbm>>
      tpu.enqueue_dma source(%dma_start3A_366 : memref<1x64xf32, #tpu.memory_space<hbm>>) target(%dma_start3A_364 : memref<1x64xf32, #tpu.memory_space<vmem>>) target_semaphore(%arg12 : memref<!tpu.dma_semaphore, #tpu.memory_space<semaphore_mem>>)
      %slice3A_367 = vector.extract_strided_slice %get3A_47 {offsets = [7], sizes = [1], strides = [1]} : vector<16xi32> to vector<1xi32>
      %squeeze3A_368 = vector.extract %slice3A_367[0] : i32 from vector<1xi32>
      %mul3A_369 = arith.constant 3 : i32
      %mul3A_370 = arith.muli %mul3A_369, %add3A_340 : i32
      %add3A_371 = arith.constant 2 : i32
      %add3A_372 = arith.addi %mul3A_370, %add3A_371 : i32
      %dma_start3A_373 = arith.constant 0 : i32
      %dma_start3A_374 = tpu.memref_slice %arg11[%add3A_372, %dma_start3A_373] : memref<768x64xf32, #tpu.memory_space<vmem>> -> memref<1x64xf32, #tpu.memory_space<vmem>>
      %dma_start3A_375 = arith.constant 0 : i32
      %dma_start3A_376 = tpu.memref_slice %arg5[%squeeze3A_368, %dma_start3A_375] : memref<1000000x64xf32, #tpu.memory_space<hbm>> -> memref<1x64xf32, #tpu.memory_space<hbm>>
      %dma_start3A_377 = arith.constant 0 : i32
      %dma_start3A_378 = tpu.memref_slice %arg11[%add3A_372, %dma_start3A_377] : memref<768x64xf32, #tpu.memory_space<vmem>> -> memref<1x64xf32, #tpu.memory_space<vmem>>
      %dma_start3A_379 = arith.constant 0 : i32
      %dma_start3A_380 = tpu.memref_slice %arg5[%squeeze3A_368, %dma_start3A_379] : memref<1000000x64xf32, #tpu.memory_space<hbm>> -> memref<1x64xf32, #tpu.memory_space<hbm>>
      tpu.enqueue_dma source(%dma_start3A_380 : memref<1x64xf32, #tpu.memory_space<hbm>>) target(%dma_start3A_378 : memref<1x64xf32, #tpu.memory_space<vmem>>) target_semaphore(%arg12 : memref<!tpu.dma_semaphore, #tpu.memory_space<semaphore_mem>>)
      %add3A_381 = arith.constant 8 : i32
      %add3A_382 = arith.addi %mul3A_39, %add3A_381 : i32
      %slice3A_383 = vector.extract_strided_slice %get3A_41 {offsets = [8], sizes = [1], strides = [1]} : vector<16xi32> to vector<1xi32>
      %squeeze3A_384 = vector.extract %slice3A_383[0] : i32 from vector<1xi32>
      %mul3A_385 = arith.constant 3 : i32
      %mul3A_386 = arith.muli %mul3A_385, %add3A_382 : i32
      %dma_start3A_387 = arith.constant 0 : i32
      %dma_start3A_388 = tpu.memref_slice %arg11[%mul3A_386, %dma_start3A_387] : memref<768x64xf32, #tpu.memory_space<vmem>> -> memref<1x64xf32, #tpu.memory_space<vmem>>
      %dma_start3A_389 = arith.constant 0 : i32
      %dma_start3A_390 = tpu.memref_slice %arg5[%squeeze3A_384, %dma_start3A_389] : memref<1000000x64xf32, #tpu.memory_space<hbm>> -> memref<1x64xf32, #tpu.memory_space<hbm>>
      %dma_start3A_391 = arith.constant 0 : i32
      %dma_start3A_392 = tpu.memref_slice %arg11[%mul3A_386, %dma_start3A_391] : memref<768x64xf32, #tpu.memory_space<vmem>> -> memref<1x64xf32, #tpu.memory_space<vmem>>
      %dma_start3A_393 = arith.constant 0 : i32
      %dma_start3A_394 = tpu.memref_slice %arg5[%squeeze3A_384, %dma_start3A_393] : memref<1000000x64xf32, #tpu.memory_space<hbm>> -> memref<1x64xf32, #tpu.memory_space<hbm>>
      tpu.enqueue_dma source(%dma_start3A_394 : memref<1x64xf32, #tpu.memory_space<hbm>>) target(%dma_start3A_392 : memref<1x64xf32, #tpu.memory_space<vmem>>) target_semaphore(%arg12 : memref<!tpu.dma_semaphore, #tpu.memory_space<semaphore_mem>>)
      %slice3A_395 = vector.extract_strided_slice %get3A_44 {offsets = [8], sizes = [1], strides = [1]} : vector<16xi32> to vector<1xi32>
      %squeeze3A_396 = vector.extract %slice3A_395[0] : i32 from vector<1xi32>
      %mul3A_397 = arith.constant 3 : i32
      %mul3A_398 = arith.muli %mul3A_397, %add3A_382 : i32
      %add3A_399 = arith.constant 1 : i32
      %add3A_400 = arith.addi %mul3A_398, %add3A_399 : i32
      %dma_start3A_401 = arith.constant 0 : i32
      %dma_start3A_402 = tpu.memref_slice %arg11[%add3A_400, %dma_start3A_401] : memref<768x64xf32, #tpu.memory_space<vmem>> -> memref<1x64xf32, #tpu.memory_space<vmem>>
      %dma_start3A_403 = arith.constant 0 : i32
      %dma_start3A_404 = tpu.memref_slice %arg6[%squeeze3A_396, %dma_start3A_403] : memref<1000x64xf32, #tpu.memory_space<hbm>> -> memref<1x64xf32, #tpu.memory_space<hbm>>
      %dma_start3A_405 = arith.constant 0 : i32
      %dma_start3A_406 = tpu.memref_slice %arg11[%add3A_400, %dma_start3A_405] : memref<768x64xf32, #tpu.memory_space<vmem>> -> memref<1x64xf32, #tpu.memory_space<vmem>>
      %dma_start3A_407 = arith.constant 0 : i32
      %dma_start3A_408 = tpu.memref_slice %arg6[%squeeze3A_396, %dma_start3A_407] : memref<1000x64xf32, #tpu.memory_space<hbm>> -> memref<1x64xf32, #tpu.memory_space<hbm>>
      tpu.enqueue_dma source(%dma_start3A_408 : memref<1x64xf32, #tpu.memory_space<hbm>>) target(%dma_start3A_406 : memref<1x64xf32, #tpu.memory_space<vmem>>) target_semaphore(%arg12 : memref<!tpu.dma_semaphore, #tpu.memory_space<semaphore_mem>>)
      %slice3A_409 = vector.extract_strided_slice %get3A_47 {offsets = [8], sizes = [1], strides = [1]} : vector<16xi32> to vector<1xi32>
      %squeeze3A_410 = vector.extract %slice3A_409[0] : i32 from vector<1xi32>
      %mul3A_411 = arith.constant 3 : i32
      %mul3A_412 = arith.muli %mul3A_411, %add3A_382 : i32
      %add3A_413 = arith.constant 2 : i32
      %add3A_414 = arith.addi %mul3A_412, %add3A_413 : i32
      %dma_start3A_415 = arith.constant 0 : i32
      %dma_start3A_416 = tpu.memref_slice %arg11[%add3A_414, %dma_start3A_415] : memref<768x64xf32, #tpu.memory_space<vmem>> -> memref<1x64xf32, #tpu.memory_space<vmem>>
      %dma_start3A_417 = arith.constant 0 : i32
      %dma_start3A_418 = tpu.memref_slice %arg5[%squeeze3A_410, %dma_start3A_417] : memref<1000000x64xf32, #tpu.memory_space<hbm>> -> memref<1x64xf32, #tpu.memory_space<hbm>>
      %dma_start3A_419 = arith.constant 0 : i32
      %dma_start3A_420 = tpu.memref_slice %arg11[%add3A_414, %dma_start3A_419] : memref<768x64xf32, #tpu.memory_space<vmem>> -> memref<1x64xf32, #tpu.memory_space<vmem>>
      %dma_start3A_421 = arith.constant 0 : i32
      %dma_start3A_422 = tpu.memref_slice %arg5[%squeeze3A_410, %dma_start3A_421] : memref<1000000x64xf32, #tpu.memory_space<hbm>> -> memref<1x64xf32, #tpu.memory_space<hbm>>
      tpu.enqueue_dma source(%dma_start3A_422 : memref<1x64xf32, #tpu.memory_space<hbm>>) target(%dma_start3A_420 : memref<1x64xf32, #tpu.memory_space<vmem>>) target_semaphore(%arg12 : memref<!tpu.dma_semaphore, #tpu.memory_space<semaphore_mem>>)
      %add3A_423 = arith.constant 9 : i32
      %add3A_424 = arith.addi %mul3A_39, %add3A_423 : i32
      %slice3A_425 = vector.extract_strided_slice %get3A_41 {offsets = [9], sizes = [1], strides = [1]} : vector<16xi32> to vector<1xi32>
      %squeeze3A_426 = vector.extract %slice3A_425[0] : i32 from vector<1xi32>
      %mul3A_427 = arith.constant 3 : i32
      %mul3A_428 = arith.muli %mul3A_427, %add3A_424 : i32
      %dma_start3A_429 = arith.constant 0 : i32
      %dma_start3A_430 = tpu.memref_slice %arg11[%mul3A_428, %dma_start3A_429] : memref<768x64xf32, #tpu.memory_space<vmem>> -> memref<1x64xf32, #tpu.memory_space<vmem>>
      %dma_start3A_431 = arith.constant 0 : i32
      %dma_start3A_432 = tpu.memref_slice %arg5[%squeeze3A_426, %dma_start3A_431] : memref<1000000x64xf32, #tpu.memory_space<hbm>> -> memref<1x64xf32, #tpu.memory_space<hbm>>
      %dma_start3A_433 = arith.constant 0 : i32
      %dma_start3A_434 = tpu.memref_slice %arg11[%mul3A_428, %dma_start3A_433] : memref<768x64xf32, #tpu.memory_space<vmem>> -> memref<1x64xf32, #tpu.memory_space<vmem>>
      %dma_start3A_435 = arith.constant 0 : i32
      %dma_start3A_436 = tpu.memref_slice %arg5[%squeeze3A_426, %dma_start3A_435] : memref<1000000x64xf32, #tpu.memory_space<hbm>> -> memref<1x64xf32, #tpu.memory_space<hbm>>
      tpu.enqueue_dma source(%dma_start3A_436 : memref<1x64xf32, #tpu.memory_space<hbm>>) target(%dma_start3A_434 : memref<1x64xf32, #tpu.memory_space<vmem>>) target_semaphore(%arg12 : memref<!tpu.dma_semaphore, #tpu.memory_space<semaphore_mem>>)
      %slice3A_437 = vector.extract_strided_slice %get3A_44 {offsets = [9], sizes = [1], strides = [1]} : vector<16xi32> to vector<1xi32>
      %squeeze3A_438 = vector.extract %slice3A_437[0] : i32 from vector<1xi32>
      %mul3A_439 = arith.constant 3 : i32
      %mul3A_440 = arith.muli %mul3A_439, %add3A_424 : i32
      %add3A_441 = arith.constant 1 : i32
      %add3A_442 = arith.addi %mul3A_440, %add3A_441 : i32
      %dma_start3A_443 = arith.constant 0 : i32
      %dma_start3A_444 = tpu.memref_slice %arg11[%add3A_442, %dma_start3A_443] : memref<768x64xf32, #tpu.memory_space<vmem>> -> memref<1x64xf32, #tpu.memory_space<vmem>>
      %dma_start3A_445 = arith.constant 0 : i32
      %dma_start3A_446 = tpu.memref_slice %arg6[%squeeze3A_438, %dma_start3A_445] : memref<1000x64xf32, #tpu.memory_space<hbm>> -> memref<1x64xf32, #tpu.memory_space<hbm>>
      %dma_start3A_447 = arith.constant 0 : i32
      %dma_start3A_448 = tpu.memref_slice %arg11[%add3A_442, %dma_start3A_447] : memref<768x64xf32, #tpu.memory_space<vmem>> -> memref<1x64xf32, #tpu.memory_space<vmem>>
      %dma_start3A_449 = arith.constant 0 : i32
      %dma_start3A_450 = tpu.memref_slice %arg6[%squeeze3A_438, %dma_start3A_449] : memref<1000x64xf32, #tpu.memory_space<hbm>> -> memref<1x64xf32, #tpu.memory_space<hbm>>
      tpu.enqueue_dma source(%dma_start3A_450 : memref<1x64xf32, #tpu.memory_space<hbm>>) target(%dma_start3A_448 : memref<1x64xf32, #tpu.memory_space<vmem>>) target_semaphore(%arg12 : memref<!tpu.dma_semaphore, #tpu.memory_space<semaphore_mem>>)
      %slice3A_451 = vector.extract_strided_slice %get3A_47 {offsets = [9], sizes = [1], strides = [1]} : vector<16xi32> to vector<1xi32>
      %squeeze3A_452 = vector.extract %slice3A_451[0] : i32 from vector<1xi32>
      %mul3A_453 = arith.constant 3 : i32
      %mul3A_454 = arith.muli %mul3A_453, %add3A_424 : i32
      %add3A_455 = arith.constant 2 : i32
      %add3A_456 = arith.addi %mul3A_454, %add3A_455 : i32
      %dma_start3A_457 = arith.constant 0 : i32
      %dma_start3A_458 = tpu.memref_slice %arg11[%add3A_456, %dma_start3A_457] : memref<768x64xf32, #tpu.memory_space<vmem>> -> memref<1x64xf32, #tpu.memory_space<vmem>>
      %dma_start3A_459 = arith.constant 0 : i32
      %dma_start3A_460 = tpu.memref_slice %arg5[%squeeze3A_452, %dma_start3A_459] : memref<1000000x64xf32, #tpu.memory_space<hbm>> -> memref<1x64xf32, #tpu.memory_space<hbm>>
      %dma_start3A_461 = arith.constant 0 : i32
      %dma_start3A_462 = tpu.memref_slice %arg11[%add3A_456, %dma_start3A_461] : memref<768x64xf32, #tpu.memory_space<vmem>> -> memref<1x64xf32, #tpu.memory_space<vmem>>
      %dma_start3A_463 = arith.constant 0 : i32
      %dma_start3A_464 = tpu.memref_slice %arg5[%squeeze3A_452, %dma_start3A_463] : memref<1000000x64xf32, #tpu.memory_space<hbm>> -> memref<1x64xf32, #tpu.memory_space<hbm>>
      tpu.enqueue_dma source(%dma_start3A_464 : memref<1x64xf32, #tpu.memory_space<hbm>>) target(%dma_start3A_462 : memref<1x64xf32, #tpu.memory_space<vmem>>) target_semaphore(%arg12 : memref<!tpu.dma_semaphore, #tpu.memory_space<semaphore_mem>>)
      %add3A_465 = arith.constant 10 : i32
      %add3A_466 = arith.addi %mul3A_39, %add3A_465 : i32
      %slice3A_467 = vector.extract_strided_slice %get3A_41 {offsets = [10], sizes = [1], strides = [1]} : vector<16xi32> to vector<1xi32>
      %squeeze3A_468 = vector.extract %slice3A_467[0] : i32 from vector<1xi32>
      %mul3A_469 = arith.constant 3 : i32
      %mul3A_470 = arith.muli %mul3A_469, %add3A_466 : i32
      %dma_start3A_471 = arith.constant 0 : i32
      %dma_start3A_472 = tpu.memref_slice %arg11[%mul3A_470, %dma_start3A_471] : memref<768x64xf32, #tpu.memory_space<vmem>> -> memref<1x64xf32, #tpu.memory_space<vmem>>
      %dma_start3A_473 = arith.constant 0 : i32
      %dma_start3A_474 = tpu.memref_slice %arg5[%squeeze3A_468, %dma_start3A_473] : memref<1000000x64xf32, #tpu.memory_space<hbm>> -> memref<1x64xf32, #tpu.memory_space<hbm>>
      %dma_start3A_475 = arith.constant 0 : i32
      %dma_start3A_476 = tpu.memref_slice %arg11[%mul3A_470, %dma_start3A_475] : memref<768x64xf32, #tpu.memory_space<vmem>> -> memref<1x64xf32, #tpu.memory_space<vmem>>
      %dma_start3A_477 = arith.constant 0 : i32
      %dma_start3A_478 = tpu.memref_slice %arg5[%squeeze3A_468, %dma_start3A_477] : memref<1000000x64xf32, #tpu.memory_space<hbm>> -> memref<1x64xf32, #tpu.memory_space<hbm>>
      tpu.enqueue_dma source(%dma_start3A_478 : memref<1x64xf32, #tpu.memory_space<hbm>>) target(%dma_start3A_476 : memref<1x64xf32, #tpu.memory_space<vmem>>) target_semaphore(%arg12 : memref<!tpu.dma_semaphore, #tpu.memory_space<semaphore_mem>>)
      %slice3A_479 = vector.extract_strided_slice %get3A_44 {offsets = [10], sizes = [1], strides = [1]} : vector<16xi32> to vector<1xi32>
      %squeeze3A_480 = vector.extract %slice3A_479[0] : i32 from vector<1xi32>
      %mul3A_481 = arith.constant 3 : i32
      %mul3A_482 = arith.muli %mul3A_481, %add3A_466 : i32
      %add3A_483 = arith.constant 1 : i32
      %add3A_484 = arith.addi %mul3A_482, %add3A_483 : i32
      %dma_start3A_485 = arith.constant 0 : i32
      %dma_start3A_486 = tpu.memref_slice %arg11[%add3A_484, %dma_start3A_485] : memref<768x64xf32, #tpu.memory_space<vmem>> -> memref<1x64xf32, #tpu.memory_space<vmem>>
      %dma_start3A_487 = arith.constant 0 : i32
      %dma_start3A_488 = tpu.memref_slice %arg6[%squeeze3A_480, %dma_start3A_487] : memref<1000x64xf32, #tpu.memory_space<hbm>> -> memref<1x64xf32, #tpu.memory_space<hbm>>
      %dma_start3A_489 = arith.constant 0 : i32
      %dma_start3A_490 = tpu.memref_slice %arg11[%add3A_484, %dma_start3A_489] : memref<768x64xf32, #tpu.memory_space<vmem>> -> memref<1x64xf32, #tpu.memory_space<vmem>>
      %dma_start3A_491 = arith.constant 0 : i32
      %dma_start3A_492 = tpu.memref_slice %arg6[%squeeze3A_480, %dma_start3A_491] : memref<1000x64xf32, #tpu.memory_space<hbm>> -> memref<1x64xf32, #tpu.memory_space<hbm>>
      tpu.enqueue_dma source(%dma_start3A_492 : memref<1x64xf32, #tpu.memory_space<hbm>>) target(%dma_start3A_490 : memref<1x64xf32, #tpu.memory_space<vmem>>) target_semaphore(%arg12 : memref<!tpu.dma_semaphore, #tpu.memory_space<semaphore_mem>>)
      %slice3A_493 = vector.extract_strided_slice %get3A_47 {offsets = [10], sizes = [1], strides = [1]} : vector<16xi32> to vector<1xi32>
      %squeeze3A_494 = vector.extract %slice3A_493[0] : i32 from vector<1xi32>
      %mul3A_495 = arith.constant 3 : i32
      %mul3A_496 = arith.muli %mul3A_495, %add3A_466 : i32
      %add3A_497 = arith.constant 2 : i32
      %add3A_498 = arith.addi %mul3A_496, %add3A_497 : i32
      %dma_start3A_499 = arith.constant 0 : i32
      %dma_start3A_500 = tpu.memref_slice %arg11[%add3A_498, %dma_start3A_499] : memref<768x64xf32, #tpu.memory_space<vmem>> -> memref<1x64xf32, #tpu.memory_space<vmem>>
      %dma_start3A_501 = arith.constant 0 : i32
      %dma_start3A_502 = tpu.memref_slice %arg5[%squeeze3A_494, %dma_start3A_501] : memref<1000000x64xf32, #tpu.memory_space<hbm>> -> memref<1x64xf32, #tpu.memory_space<hbm>>
      %dma_start3A_503 = arith.constant 0 : i32
      %dma_start3A_504 = tpu.memref_slice %arg11[%add3A_498, %dma_start3A_503] : memref<768x64xf32, #tpu.memory_space<vmem>> -> memref<1x64xf32, #tpu.memory_space<vmem>>
      %dma_start3A_505 = arith.constant 0 : i32
      %dma_start3A_506 = tpu.memref_slice %arg5[%squeeze3A_494, %dma_start3A_505] : memref<1000000x64xf32, #tpu.memory_space<hbm>> -> memref<1x64xf32, #tpu.memory_space<hbm>>
      tpu.enqueue_dma source(%dma_start3A_506 : memref<1x64xf32, #tpu.memory_space<hbm>>) target(%dma_start3A_504 : memref<1x64xf32, #tpu.memory_space<vmem>>) target_semaphore(%arg12 : memref<!tpu.dma_semaphore, #tpu.memory_space<semaphore_mem>>)
      %add3A_507 = arith.constant 11 : i32
      %add3A_508 = arith.addi %mul3A_39, %add3A_507 : i32
      %slice3A_509 = vector.extract_strided_slice %get3A_41 {offsets = [11], sizes = [1], strides = [1]} : vector<16xi32> to vector<1xi32>
      %squeeze3A_510 = vector.extract %slice3A_509[0] : i32 from vector<1xi32>
      %mul3A_511 = arith.constant 3 : i32
      %mul3A_512 = arith.muli %mul3A_511, %add3A_508 : i32
      %dma_start3A_513 = arith.constant 0 : i32
      %dma_start3A_514 = tpu.memref_slice %arg11[%mul3A_512, %dma_start3A_513] : memref<768x64xf32, #tpu.memory_space<vmem>> -> memref<1x64xf32, #tpu.memory_space<vmem>>
      %dma_start3A_515 = arith.constant 0 : i32
      %dma_start3A_516 = tpu.memref_slice %arg5[%squeeze3A_510, %dma_start3A_515] : memref<1000000x64xf32, #tpu.memory_space<hbm>> -> memref<1x64xf32, #tpu.memory_space<hbm>>
      %dma_start3A_517 = arith.constant 0 : i32
      %dma_start3A_518 = tpu.memref_slice %arg11[%mul3A_512, %dma_start3A_517] : memref<768x64xf32, #tpu.memory_space<vmem>> -> memref<1x64xf32, #tpu.memory_space<vmem>>
      %dma_start3A_519 = arith.constant 0 : i32
      %dma_start3A_520 = tpu.memref_slice %arg5[%squeeze3A_510, %dma_start3A_519] : memref<1000000x64xf32, #tpu.memory_space<hbm>> -> memref<1x64xf32, #tpu.memory_space<hbm>>
      tpu.enqueue_dma source(%dma_start3A_520 : memref<1x64xf32, #tpu.memory_space<hbm>>) target(%dma_start3A_518 : memref<1x64xf32, #tpu.memory_space<vmem>>) target_semaphore(%arg12 : memref<!tpu.dma_semaphore, #tpu.memory_space<semaphore_mem>>)
      %slice3A_521 = vector.extract_strided_slice %get3A_44 {offsets = [11], sizes = [1], strides = [1]} : vector<16xi32> to vector<1xi32>
      %squeeze3A_522 = vector.extract %slice3A_521[0] : i32 from vector<1xi32>
      %mul3A_523 = arith.constant 3 : i32
      %mul3A_524 = arith.muli %mul3A_523, %add3A_508 : i32
      %add3A_525 = arith.constant 1 : i32
      %add3A_526 = arith.addi %mul3A_524, %add3A_525 : i32
      %dma_start3A_527 = arith.constant 0 : i32
      %dma_start3A_528 = tpu.memref_slice %arg11[%add3A_526, %dma_start3A_527] : memref<768x64xf32, #tpu.memory_space<vmem>> -> memref<1x64xf32, #tpu.memory_space<vmem>>
      %dma_start3A_529 = arith.constant 0 : i32
      %dma_start3A_530 = tpu.memref_slice %arg6[%squeeze3A_522, %dma_start3A_529] : memref<1000x64xf32, #tpu.memory_space<hbm>> -> memref<1x64xf32, #tpu.memory_space<hbm>>
      %dma_start3A_531 = arith.constant 0 : i32
      %dma_start3A_532 = tpu.memref_slice %arg11[%add3A_526, %dma_start3A_531] : memref<768x64xf32, #tpu.memory_space<vmem>> -> memref<1x64xf32, #tpu.memory_space<vmem>>
      %dma_start3A_533 = arith.constant 0 : i32
      %dma_start3A_534 = tpu.memref_slice %arg6[%squeeze3A_522, %dma_start3A_533] : memref<1000x64xf32, #tpu.memory_space<hbm>> -> memref<1x64xf32, #tpu.memory_space<hbm>>
      tpu.enqueue_dma source(%dma_start3A_534 : memref<1x64xf32, #tpu.memory_space<hbm>>) target(%dma_start3A_532 : memref<1x64xf32, #tpu.memory_space<vmem>>) target_semaphore(%arg12 : memref<!tpu.dma_semaphore, #tpu.memory_space<semaphore_mem>>)
      %slice3A_535 = vector.extract_strided_slice %get3A_47 {offsets = [11], sizes = [1], strides = [1]} : vector<16xi32> to vector<1xi32>
      %squeeze3A_536 = vector.extract %slice3A_535[0] : i32 from vector<1xi32>
      %mul3A_537 = arith.constant 3 : i32
      %mul3A_538 = arith.muli %mul3A_537, %add3A_508 : i32
      %add3A_539 = arith.constant 2 : i32
      %add3A_540 = arith.addi %mul3A_538, %add3A_539 : i32
      %dma_start3A_541 = arith.constant 0 : i32
      %dma_start3A_542 = tpu.memref_slice %arg11[%add3A_540, %dma_start3A_541] : memref<768x64xf32, #tpu.memory_space<vmem>> -> memref<1x64xf32, #tpu.memory_space<vmem>>
      %dma_start3A_543 = arith.constant 0 : i32
      %dma_start3A_544 = tpu.memref_slice %arg5[%squeeze3A_536, %dma_start3A_543] : memref<1000000x64xf32, #tpu.memory_space<hbm>> -> memref<1x64xf32, #tpu.memory_space<hbm>>
      %dma_start3A_545 = arith.constant 0 : i32
      %dma_start3A_546 = tpu.memref_slice %arg11[%add3A_540, %dma_start3A_545] : memref<768x64xf32, #tpu.memory_space<vmem>> -> memref<1x64xf32, #tpu.memory_space<vmem>>
      %dma_start3A_547 = arith.constant 0 : i32
      %dma_start3A_548 = tpu.memref_slice %arg5[%squeeze3A_536, %dma_start3A_547] : memref<1000000x64xf32, #tpu.memory_space<hbm>> -> memref<1x64xf32, #tpu.memory_space<hbm>>
      tpu.enqueue_dma source(%dma_start3A_548 : memref<1x64xf32, #tpu.memory_space<hbm>>) target(%dma_start3A_546 : memref<1x64xf32, #tpu.memory_space<vmem>>) target_semaphore(%arg12 : memref<!tpu.dma_semaphore, #tpu.memory_space<semaphore_mem>>)
      %add3A_549 = arith.constant 12 : i32
      %add3A_550 = arith.addi %mul3A_39, %add3A_549 : i32
      %slice3A_551 = vector.extract_strided_slice %get3A_41 {offsets = [12], sizes = [1], strides = [1]} : vector<16xi32> to vector<1xi32>
      %squeeze3A_552 = vector.extract %slice3A_551[0] : i32 from vector<1xi32>
      %mul3A_553 = arith.constant 3 : i32
      %mul3A_554 = arith.muli %mul3A_553, %add3A_550 : i32
      %dma_start3A_555 = arith.constant 0 : i32
      %dma_start3A_556 = tpu.memref_slice %arg11[%mul3A_554, %dma_start3A_555] : memref<768x64xf32, #tpu.memory_space<vmem>> -> memref<1x64xf32, #tpu.memory_space<vmem>>
      %dma_start3A_557 = arith.constant 0 : i32
      %dma_start3A_558 = tpu.memref_slice %arg5[%squeeze3A_552, %dma_start3A_557] : memref<1000000x64xf32, #tpu.memory_space<hbm>> -> memref<1x64xf32, #tpu.memory_space<hbm>>
      %dma_start3A_559 = arith.constant 0 : i32
      %dma_start3A_560 = tpu.memref_slice %arg11[%mul3A_554, %dma_start3A_559] : memref<768x64xf32, #tpu.memory_space<vmem>> -> memref<1x64xf32, #tpu.memory_space<vmem>>
      %dma_start3A_561 = arith.constant 0 : i32
      %dma_start3A_562 = tpu.memref_slice %arg5[%squeeze3A_552, %dma_start3A_561] : memref<1000000x64xf32, #tpu.memory_space<hbm>> -> memref<1x64xf32, #tpu.memory_space<hbm>>
      tpu.enqueue_dma source(%dma_start3A_562 : memref<1x64xf32, #tpu.memory_space<hbm>>) target(%dma_start3A_560 : memref<1x64xf32, #tpu.memory_space<vmem>>) target_semaphore(%arg12 : memref<!tpu.dma_semaphore, #tpu.memory_space<semaphore_mem>>)
      %slice3A_563 = vector.extract_strided_slice %get3A_44 {offsets = [12], sizes = [1], strides = [1]} : vector<16xi32> to vector<1xi32>
      %squeeze3A_564 = vector.extract %slice3A_563[0] : i32 from vector<1xi32>
      %mul3A_565 = arith.constant 3 : i32
      %mul3A_566 = arith.muli %mul3A_565, %add3A_550 : i32
      %add3A_567 = arith.constant 1 : i32
      %add3A_568 = arith.addi %mul3A_566, %add3A_567 : i32
      %dma_start3A_569 = arith.constant 0 : i32
      %dma_start3A_570 = tpu.memref_slice %arg11[%add3A_568, %dma_start3A_569] : memref<768x64xf32, #tpu.memory_space<vmem>> -> memref<1x64xf32, #tpu.memory_space<vmem>>
      %dma_start3A_571 = arith.constant 0 : i32
      %dma_start3A_572 = tpu.memref_slice %arg6[%squeeze3A_564, %dma_start3A_571] : memref<1000x64xf32, #tpu.memory_space<hbm>> -> memref<1x64xf32, #tpu.memory_space<hbm>>
      %dma_start3A_573 = arith.constant 0 : i32
      %dma_start3A_574 = tpu.memref_slice %arg11[%add3A_568, %dma_start3A_573] : memref<768x64xf32, #tpu.memory_space<vmem>> -> memref<1x64xf32, #tpu.memory_space<vmem>>
      %dma_start3A_575 = arith.constant 0 : i32
      %dma_start3A_576 = tpu.memref_slice %arg6[%squeeze3A_564, %dma_start3A_575] : memref<1000x64xf32, #tpu.memory_space<hbm>> -> memref<1x64xf32, #tpu.memory_space<hbm>>
      tpu.enqueue_dma source(%dma_start3A_576 : memref<1x64xf32, #tpu.memory_space<hbm>>) target(%dma_start3A_574 : memref<1x64xf32, #tpu.memory_space<vmem>>) target_semaphore(%arg12 : memref<!tpu.dma_semaphore, #tpu.memory_space<semaphore_mem>>)
      %slice3A_577 = vector.extract_strided_slice %get3A_47 {offsets = [12], sizes = [1], strides = [1]} : vector<16xi32> to vector<1xi32>
      %squeeze3A_578 = vector.extract %slice3A_577[0] : i32 from vector<1xi32>
      %mul3A_579 = arith.constant 3 : i32
      %mul3A_580 = arith.muli %mul3A_579, %add3A_550 : i32
      %add3A_581 = arith.constant 2 : i32
      %add3A_582 = arith.addi %mul3A_580, %add3A_581 : i32
      %dma_start3A_583 = arith.constant 0 : i32
      %dma_start3A_584 = tpu.memref_slice %arg11[%add3A_582, %dma_start3A_583] : memref<768x64xf32, #tpu.memory_space<vmem>> -> memref<1x64xf32, #tpu.memory_space<vmem>>
      %dma_start3A_585 = arith.constant 0 : i32
      %dma_start3A_586 = tpu.memref_slice %arg5[%squeeze3A_578, %dma_start3A_585] : memref<1000000x64xf32, #tpu.memory_space<hbm>> -> memref<1x64xf32, #tpu.memory_space<hbm>>
      %dma_start3A_587 = arith.constant 0 : i32
      %dma_start3A_588 = tpu.memref_slice %arg11[%add3A_582, %dma_start3A_587] : memref<768x64xf32, #tpu.memory_space<vmem>> -> memref<1x64xf32, #tpu.memory_space<vmem>>
      %dma_start3A_589 = arith.constant 0 : i32
      %dma_start3A_590 = tpu.memref_slice %arg5[%squeeze3A_578, %dma_start3A_589] : memref<1000000x64xf32, #tpu.memory_space<hbm>> -> memref<1x64xf32, #tpu.memory_space<hbm>>
      tpu.enqueue_dma source(%dma_start3A_590 : memref<1x64xf32, #tpu.memory_space<hbm>>) target(%dma_start3A_588 : memref<1x64xf32, #tpu.memory_space<vmem>>) target_semaphore(%arg12 : memref<!tpu.dma_semaphore, #tpu.memory_space<semaphore_mem>>)
      %add3A_591 = arith.constant 13 : i32
      %add3A_592 = arith.addi %mul3A_39, %add3A_591 : i32
      %slice3A_593 = vector.extract_strided_slice %get3A_41 {offsets = [13], sizes = [1], strides = [1]} : vector<16xi32> to vector<1xi32>
      %squeeze3A_594 = vector.extract %slice3A_593[0] : i32 from vector<1xi32>
      %mul3A_595 = arith.constant 3 : i32
      %mul3A_596 = arith.muli %mul3A_595, %add3A_592 : i32
      %dma_start3A_597 = arith.constant 0 : i32
      %dma_start3A_598 = tpu.memref_slice %arg11[%mul3A_596, %dma_start3A_597] : memref<768x64xf32, #tpu.memory_space<vmem>> -> memref<1x64xf32, #tpu.memory_space<vmem>>
      %dma_start3A_599 = arith.constant 0 : i32
      %dma_start3A_600 = tpu.memref_slice %arg5[%squeeze3A_594, %dma_start3A_599] : memref<1000000x64xf32, #tpu.memory_space<hbm>> -> memref<1x64xf32, #tpu.memory_space<hbm>>
      %dma_start3A_601 = arith.constant 0 : i32
      %dma_start3A_602 = tpu.memref_slice %arg11[%mul3A_596, %dma_start3A_601] : memref<768x64xf32, #tpu.memory_space<vmem>> -> memref<1x64xf32, #tpu.memory_space<vmem>>
      %dma_start3A_603 = arith.constant 0 : i32
      %dma_start3A_604 = tpu.memref_slice %arg5[%squeeze3A_594, %dma_start3A_603] : memref<1000000x64xf32, #tpu.memory_space<hbm>> -> memref<1x64xf32, #tpu.memory_space<hbm>>
      tpu.enqueue_dma source(%dma_start3A_604 : memref<1x64xf32, #tpu.memory_space<hbm>>) target(%dma_start3A_602 : memref<1x64xf32, #tpu.memory_space<vmem>>) target_semaphore(%arg12 : memref<!tpu.dma_semaphore, #tpu.memory_space<semaphore_mem>>)
      %slice3A_605 = vector.extract_strided_slice %get3A_44 {offsets = [13], sizes = [1], strides = [1]} : vector<16xi32> to vector<1xi32>
      %squeeze3A_606 = vector.extract %slice3A_605[0] : i32 from vector<1xi32>
      %mul3A_607 = arith.constant 3 : i32
      %mul3A_608 = arith.muli %mul3A_607, %add3A_592 : i32
      %add3A_609 = arith.constant 1 : i32
      %add3A_610 = arith.addi %mul3A_608, %add3A_609 : i32
      %dma_start3A_611 = arith.constant 0 : i32
      %dma_start3A_612 = tpu.memref_slice %arg11[%add3A_610, %dma_start3A_611] : memref<768x64xf32, #tpu.memory_space<vmem>> -> memref<1x64xf32, #tpu.memory_space<vmem>>
      %dma_start3A_613 = arith.constant 0 : i32
      %dma_start3A_614 = tpu.memref_slice %arg6[%squeeze3A_606, %dma_start3A_613] : memref<1000x64xf32, #tpu.memory_space<hbm>> -> memref<1x64xf32, #tpu.memory_space<hbm>>
      %dma_start3A_615 = arith.constant 0 : i32
      %dma_start3A_616 = tpu.memref_slice %arg11[%add3A_610, %dma_start3A_615] : memref<768x64xf32, #tpu.memory_space<vmem>> -> memref<1x64xf32, #tpu.memory_space<vmem>>
      %dma_start3A_617 = arith.constant 0 : i32
      %dma_start3A_618 = tpu.memref_slice %arg6[%squeeze3A_606, %dma_start3A_617] : memref<1000x64xf32, #tpu.memory_space<hbm>> -> memref<1x64xf32, #tpu.memory_space<hbm>>
      tpu.enqueue_dma source(%dma_start3A_618 : memref<1x64xf32, #tpu.memory_space<hbm>>) target(%dma_start3A_616 : memref<1x64xf32, #tpu.memory_space<vmem>>) target_semaphore(%arg12 : memref<!tpu.dma_semaphore, #tpu.memory_space<semaphore_mem>>)
      %slice3A_619 = vector.extract_strided_slice %get3A_47 {offsets = [13], sizes = [1], strides = [1]} : vector<16xi32> to vector<1xi32>
      %squeeze3A_620 = vector.extract %slice3A_619[0] : i32 from vector<1xi32>
      %mul3A_621 = arith.constant 3 : i32
      %mul3A_622 = arith.muli %mul3A_621, %add3A_592 : i32
      %add3A_623 = arith.constant 2 : i32
      %add3A_624 = arith.addi %mul3A_622, %add3A_623 : i32
      %dma_start3A_625 = arith.constant 0 : i32
      %dma_start3A_626 = tpu.memref_slice %arg11[%add3A_624, %dma_start3A_625] : memref<768x64xf32, #tpu.memory_space<vmem>> -> memref<1x64xf32, #tpu.memory_space<vmem>>
      %dma_start3A_627 = arith.constant 0 : i32
      %dma_start3A_628 = tpu.memref_slice %arg5[%squeeze3A_620, %dma_start3A_627] : memref<1000000x64xf32, #tpu.memory_space<hbm>> -> memref<1x64xf32, #tpu.memory_space<hbm>>
      %dma_start3A_629 = arith.constant 0 : i32
      %dma_start3A_630 = tpu.memref_slice %arg11[%add3A_624, %dma_start3A_629] : memref<768x64xf32, #tpu.memory_space<vmem>> -> memref<1x64xf32, #tpu.memory_space<vmem>>
      %dma_start3A_631 = arith.constant 0 : i32
      %dma_start3A_632 = tpu.memref_slice %arg5[%squeeze3A_620, %dma_start3A_631] : memref<1000000x64xf32, #tpu.memory_space<hbm>> -> memref<1x64xf32, #tpu.memory_space<hbm>>
      tpu.enqueue_dma source(%dma_start3A_632 : memref<1x64xf32, #tpu.memory_space<hbm>>) target(%dma_start3A_630 : memref<1x64xf32, #tpu.memory_space<vmem>>) target_semaphore(%arg12 : memref<!tpu.dma_semaphore, #tpu.memory_space<semaphore_mem>>)
      %add3A_633 = arith.constant 14 : i32
      %add3A_634 = arith.addi %mul3A_39, %add3A_633 : i32
      %slice3A_635 = vector.extract_strided_slice %get3A_41 {offsets = [14], sizes = [1], strides = [1]} : vector<16xi32> to vector<1xi32>
      %squeeze3A_636 = vector.extract %slice3A_635[0] : i32 from vector<1xi32>
      %mul3A_637 = arith.constant 3 : i32
      %mul3A_638 = arith.muli %mul3A_637, %add3A_634 : i32
      %dma_start3A_639 = arith.constant 0 : i32
      %dma_start3A_640 = tpu.memref_slice %arg11[%mul3A_638, %dma_start3A_639] : memref<768x64xf32, #tpu.memory_space<vmem>> -> memref<1x64xf32, #tpu.memory_space<vmem>>
      %dma_start3A_641 = arith.constant 0 : i32
      %dma_start3A_642 = tpu.memref_slice %arg5[%squeeze3A_636, %dma_start3A_641] : memref<1000000x64xf32, #tpu.memory_space<hbm>> -> memref<1x64xf32, #tpu.memory_space<hbm>>
      %dma_start3A_643 = arith.constant 0 : i32
      %dma_start3A_644 = tpu.memref_slice %arg11[%mul3A_638, %dma_start3A_643] : memref<768x64xf32, #tpu.memory_space<vmem>> -> memref<1x64xf32, #tpu.memory_space<vmem>>
      %dma_start3A_645 = arith.constant 0 : i32
      %dma_start3A_646 = tpu.memref_slice %arg5[%squeeze3A_636, %dma_start3A_645] : memref<1000000x64xf32, #tpu.memory_space<hbm>> -> memref<1x64xf32, #tpu.memory_space<hbm>>
      tpu.enqueue_dma source(%dma_start3A_646 : memref<1x64xf32, #tpu.memory_space<hbm>>) target(%dma_start3A_644 : memref<1x64xf32, #tpu.memory_space<vmem>>) target_semaphore(%arg12 : memref<!tpu.dma_semaphore, #tpu.memory_space<semaphore_mem>>)
      %slice3A_647 = vector.extract_strided_slice %get3A_44 {offsets = [14], sizes = [1], strides = [1]} : vector<16xi32> to vector<1xi32>
      %squeeze3A_648 = vector.extract %slice3A_647[0] : i32 from vector<1xi32>
      %mul3A_649 = arith.constant 3 : i32
      %mul3A_650 = arith.muli %mul3A_649, %add3A_634 : i32
      %add3A_651 = arith.constant 1 : i32
      %add3A_652 = arith.addi %mul3A_650, %add3A_651 : i32
      %dma_start3A_653 = arith.constant 0 : i32
      %dma_start3A_654 = tpu.memref_slice %arg11[%add3A_652, %dma_start3A_653] : memref<768x64xf32, #tpu.memory_space<vmem>> -> memref<1x64xf32, #tpu.memory_space<vmem>>
      %dma_start3A_655 = arith.constant 0 : i32
      %dma_start3A_656 = tpu.memref_slice %arg6[%squeeze3A_648, %dma_start3A_655] : memref<1000x64xf32, #tpu.memory_space<hbm>> -> memref<1x64xf32, #tpu.memory_space<hbm>>
      %dma_start3A_657 = arith.constant 0 : i32
      %dma_start3A_658 = tpu.memref_slice %arg11[%add3A_652, %dma_start3A_657] : memref<768x64xf32, #tpu.memory_space<vmem>> -> memref<1x64xf32, #tpu.memory_space<vmem>>
      %dma_start3A_659 = arith.constant 0 : i32
      %dma_start3A_660 = tpu.memref_slice %arg6[%squeeze3A_648, %dma_start3A_659] : memref<1000x64xf32, #tpu.memory_space<hbm>> -> memref<1x64xf32, #tpu.memory_space<hbm>>
      tpu.enqueue_dma source(%dma_start3A_660 : memref<1x64xf32, #tpu.memory_space<hbm>>) target(%dma_start3A_658 : memref<1x64xf32, #tpu.memory_space<vmem>>) target_semaphore(%arg12 : memref<!tpu.dma_semaphore, #tpu.memory_space<semaphore_mem>>)
      %slice3A_661 = vector.extract_strided_slice %get3A_47 {offsets = [14], sizes = [1], strides = [1]} : vector<16xi32> to vector<1xi32>
      %squeeze3A_662 = vector.extract %slice3A_661[0] : i32 from vector<1xi32>
      %mul3A_663 = arith.constant 3 : i32
      %mul3A_664 = arith.muli %mul3A_663, %add3A_634 : i32
      %add3A_665 = arith.constant 2 : i32
      %add3A_666 = arith.addi %mul3A_664, %add3A_665 : i32
      %dma_start3A_667 = arith.constant 0 : i32
      %dma_start3A_668 = tpu.memref_slice %arg11[%add3A_666, %dma_start3A_667] : memref<768x64xf32, #tpu.memory_space<vmem>> -> memref<1x64xf32, #tpu.memory_space<vmem>>
      %dma_start3A_669 = arith.constant 0 : i32
      %dma_start3A_670 = tpu.memref_slice %arg5[%squeeze3A_662, %dma_start3A_669] : memref<1000000x64xf32, #tpu.memory_space<hbm>> -> memref<1x64xf32, #tpu.memory_space<hbm>>
      %dma_start3A_671 = arith.constant 0 : i32
      %dma_start3A_672 = tpu.memref_slice %arg11[%add3A_666, %dma_start3A_671] : memref<768x64xf32, #tpu.memory_space<vmem>> -> memref<1x64xf32, #tpu.memory_space<vmem>>
      %dma_start3A_673 = arith.constant 0 : i32
      %dma_start3A_674 = tpu.memref_slice %arg5[%squeeze3A_662, %dma_start3A_673] : memref<1000000x64xf32, #tpu.memory_space<hbm>> -> memref<1x64xf32, #tpu.memory_space<hbm>>
      tpu.enqueue_dma source(%dma_start3A_674 : memref<1x64xf32, #tpu.memory_space<hbm>>) target(%dma_start3A_672 : memref<1x64xf32, #tpu.memory_space<vmem>>) target_semaphore(%arg12 : memref<!tpu.dma_semaphore, #tpu.memory_space<semaphore_mem>>)
      %add3A_675 = arith.constant 15 : i32
      %add3A_676 = arith.addi %mul3A_39, %add3A_675 : i32
      %slice3A_677 = vector.extract_strided_slice %get3A_41 {offsets = [15], sizes = [1], strides = [1]} : vector<16xi32> to vector<1xi32>
      %squeeze3A_678 = vector.extract %slice3A_677[0] : i32 from vector<1xi32>
      %mul3A_679 = arith.constant 3 : i32
      %mul3A_680 = arith.muli %mul3A_679, %add3A_676 : i32
      %dma_start3A_681 = arith.constant 0 : i32
      %dma_start3A_682 = tpu.memref_slice %arg11[%mul3A_680, %dma_start3A_681] : memref<768x64xf32, #tpu.memory_space<vmem>> -> memref<1x64xf32, #tpu.memory_space<vmem>>
      %dma_start3A_683 = arith.constant 0 : i32
      %dma_start3A_684 = tpu.memref_slice %arg5[%squeeze3A_678, %dma_start3A_683] : memref<1000000x64xf32, #tpu.memory_space<hbm>> -> memref<1x64xf32, #tpu.memory_space<hbm>>
      %dma_start3A_685 = arith.constant 0 : i32
      %dma_start3A_686 = tpu.memref_slice %arg11[%mul3A_680, %dma_start3A_685] : memref<768x64xf32, #tpu.memory_space<vmem>> -> memref<1x64xf32, #tpu.memory_space<vmem>>
      %dma_start3A_687 = arith.constant 0 : i32
      %dma_start3A_688 = tpu.memref_slice %arg5[%squeeze3A_678, %dma_start3A_687] : memref<1000000x64xf32, #tpu.memory_space<hbm>> -> memref<1x64xf32, #tpu.memory_space<hbm>>
      tpu.enqueue_dma source(%dma_start3A_688 : memref<1x64xf32, #tpu.memory_space<hbm>>) target(%dma_start3A_686 : memref<1x64xf32, #tpu.memory_space<vmem>>) target_semaphore(%arg12 : memref<!tpu.dma_semaphore, #tpu.memory_space<semaphore_mem>>)
      %slice3A_689 = vector.extract_strided_slice %get3A_44 {offsets = [15], sizes = [1], strides = [1]} : vector<16xi32> to vector<1xi32>
      %squeeze3A_690 = vector.extract %slice3A_689[0] : i32 from vector<1xi32>
      %mul3A_691 = arith.constant 3 : i32
      %mul3A_692 = arith.muli %mul3A_691, %add3A_676 : i32
      %add3A_693 = arith.constant 1 : i32
      %add3A_694 = arith.addi %mul3A_692, %add3A_693 : i32
      %dma_start3A_695 = arith.constant 0 : i32
      %dma_start3A_696 = tpu.memref_slice %arg11[%add3A_694, %dma_start3A_695] : memref<768x64xf32, #tpu.memory_space<vmem>> -> memref<1x64xf32, #tpu.memory_space<vmem>>
      %dma_start3A_697 = arith.constant 0 : i32
      %dma_start3A_698 = tpu.memref_slice %arg6[%squeeze3A_690, %dma_start3A_697] : memref<1000x64xf32, #tpu.memory_space<hbm>> -> memref<1x64xf32, #tpu.memory_space<hbm>>
      %dma_start3A_699 = arith.constant 0 : i32
      %dma_start3A_700 = tpu.memref_slice %arg11[%add3A_694, %dma_start3A_699] : memref<768x64xf32, #tpu.memory_space<vmem>> -> memref<1x64xf32, #tpu.memory_space<vmem>>
      %dma_start3A_701 = arith.constant 0 : i32
      %dma_start3A_702 = tpu.memref_slice %arg6[%squeeze3A_690, %dma_start3A_701] : memref<1000x64xf32, #tpu.memory_space<hbm>> -> memref<1x64xf32, #tpu.memory_space<hbm>>
      tpu.enqueue_dma source(%dma_start3A_702 : memref<1x64xf32, #tpu.memory_space<hbm>>) target(%dma_start3A_700 : memref<1x64xf32, #tpu.memory_space<vmem>>) target_semaphore(%arg12 : memref<!tpu.dma_semaphore, #tpu.memory_space<semaphore_mem>>)
      %slice3A_703 = vector.extract_strided_slice %get3A_47 {offsets = [15], sizes = [1], strides = [1]} : vector<16xi32> to vector<1xi32>
      %squeeze3A_704 = vector.extract %slice3A_703[0] : i32 from vector<1xi32>
      %mul3A_705 = arith.constant 3 : i32
      %mul3A_706 = arith.muli %mul3A_705, %add3A_676 : i32
      %add3A_707 = arith.constant 2 : i32
      %add3A_708 = arith.addi %mul3A_706, %add3A_707 : i32
      %dma_start3A_709 = arith.constant 0 : i32
      %dma_start3A_710 = tpu.memref_slice %arg11[%add3A_708, %dma_start3A_709] : memref<768x64xf32, #tpu.memory_space<vmem>> -> memref<1x64xf32, #tpu.memory_space<vmem>>
      %dma_start3A_711 = arith.constant 0 : i32
      %dma_start3A_712 = tpu.memref_slice %arg5[%squeeze3A_704, %dma_start3A_711] : memref<1000000x64xf32, #tpu.memory_space<hbm>> -> memref<1x64xf32, #tpu.memory_space<hbm>>
      %dma_start3A_713 = arith.constant 0 : i32
      %dma_start3A_714 = tpu.memref_slice %arg11[%add3A_708, %dma_start3A_713] : memref<768x64xf32, #tpu.memory_space<vmem>> -> memref<1x64xf32, #tpu.memory_space<vmem>>
      %dma_start3A_715 = arith.constant 0 : i32
      %dma_start3A_716 = tpu.memref_slice %arg5[%squeeze3A_704, %dma_start3A_715] : memref<1000000x64xf32, #tpu.memory_space<hbm>> -> memref<1x64xf32, #tpu.memory_space<hbm>>
      tpu.enqueue_dma source(%dma_start3A_716 : memref<1x64xf32, #tpu.memory_space<hbm>>) target(%dma_start3A_714 : memref<1x64xf32, #tpu.memory_space<vmem>>) target_semaphore(%arg12 : memref<!tpu.dma_semaphore, #tpu.memory_space<semaphore_mem>>)
    }
    %scan3A_8 = arith.constant 16 : i32
    %mul3A_9 = arith.constant 3 : i32
    %mul3A_10 = arith.muli %mul3A_9, %add3A_4 : i32
    %dma_wait3A = arith.constant 0 : i32
    %dma_wait3A_11 = tpu.memref_slice %arg7[%mul3A_10, %dma_wait3A] : memref<49152x64xf32, #tpu.memory_space<hbm>> -> memref<768x64xf32, #tpu.memory_space<hbm>>
    %dma_wait3A_12 = arith.constant 0 : i32
    %dma_wait3A_13 = tpu.memref_slice %arg7[%mul3A_10, %dma_wait3A_12] : memref<49152x64xf32, #tpu.memory_space<hbm>> -> memref<768x64xf32, #tpu.memory_space<hbm>>
    tpu.wait_dma2 semaphore(%arg12 : memref<!tpu.dma_semaphore, #tpu.memory_space<semaphore_mem>>) src(%dma_wait3A_13 : memref<768x64xf32, #tpu.memory_space<hbm>>) dst(%arg11 : memref<768x64xf32, #tpu.memory_space<vmem>>)
    %mul3A_14 = arith.constant 3 : i32
    %mul3A_15 = arith.muli %mul3A_14, %add3A_4 : i32
    "tpu.region"() ({
      %run_scoped3A = tpu.sem_alloc : memref<!tpu.dma_semaphore, #tpu.memory_space<semaphore_mem>>
      %dma_start3A = arith.constant 0 : i32
      %dma_start3A_33 = tpu.memref_slice %arg7[%mul3A_15, %dma_start3A] : memref<49152x64xf32, #tpu.memory_space<hbm>> -> memref<768x64xf32, #tpu.memory_space<hbm>>
      %dma_start3A_34 = arith.constant 0 : i32
      %dma_start3A_35 = tpu.memref_slice %arg7[%mul3A_15, %dma_start3A_34] : memref<49152x64xf32, #tpu.memory_space<hbm>> -> memref<768x64xf32, #tpu.memory_space<hbm>>
      tpu.enqueue_dma source(%arg11 : memref<768x64xf32, #tpu.memory_space<vmem>>) target(%dma_start3A_35 : memref<768x64xf32, #tpu.memory_space<hbm>>) target_semaphore(%run_scoped3A : memref<!tpu.dma_semaphore, #tpu.memory_space<semaphore_mem>>)
      %dma_wait3A_36 = arith.constant 0 : i32
      %dma_wait3A_37 = tpu.memref_slice %arg7[%mul3A_15, %dma_wait3A_36] : memref<49152x64xf32, #tpu.memory_space<hbm>> -> memref<768x64xf32, #tpu.memory_space<hbm>>
      %dma_wait3A_38 = arith.constant 0 : i32
      %dma_wait3A_39 = tpu.memref_slice %arg7[%mul3A_15, %dma_wait3A_38] : memref<49152x64xf32, #tpu.memory_space<hbm>> -> memref<768x64xf32, #tpu.memory_space<hbm>>
      tpu.wait_dma2 semaphore(%run_scoped3A : memref<!tpu.dma_semaphore, #tpu.memory_space<semaphore_mem>>) src(%arg11 : memref<768x64xf32, #tpu.memory_space<vmem>>) dst(%dma_wait3A_39 : memref<768x64xf32, #tpu.memory_space<hbm>>)
      tpu.yield
    }) : () -> ()
    %mul3A_16 = arith.constant 512 : i32
    %mul3A_17 = arith.muli %add3A, %mul3A_16 : i32
    %add3A_18 = arith.constant 256 : i32
    %add3A_19 = arith.addi %mul3A_17, %add3A_18 : i32
    "tpu.region"() ({
      %run_scoped3A = tpu.sem_alloc : memref<!tpu.dma_semaphore, #tpu.memory_space<semaphore_mem>>
      %dma_start3A = tpu.memref_slice %arg2[%add3A_19] : memref<16384xi32, #tpu.memory_space<hbm>> -> memref<256xi32, #tpu.memory_space<hbm>>
      %dma_start3A_33 = tpu.memref_slice %arg2[%add3A_19] : memref<16384xi32, #tpu.memory_space<hbm>> -> memref<256xi32, #tpu.memory_space<hbm>>
      tpu.enqueue_dma source(%dma_start3A_33 : memref<256xi32, #tpu.memory_space<hbm>>) target(%arg8 : memref<256xi32, #tpu.memory_space<vmem>>) target_semaphore(%run_scoped3A : memref<!tpu.dma_semaphore, #tpu.memory_space<semaphore_mem>>)
      %dma_wait3A_34 = tpu.memref_slice %arg2[%add3A_19] : memref<16384xi32, #tpu.memory_space<hbm>> -> memref<256xi32, #tpu.memory_space<hbm>>
      %dma_wait3A_35 = tpu.memref_slice %arg2[%add3A_19] : memref<16384xi32, #tpu.memory_space<hbm>> -> memref<256xi32, #tpu.memory_space<hbm>>
      tpu.wait_dma2 semaphore(%run_scoped3A : memref<!tpu.dma_semaphore, #tpu.memory_space<semaphore_mem>>) src(%dma_wait3A_35 : memref<256xi32, #tpu.memory_space<hbm>>) dst(%arg8 : memref<256xi32, #tpu.memory_space<vmem>>)
      tpu.yield
    }) : () -> ()
    "tpu.region"() ({
      %run_scoped3A = tpu.sem_alloc : memref<!tpu.dma_semaphore, #tpu.memory_space<semaphore_mem>>
      %dma_start3A = tpu.memref_slice %arg3[%add3A_19] : memref<16384xi32, #tpu.memory_space<hbm>> -> memref<256xi32, #tpu.memory_space<hbm>>
      %dma_start3A_33 = tpu.memref_slice %arg3[%add3A_19] : memref<16384xi32, #tpu.memory_space<hbm>> -> memref<256xi32, #tpu.memory_space<hbm>>
      tpu.enqueue_dma source(%dma_start3A_33 : memref<256xi32, #tpu.memory_space<hbm>>) target(%arg9 : memref<256xi32, #tpu.memory_space<vmem>>) target_semaphore(%run_scoped3A : memref<!tpu.dma_semaphore, #tpu.memory_space<semaphore_mem>>)
      %dma_wait3A_34 = tpu.memref_slice %arg3[%add3A_19] : memref<16384xi32, #tpu.memory_space<hbm>> -> memref<256xi32, #tpu.memory_space<hbm>>
      %dma_wait3A_35 = tpu.memref_slice %arg3[%add3A_19] : memref<16384xi32, #tpu.memory_space<hbm>> -> memref<256xi32, #tpu.memory_space<hbm>>
      tpu.wait_dma2 semaphore(%run_scoped3A : memref<!tpu.dma_semaphore, #tpu.memory_space<semaphore_mem>>) src(%dma_wait3A_35 : memref<256xi32, #tpu.memory_space<hbm>>) dst(%arg9 : memref<256xi32, #tpu.memory_space<vmem>>)
      tpu.yield
    }) : () -> ()
    "tpu.region"() ({
      %run_scoped3A = tpu.sem_alloc : memref<!tpu.dma_semaphore, #tpu.memory_space<semaphore_mem>>
      %dma_start3A = tpu.memref_slice %arg4[%add3A_19] : memref<16384xi32, #tpu.memory_space<hbm>> -> memref<256xi32, #tpu.memory_space<hbm>>
      %dma_start3A_33 = tpu.memref_slice %arg4[%add3A_19] : memref<16384xi32, #tpu.memory_space<hbm>> -> memref<256xi32, #tpu.memory_space<hbm>>
      tpu.enqueue_dma source(%dma_start3A_33 : memref<256xi32, #tpu.memory_space<hbm>>) target(%arg10 : memref<256xi32, #tpu.memory_space<vmem>>) target_semaphore(%run_scoped3A : memref<!tpu.dma_semaphore, #tpu.memory_space<semaphore_mem>>)
      %dma_wait3A_34 = tpu.memref_slice %arg4[%add3A_19] : memref<16384xi32, #tpu.memory_space<hbm>> -> memref<256xi32, #tpu.memory_space<hbm>>
      %dma_wait3A_35 = tpu.memref_slice %arg4[%add3A_19] : memref<16384xi32, #tpu.memory_space<hbm>> -> memref<256xi32, #tpu.memory_space<hbm>>
      tpu.wait_dma2 semaphore(%run_scoped3A : memref<!tpu.dma_semaphore, #tpu.memory_space<semaphore_mem>>) src(%dma_wait3A_35 : memref<256xi32, #tpu.memory_space<hbm>>) dst(%arg10 : memref<256xi32, #tpu.memory_space<vmem>>)
      tpu.yield
    }) : () -> ()
    %scan3A_20 = arith.constant 0 : i32
    %scan3A_21 = arith.constant 16 : i32
    %scan3A_22 = arith.addi %scan3A_20, %scan3A_21 : i32
    %scan3A_23 = arith.constant 1 : i32
    scf.for %scan3A_33 = %scan3A_20 to %scan3A_22 step %scan3A_23  : i32 {
      %mul3A_34 = arith.constant 1 : i32
      %mul3A_35 = arith.muli %scan3A_33, %mul3A_34 : i32
      %add3A_36 = arith.constant 0 : i32
      %add3A_37 = arith.addi %add3A_36, %mul3A_35 : i32
      %mul3A_38 = arith.constant 16 : i32
      %mul3A_39 = arith.muli %add3A_37, %mul3A_38 : i32
      %get3A = arith.index_cast %mul3A_39 : i32 to index
      %get3A_40 = tpu.vector_load %arg8[%get3A] {strides = array<i32>} : memref<256xi32, #tpu.memory_space<vmem>>, vector<16xi32>,
      %get3A_41 = vector.shape_cast %get3A_40 : vector<16xi32> to vector<16xi32>
      %get3A_42 = arith.index_cast %mul3A_39 : i32 to index
      %get3A_43 = tpu.vector_load %arg9[%get3A_42] {strides = array<i32>} : memref<256xi32, #tpu.memory_space<vmem>>, vector<16xi32>,
      %get3A_44 = vector.shape_cast %get3A_43 : vector<16xi32> to vector<16xi32>
      %get3A_45 = arith.index_cast %mul3A_39 : i32 to index
      %get3A_46 = tpu.vector_load %arg10[%get3A_45] {strides = array<i32>} : memref<256xi32, #tpu.memory_space<vmem>>, vector<16xi32>,
      %get3A_47 = vector.shape_cast %get3A_46 : vector<16xi32> to vector<16xi32>
      %add3A_48 = arith.constant 0 : i32
      %add3A_49 = arith.addi %mul3A_39, %add3A_48 : i32
      %slice3A = vector.extract_strided_slice %get3A_41 {offsets = [0], sizes = [1], strides = [1]} : vector<16xi32> to vector<1xi32>
      %squeeze3A = vector.extract %slice3A[0] : i32 from vector<1xi32>
      %mul3A_50 = arith.constant 3 : i32
      %mul3A_51 = arith.muli %mul3A_50, %add3A_49 : i32
      %dma_start3A = arith.constant 0 : i32
      %dma_start3A_52 = tpu.memref_slice %arg11[%mul3A_51, %dma_start3A] : memref<768x64xf32, #tpu.memory_space<vmem>> -> memref<1x64xf32, #tpu.memory_space<vmem>>
      %dma_start3A_53 = arith.constant 0 : i32
      %dma_start3A_54 = tpu.memref_slice %arg5[%squeeze3A, %dma_start3A_53] : memref<1000000x64xf32, #tpu.memory_space<hbm>> -> memref<1x64xf32, #tpu.memory_space<hbm>>
      %dma_start3A_55 = arith.constant 0 : i32
      %dma_start3A_56 = tpu.memref_slice %arg11[%mul3A_51, %dma_start3A_55] : memref<768x64xf32, #tpu.memory_space<vmem>> -> memref<1x64xf32, #tpu.memory_space<vmem>>
      %dma_start3A_57 = arith.constant 0 : i32
      %dma_start3A_58 = tpu.memref_slice %arg5[%squeeze3A, %dma_start3A_57] : memref<1000000x64xf32, #tpu.memory_space<hbm>> -> memref<1x64xf32, #tpu.memory_space<hbm>>
      tpu.enqueue_dma source(%dma_start3A_58 : memref<1x64xf32, #tpu.memory_space<hbm>>) target(%dma_start3A_56 : memref<1x64xf32, #tpu.memory_space<vmem>>) target_semaphore(%arg12 : memref<!tpu.dma_semaphore, #tpu.memory_space<semaphore_mem>>)
      %slice3A_59 = vector.extract_strided_slice %get3A_44 {offsets = [0], sizes = [1], strides = [1]} : vector<16xi32> to vector<1xi32>
      %squeeze3A_60 = vector.extract %slice3A_59[0] : i32 from vector<1xi32>
      %mul3A_61 = arith.constant 3 : i32
      %mul3A_62 = arith.muli %mul3A_61, %add3A_49 : i32
      %add3A_63 = arith.constant 1 : i32
      %add3A_64 = arith.addi %mul3A_62, %add3A_63 : i32
      %dma_start3A_65 = arith.constant 0 : i32
      %dma_start3A_66 = tpu.memref_slice %arg11[%add3A_64, %dma_start3A_65] : memref<768x64xf32, #tpu.memory_space<vmem>> -> memref<1x64xf32, #tpu.memory_space<vmem>>
      %dma_start3A_67 = arith.constant 0 : i32
      %dma_start3A_68 = tpu.memref_slice %arg6[%squeeze3A_60, %dma_start3A_67] : memref<1000x64xf32, #tpu.memory_space<hbm>> -> memref<1x64xf32, #tpu.memory_space<hbm>>
      %dma_start3A_69 = arith.constant 0 : i32
      %dma_start3A_70 = tpu.memref_slice %arg11[%add3A_64, %dma_start3A_69] : memref<768x64xf32, #tpu.memory_space<vmem>> -> memref<1x64xf32, #tpu.memory_space<vmem>>
      %dma_start3A_71 = arith.constant 0 : i32
      %dma_start3A_72 = tpu.memref_slice %arg6[%squeeze3A_60, %dma_start3A_71] : memref<1000x64xf32, #tpu.memory_space<hbm>> -> memref<1x64xf32, #tpu.memory_space<hbm>>
      tpu.enqueue_dma source(%dma_start3A_72 : memref<1x64xf32, #tpu.memory_space<hbm>>) target(%dma_start3A_70 : memref<1x64xf32, #tpu.memory_space<vmem>>) target_semaphore(%arg12 : memref<!tpu.dma_semaphore, #tpu.memory_space<semaphore_mem>>)
      %slice3A_73 = vector.extract_strided_slice %get3A_47 {offsets = [0], sizes = [1], strides = [1]} : vector<16xi32> to vector<1xi32>
      %squeeze3A_74 = vector.extract %slice3A_73[0] : i32 from vector<1xi32>
      %mul3A_75 = arith.constant 3 : i32
      %mul3A_76 = arith.muli %mul3A_75, %add3A_49 : i32
      %add3A_77 = arith.constant 2 : i32
      %add3A_78 = arith.addi %mul3A_76, %add3A_77 : i32
      %dma_start3A_79 = arith.constant 0 : i32
      %dma_start3A_80 = tpu.memref_slice %arg11[%add3A_78, %dma_start3A_79] : memref<768x64xf32, #tpu.memory_space<vmem>> -> memref<1x64xf32, #tpu.memory_space<vmem>>
      %dma_start3A_81 = arith.constant 0 : i32
      %dma_start3A_82 = tpu.memref_slice %arg5[%squeeze3A_74, %dma_start3A_81] : memref<1000000x64xf32, #tpu.memory_space<hbm>> -> memref<1x64xf32, #tpu.memory_space<hbm>>
      %dma_start3A_83 = arith.constant 0 : i32
      %dma_start3A_84 = tpu.memref_slice %arg11[%add3A_78, %dma_start3A_83] : memref<768x64xf32, #tpu.memory_space<vmem>> -> memref<1x64xf32, #tpu.memory_space<vmem>>
      %dma_start3A_85 = arith.constant 0 : i32
      %dma_start3A_86 = tpu.memref_slice %arg5[%squeeze3A_74, %dma_start3A_85] : memref<1000000x64xf32, #tpu.memory_space<hbm>> -> memref<1x64xf32, #tpu.memory_space<hbm>>
      tpu.enqueue_dma source(%dma_start3A_86 : memref<1x64xf32, #tpu.memory_space<hbm>>) target(%dma_start3A_84 : memref<1x64xf32, #tpu.memory_space<vmem>>) target_semaphore(%arg12 : memref<!tpu.dma_semaphore, #tpu.memory_space<semaphore_mem>>)
      %add3A_87 = arith.constant 1 : i32
      %add3A_88 = arith.addi %mul3A_39, %add3A_87 : i32
      %slice3A_89 = vector.extract_strided_slice %get3A_41 {offsets = [1], sizes = [1], strides = [1]} : vector<16xi32> to vector<1xi32>
      %squeeze3A_90 = vector.extract %slice3A_89[0] : i32 from vector<1xi32>
      %mul3A_91 = arith.constant 3 : i32
      %mul3A_92 = arith.muli %mul3A_91, %add3A_88 : i32
      %dma_start3A_93 = arith.constant 0 : i32
      %dma_start3A_94 = tpu.memref_slice %arg11[%mul3A_92, %dma_start3A_93] : memref<768x64xf32, #tpu.memory_space<vmem>> -> memref<1x64xf32, #tpu.memory_space<vmem>>
      %dma_start3A_95 = arith.constant 0 : i32
      %dma_start3A_96 = tpu.memref_slice %arg5[%squeeze3A_90, %dma_start3A_95] : memref<1000000x64xf32, #tpu.memory_space<hbm>> -> memref<1x64xf32, #tpu.memory_space<hbm>>
      %dma_start3A_97 = arith.constant 0 : i32
      %dma_start3A_98 = tpu.memref_slice %arg11[%mul3A_92, %dma_start3A_97] : memref<768x64xf32, #tpu.memory_space<vmem>> -> memref<1x64xf32, #tpu.memory_space<vmem>>
      %dma_start3A_99 = arith.constant 0 : i32
      %dma_start3A_100 = tpu.memref_slice %arg5[%squeeze3A_90, %dma_start3A_99] : memref<1000000x64xf32, #tpu.memory_space<hbm>> -> memref<1x64xf32, #tpu.memory_space<hbm>>
      tpu.enqueue_dma source(%dma_start3A_100 : memref<1x64xf32, #tpu.memory_space<hbm>>) target(%dma_start3A_98 : memref<1x64xf32, #tpu.memory_space<vmem>>) target_semaphore(%arg12 : memref<!tpu.dma_semaphore, #tpu.memory_space<semaphore_mem>>)
      %slice3A_101 = vector.extract_strided_slice %get3A_44 {offsets = [1], sizes = [1], strides = [1]} : vector<16xi32> to vector<1xi32>
      %squeeze3A_102 = vector.extract %slice3A_101[0] : i32 from vector<1xi32>
      %mul3A_103 = arith.constant 3 : i32
      %mul3A_104 = arith.muli %mul3A_103, %add3A_88 : i32
      %add3A_105 = arith.constant 1 : i32
      %add3A_106 = arith.addi %mul3A_104, %add3A_105 : i32
      %dma_start3A_107 = arith.constant 0 : i32
      %dma_start3A_108 = tpu.memref_slice %arg11[%add3A_106, %dma_start3A_107] : memref<768x64xf32, #tpu.memory_space<vmem>> -> memref<1x64xf32, #tpu.memory_space<vmem>>
      %dma_start3A_109 = arith.constant 0 : i32
      %dma_start3A_110 = tpu.memref_slice %arg6[%squeeze3A_102, %dma_start3A_109] : memref<1000x64xf32, #tpu.memory_space<hbm>> -> memref<1x64xf32, #tpu.memory_space<hbm>>
      %dma_start3A_111 = arith.constant 0 : i32
      %dma_start3A_112 = tpu.memref_slice %arg11[%add3A_106, %dma_start3A_111] : memref<768x64xf32, #tpu.memory_space<vmem>> -> memref<1x64xf32, #tpu.memory_space<vmem>>
      %dma_start3A_113 = arith.constant 0 : i32
      %dma_start3A_114 = tpu.memref_slice %arg6[%squeeze3A_102, %dma_start3A_113] : memref<1000x64xf32, #tpu.memory_space<hbm>> -> memref<1x64xf32, #tpu.memory_space<hbm>>
      tpu.enqueue_dma source(%dma_start3A_114 : memref<1x64xf32, #tpu.memory_space<hbm>>) target(%dma_start3A_112 : memref<1x64xf32, #tpu.memory_space<vmem>>) target_semaphore(%arg12 : memref<!tpu.dma_semaphore, #tpu.memory_space<semaphore_mem>>)
      %slice3A_115 = vector.extract_strided_slice %get3A_47 {offsets = [1], sizes = [1], strides = [1]} : vector<16xi32> to vector<1xi32>
      %squeeze3A_116 = vector.extract %slice3A_115[0] : i32 from vector<1xi32>
      %mul3A_117 = arith.constant 3 : i32
      %mul3A_118 = arith.muli %mul3A_117, %add3A_88 : i32
      %add3A_119 = arith.constant 2 : i32
      %add3A_120 = arith.addi %mul3A_118, %add3A_119 : i32
      %dma_start3A_121 = arith.constant 0 : i32
      %dma_start3A_122 = tpu.memref_slice %arg11[%add3A_120, %dma_start3A_121] : memref<768x64xf32, #tpu.memory_space<vmem>> -> memref<1x64xf32, #tpu.memory_space<vmem>>
      %dma_start3A_123 = arith.constant 0 : i32
      %dma_start3A_124 = tpu.memref_slice %arg5[%squeeze3A_116, %dma_start3A_123] : memref<1000000x64xf32, #tpu.memory_space<hbm>> -> memref<1x64xf32, #tpu.memory_space<hbm>>
      %dma_start3A_125 = arith.constant 0 : i32
      %dma_start3A_126 = tpu.memref_slice %arg11[%add3A_120, %dma_start3A_125] : memref<768x64xf32, #tpu.memory_space<vmem>> -> memref<1x64xf32, #tpu.memory_space<vmem>>
      %dma_start3A_127 = arith.constant 0 : i32
      %dma_start3A_128 = tpu.memref_slice %arg5[%squeeze3A_116, %dma_start3A_127] : memref<1000000x64xf32, #tpu.memory_space<hbm>> -> memref<1x64xf32, #tpu.memory_space<hbm>>
      tpu.enqueue_dma source(%dma_start3A_128 : memref<1x64xf32, #tpu.memory_space<hbm>>) target(%dma_start3A_126 : memref<1x64xf32, #tpu.memory_space<vmem>>) target_semaphore(%arg12 : memref<!tpu.dma_semaphore, #tpu.memory_space<semaphore_mem>>)
      %add3A_129 = arith.constant 2 : i32
      %add3A_130 = arith.addi %mul3A_39, %add3A_129 : i32
      %slice3A_131 = vector.extract_strided_slice %get3A_41 {offsets = [2], sizes = [1], strides = [1]} : vector<16xi32> to vector<1xi32>
      %squeeze3A_132 = vector.extract %slice3A_131[0] : i32 from vector<1xi32>
      %mul3A_133 = arith.constant 3 : i32
      %mul3A_134 = arith.muli %mul3A_133, %add3A_130 : i32
      %dma_start3A_135 = arith.constant 0 : i32
      %dma_start3A_136 = tpu.memref_slice %arg11[%mul3A_134, %dma_start3A_135] : memref<768x64xf32, #tpu.memory_space<vmem>> -> memref<1x64xf32, #tpu.memory_space<vmem>>
      %dma_start3A_137 = arith.constant 0 : i32
      %dma_start3A_138 = tpu.memref_slice %arg5[%squeeze3A_132, %dma_start3A_137] : memref<1000000x64xf32, #tpu.memory_space<hbm>> -> memref<1x64xf32, #tpu.memory_space<hbm>>
      %dma_start3A_139 = arith.constant 0 : i32
      %dma_start3A_140 = tpu.memref_slice %arg11[%mul3A_134, %dma_start3A_139] : memref<768x64xf32, #tpu.memory_space<vmem>> -> memref<1x64xf32, #tpu.memory_space<vmem>>
      %dma_start3A_141 = arith.constant 0 : i32
      %dma_start3A_142 = tpu.memref_slice %arg5[%squeeze3A_132, %dma_start3A_141] : memref<1000000x64xf32, #tpu.memory_space<hbm>> -> memref<1x64xf32, #tpu.memory_space<hbm>>
      tpu.enqueue_dma source(%dma_start3A_142 : memref<1x64xf32, #tpu.memory_space<hbm>>) target(%dma_start3A_140 : memref<1x64xf32, #tpu.memory_space<vmem>>) target_semaphore(%arg12 : memref<!tpu.dma_semaphore, #tpu.memory_space<semaphore_mem>>)
      %slice3A_143 = vector.extract_strided_slice %get3A_44 {offsets = [2], sizes = [1], strides = [1]} : vector<16xi32> to vector<1xi32>
      %squeeze3A_144 = vector.extract %slice3A_143[0] : i32 from vector<1xi32>
      %mul3A_145 = arith.constant 3 : i32
      %mul3A_146 = arith.muli %mul3A_145, %add3A_130 : i32
      %add3A_147 = arith.constant 1 : i32
      %add3A_148 = arith.addi %mul3A_146, %add3A_147 : i32
      %dma_start3A_149 = arith.constant 0 : i32
      %dma_start3A_150 = tpu.memref_slice %arg11[%add3A_148, %dma_start3A_149] : memref<768x64xf32, #tpu.memory_space<vmem>> -> memref<1x64xf32, #tpu.memory_space<vmem>>
      %dma_start3A_151 = arith.constant 0 : i32
      %dma_start3A_152 = tpu.memref_slice %arg6[%squeeze3A_144, %dma_start3A_151] : memref<1000x64xf32, #tpu.memory_space<hbm>> -> memref<1x64xf32, #tpu.memory_space<hbm>>
      %dma_start3A_153 = arith.constant 0 : i32
      %dma_start3A_154 = tpu.memref_slice %arg11[%add3A_148, %dma_start3A_153] : memref<768x64xf32, #tpu.memory_space<vmem>> -> memref<1x64xf32, #tpu.memory_space<vmem>>
      %dma_start3A_155 = arith.constant 0 : i32
      %dma_start3A_156 = tpu.memref_slice %arg6[%squeeze3A_144, %dma_start3A_155] : memref<1000x64xf32, #tpu.memory_space<hbm>> -> memref<1x64xf32, #tpu.memory_space<hbm>>
      tpu.enqueue_dma source(%dma_start3A_156 : memref<1x64xf32, #tpu.memory_space<hbm>>) target(%dma_start3A_154 : memref<1x64xf32, #tpu.memory_space<vmem>>) target_semaphore(%arg12 : memref<!tpu.dma_semaphore, #tpu.memory_space<semaphore_mem>>)
      %slice3A_157 = vector.extract_strided_slice %get3A_47 {offsets = [2], sizes = [1], strides = [1]} : vector<16xi32> to vector<1xi32>
      %squeeze3A_158 = vector.extract %slice3A_157[0] : i32 from vector<1xi32>
      %mul3A_159 = arith.constant 3 : i32
      %mul3A_160 = arith.muli %mul3A_159, %add3A_130 : i32
      %add3A_161 = arith.constant 2 : i32
      %add3A_162 = arith.addi %mul3A_160, %add3A_161 : i32
      %dma_start3A_163 = arith.constant 0 : i32
      %dma_start3A_164 = tpu.memref_slice %arg11[%add3A_162, %dma_start3A_163] : memref<768x64xf32, #tpu.memory_space<vmem>> -> memref<1x64xf32, #tpu.memory_space<vmem>>
      %dma_start3A_165 = arith.constant 0 : i32
      %dma_start3A_166 = tpu.memref_slice %arg5[%squeeze3A_158, %dma_start3A_165] : memref<1000000x64xf32, #tpu.memory_space<hbm>> -> memref<1x64xf32, #tpu.memory_space<hbm>>
      %dma_start3A_167 = arith.constant 0 : i32
      %dma_start3A_168 = tpu.memref_slice %arg11[%add3A_162, %dma_start3A_167] : memref<768x64xf32, #tpu.memory_space<vmem>> -> memref<1x64xf32, #tpu.memory_space<vmem>>
      %dma_start3A_169 = arith.constant 0 : i32
      %dma_start3A_170 = tpu.memref_slice %arg5[%squeeze3A_158, %dma_start3A_169] : memref<1000000x64xf32, #tpu.memory_space<hbm>> -> memref<1x64xf32, #tpu.memory_space<hbm>>
      tpu.enqueue_dma source(%dma_start3A_170 : memref<1x64xf32, #tpu.memory_space<hbm>>) target(%dma_start3A_168 : memref<1x64xf32, #tpu.memory_space<vmem>>) target_semaphore(%arg12 : memref<!tpu.dma_semaphore, #tpu.memory_space<semaphore_mem>>)
      %add3A_171 = arith.constant 3 : i32
      %add3A_172 = arith.addi %mul3A_39, %add3A_171 : i32
      %slice3A_173 = vector.extract_strided_slice %get3A_41 {offsets = [3], sizes = [1], strides = [1]} : vector<16xi32> to vector<1xi32>
      %squeeze3A_174 = vector.extract %slice3A_173[0] : i32 from vector<1xi32>
      %mul3A_175 = arith.constant 3 : i32
      %mul3A_176 = arith.muli %mul3A_175, %add3A_172 : i32
      %dma_start3A_177 = arith.constant 0 : i32
      %dma_start3A_178 = tpu.memref_slice %arg11[%mul3A_176, %dma_start3A_177] : memref<768x64xf32, #tpu.memory_space<vmem>> -> memref<1x64xf32, #tpu.memory_space<vmem>>
      %dma_start3A_179 = arith.constant 0 : i32
      %dma_start3A_180 = tpu.memref_slice %arg5[%squeeze3A_174, %dma_start3A_179] : memref<1000000x64xf32, #tpu.memory_space<hbm>> -> memref<1x64xf32, #tpu.memory_space<hbm>>
      %dma_start3A_181 = arith.constant 0 : i32
      %dma_start3A_182 = tpu.memref_slice %arg11[%mul3A_176, %dma_start3A_181] : memref<768x64xf32, #tpu.memory_space<vmem>> -> memref<1x64xf32, #tpu.memory_space<vmem>>
      %dma_start3A_183 = arith.constant 0 : i32
      %dma_start3A_184 = tpu.memref_slice %arg5[%squeeze3A_174, %dma_start3A_183] : memref<1000000x64xf32, #tpu.memory_space<hbm>> -> memref<1x64xf32, #tpu.memory_space<hbm>>
      tpu.enqueue_dma source(%dma_start3A_184 : memref<1x64xf32, #tpu.memory_space<hbm>>) target(%dma_start3A_182 : memref<1x64xf32, #tpu.memory_space<vmem>>) target_semaphore(%arg12 : memref<!tpu.dma_semaphore, #tpu.memory_space<semaphore_mem>>)
      %slice3A_185 = vector.extract_strided_slice %get3A_44 {offsets = [3], sizes = [1], strides = [1]} : vector<16xi32> to vector<1xi32>
      %squeeze3A_186 = vector.extract %slice3A_185[0] : i32 from vector<1xi32>
      %mul3A_187 = arith.constant 3 : i32
      %mul3A_188 = arith.muli %mul3A_187, %add3A_172 : i32
      %add3A_189 = arith.constant 1 : i32
      %add3A_190 = arith.addi %mul3A_188, %add3A_189 : i32
      %dma_start3A_191 = arith.constant 0 : i32
      %dma_start3A_192 = tpu.memref_slice %arg11[%add3A_190, %dma_start3A_191] : memref<768x64xf32, #tpu.memory_space<vmem>> -> memref<1x64xf32, #tpu.memory_space<vmem>>
      %dma_start3A_193 = arith.constant 0 : i32
      %dma_start3A_194 = tpu.memref_slice %arg6[%squeeze3A_186, %dma_start3A_193] : memref<1000x64xf32, #tpu.memory_space<hbm>> -> memref<1x64xf32, #tpu.memory_space<hbm>>
      %dma_start3A_195 = arith.constant 0 : i32
      %dma_start3A_196 = tpu.memref_slice %arg11[%add3A_190, %dma_start3A_195] : memref<768x64xf32, #tpu.memory_space<vmem>> -> memref<1x64xf32, #tpu.memory_space<vmem>>
      %dma_start3A_197 = arith.constant 0 : i32
      %dma_start3A_198 = tpu.memref_slice %arg6[%squeeze3A_186, %dma_start3A_197] : memref<1000x64xf32, #tpu.memory_space<hbm>> -> memref<1x64xf32, #tpu.memory_space<hbm>>
      tpu.enqueue_dma source(%dma_start3A_198 : memref<1x64xf32, #tpu.memory_space<hbm>>) target(%dma_start3A_196 : memref<1x64xf32, #tpu.memory_space<vmem>>) target_semaphore(%arg12 : memref<!tpu.dma_semaphore, #tpu.memory_space<semaphore_mem>>)
      %slice3A_199 = vector.extract_strided_slice %get3A_47 {offsets = [3], sizes = [1], strides = [1]} : vector<16xi32> to vector<1xi32>
      %squeeze3A_200 = vector.extract %slice3A_199[0] : i32 from vector<1xi32>
      %mul3A_201 = arith.constant 3 : i32
      %mul3A_202 = arith.muli %mul3A_201, %add3A_172 : i32
      %add3A_203 = arith.constant 2 : i32
      %add3A_204 = arith.addi %mul3A_202, %add3A_203 : i32
      %dma_start3A_205 = arith.constant 0 : i32
      %dma_start3A_206 = tpu.memref_slice %arg11[%add3A_204, %dma_start3A_205] : memref<768x64xf32, #tpu.memory_space<vmem>> -> memref<1x64xf32, #tpu.memory_space<vmem>>
      %dma_start3A_207 = arith.constant 0 : i32
      %dma_start3A_208 = tpu.memref_slice %arg5[%squeeze3A_200, %dma_start3A_207] : memref<1000000x64xf32, #tpu.memory_space<hbm>> -> memref<1x64xf32, #tpu.memory_space<hbm>>
      %dma_start3A_209 = arith.constant 0 : i32
      %dma_start3A_210 = tpu.memref_slice %arg11[%add3A_204, %dma_start3A_209] : memref<768x64xf32, #tpu.memory_space<vmem>> -> memref<1x64xf32, #tpu.memory_space<vmem>>
      %dma_start3A_211 = arith.constant 0 : i32
      %dma_start3A_212 = tpu.memref_slice %arg5[%squeeze3A_200, %dma_start3A_211] : memref<1000000x64xf32, #tpu.memory_space<hbm>> -> memref<1x64xf32, #tpu.memory_space<hbm>>
      tpu.enqueue_dma source(%dma_start3A_212 : memref<1x64xf32, #tpu.memory_space<hbm>>) target(%dma_start3A_210 : memref<1x64xf32, #tpu.memory_space<vmem>>) target_semaphore(%arg12 : memref<!tpu.dma_semaphore, #tpu.memory_space<semaphore_mem>>)
      %add3A_213 = arith.constant 4 : i32
      %add3A_214 = arith.addi %mul3A_39, %add3A_213 : i32
      %slice3A_215 = vector.extract_strided_slice %get3A_41 {offsets = [4], sizes = [1], strides = [1]} : vector<16xi32> to vector<1xi32>
      %squeeze3A_216 = vector.extract %slice3A_215[0] : i32 from vector<1xi32>
      %mul3A_217 = arith.constant 3 : i32
      %mul3A_218 = arith.muli %mul3A_217, %add3A_214 : i32
      %dma_start3A_219 = arith.constant 0 : i32
      %dma_start3A_220 = tpu.memref_slice %arg11[%mul3A_218, %dma_start3A_219] : memref<768x64xf32, #tpu.memory_space<vmem>> -> memref<1x64xf32, #tpu.memory_space<vmem>>
      %dma_start3A_221 = arith.constant 0 : i32
      %dma_start3A_222 = tpu.memref_slice %arg5[%squeeze3A_216, %dma_start3A_221] : memref<1000000x64xf32, #tpu.memory_space<hbm>> -> memref<1x64xf32, #tpu.memory_space<hbm>>
      %dma_start3A_223 = arith.constant 0 : i32
      %dma_start3A_224 = tpu.memref_slice %arg11[%mul3A_218, %dma_start3A_223] : memref<768x64xf32, #tpu.memory_space<vmem>> -> memref<1x64xf32, #tpu.memory_space<vmem>>
      %dma_start3A_225 = arith.constant 0 : i32
      %dma_start3A_226 = tpu.memref_slice %arg5[%squeeze3A_216, %dma_start3A_225] : memref<1000000x64xf32, #tpu.memory_space<hbm>> -> memref<1x64xf32, #tpu.memory_space<hbm>>
      tpu.enqueue_dma source(%dma_start3A_226 : memref<1x64xf32, #tpu.memory_space<hbm>>) target(%dma_start3A_224 : memref<1x64xf32, #tpu.memory_space<vmem>>) target_semaphore(%arg12 : memref<!tpu.dma_semaphore, #tpu.memory_space<semaphore_mem>>)
      %slice3A_227 = vector.extract_strided_slice %get3A_44 {offsets = [4], sizes = [1], strides = [1]} : vector<16xi32> to vector<1xi32>
      %squeeze3A_228 = vector.extract %slice3A_227[0] : i32 from vector<1xi32>
      %mul3A_229 = arith.constant 3 : i32
      %mul3A_230 = arith.muli %mul3A_229, %add3A_214 : i32
      %add3A_231 = arith.constant 1 : i32
      %add3A_232 = arith.addi %mul3A_230, %add3A_231 : i32
      %dma_start3A_233 = arith.constant 0 : i32
      %dma_start3A_234 = tpu.memref_slice %arg11[%add3A_232, %dma_start3A_233] : memref<768x64xf32, #tpu.memory_space<vmem>> -> memref<1x64xf32, #tpu.memory_space<vmem>>
      %dma_start3A_235 = arith.constant 0 : i32
      %dma_start3A_236 = tpu.memref_slice %arg6[%squeeze3A_228, %dma_start3A_235] : memref<1000x64xf32, #tpu.memory_space<hbm>> -> memref<1x64xf32, #tpu.memory_space<hbm>>
      %dma_start3A_237 = arith.constant 0 : i32
      %dma_start3A_238 = tpu.memref_slice %arg11[%add3A_232, %dma_start3A_237] : memref<768x64xf32, #tpu.memory_space<vmem>> -> memref<1x64xf32, #tpu.memory_space<vmem>>
      %dma_start3A_239 = arith.constant 0 : i32
      %dma_start3A_240 = tpu.memref_slice %arg6[%squeeze3A_228, %dma_start3A_239] : memref<1000x64xf32, #tpu.memory_space<hbm>> -> memref<1x64xf32, #tpu.memory_space<hbm>>
      tpu.enqueue_dma source(%dma_start3A_240 : memref<1x64xf32, #tpu.memory_space<hbm>>) target(%dma_start3A_238 : memref<1x64xf32, #tpu.memory_space<vmem>>) target_semaphore(%arg12 : memref<!tpu.dma_semaphore, #tpu.memory_space<semaphore_mem>>)
      %slice3A_241 = vector.extract_strided_slice %get3A_47 {offsets = [4], sizes = [1], strides = [1]} : vector<16xi32> to vector<1xi32>
      %squeeze3A_242 = vector.extract %slice3A_241[0] : i32 from vector<1xi32>
      %mul3A_243 = arith.constant 3 : i32
      %mul3A_244 = arith.muli %mul3A_243, %add3A_214 : i32
      %add3A_245 = arith.constant 2 : i32
      %add3A_246 = arith.addi %mul3A_244, %add3A_245 : i32
      %dma_start3A_247 = arith.constant 0 : i32
      %dma_start3A_248 = tpu.memref_slice %arg11[%add3A_246, %dma_start3A_247] : memref<768x64xf32, #tpu.memory_space<vmem>> -> memref<1x64xf32, #tpu.memory_space<vmem>>
      %dma_start3A_249 = arith.constant 0 : i32
      %dma_start3A_250 = tpu.memref_slice %arg5[%squeeze3A_242, %dma_start3A_249] : memref<1000000x64xf32, #tpu.memory_space<hbm>> -> memref<1x64xf32, #tpu.memory_space<hbm>>
      %dma_start3A_251 = arith.constant 0 : i32
      %dma_start3A_252 = tpu.memref_slice %arg11[%add3A_246, %dma_start3A_251] : memref<768x64xf32, #tpu.memory_space<vmem>> -> memref<1x64xf32, #tpu.memory_space<vmem>>
      %dma_start3A_253 = arith.constant 0 : i32
      %dma_start3A_254 = tpu.memref_slice %arg5[%squeeze3A_242, %dma_start3A_253] : memref<1000000x64xf32, #tpu.memory_space<hbm>> -> memref<1x64xf32, #tpu.memory_space<hbm>>
      tpu.enqueue_dma source(%dma_start3A_254 : memref<1x64xf32, #tpu.memory_space<hbm>>) target(%dma_start3A_252 : memref<1x64xf32, #tpu.memory_space<vmem>>) target_semaphore(%arg12 : memref<!tpu.dma_semaphore, #tpu.memory_space<semaphore_mem>>)
      %add3A_255 = arith.constant 5 : i32
      %add3A_256 = arith.addi %mul3A_39, %add3A_255 : i32
      %slice3A_257 = vector.extract_strided_slice %get3A_41 {offsets = [5], sizes = [1], strides = [1]} : vector<16xi32> to vector<1xi32>
      %squeeze3A_258 = vector.extract %slice3A_257[0] : i32 from vector<1xi32>
      %mul3A_259 = arith.constant 3 : i32
      %mul3A_260 = arith.muli %mul3A_259, %add3A_256 : i32
      %dma_start3A_261 = arith.constant 0 : i32
      %dma_start3A_262 = tpu.memref_slice %arg11[%mul3A_260, %dma_start3A_261] : memref<768x64xf32, #tpu.memory_space<vmem>> -> memref<1x64xf32, #tpu.memory_space<vmem>>
      %dma_start3A_263 = arith.constant 0 : i32
      %dma_start3A_264 = tpu.memref_slice %arg5[%squeeze3A_258, %dma_start3A_263] : memref<1000000x64xf32, #tpu.memory_space<hbm>> -> memref<1x64xf32, #tpu.memory_space<hbm>>
      %dma_start3A_265 = arith.constant 0 : i32
      %dma_start3A_266 = tpu.memref_slice %arg11[%mul3A_260, %dma_start3A_265] : memref<768x64xf32, #tpu.memory_space<vmem>> -> memref<1x64xf32, #tpu.memory_space<vmem>>
      %dma_start3A_267 = arith.constant 0 : i32
      %dma_start3A_268 = tpu.memref_slice %arg5[%squeeze3A_258, %dma_start3A_267] : memref<1000000x64xf32, #tpu.memory_space<hbm>> -> memref<1x64xf32, #tpu.memory_space<hbm>>
      tpu.enqueue_dma source(%dma_start3A_268 : memref<1x64xf32, #tpu.memory_space<hbm>>) target(%dma_start3A_266 : memref<1x64xf32, #tpu.memory_space<vmem>>) target_semaphore(%arg12 : memref<!tpu.dma_semaphore, #tpu.memory_space<semaphore_mem>>)
      %slice3A_269 = vector.extract_strided_slice %get3A_44 {offsets = [5], sizes = [1], strides = [1]} : vector<16xi32> to vector<1xi32>
      %squeeze3A_270 = vector.extract %slice3A_269[0] : i32 from vector<1xi32>
      %mul3A_271 = arith.constant 3 : i32
      %mul3A_272 = arith.muli %mul3A_271, %add3A_256 : i32
      %add3A_273 = arith.constant 1 : i32
      %add3A_274 = arith.addi %mul3A_272, %add3A_273 : i32
      %dma_start3A_275 = arith.constant 0 : i32
      %dma_start3A_276 = tpu.memref_slice %arg11[%add3A_274, %dma_start3A_275] : memref<768x64xf32, #tpu.memory_space<vmem>> -> memref<1x64xf32, #tpu.memory_space<vmem>>
      %dma_start3A_277 = arith.constant 0 : i32
      %dma_start3A_278 = tpu.memref_slice %arg6[%squeeze3A_270, %dma_start3A_277] : memref<1000x64xf32, #tpu.memory_space<hbm>> -> memref<1x64xf32, #tpu.memory_space<hbm>>
      %dma_start3A_279 = arith.constant 0 : i32
      %dma_start3A_280 = tpu.memref_slice %arg11[%add3A_274, %dma_start3A_279] : memref<768x64xf32, #tpu.memory_space<vmem>> -> memref<1x64xf32, #tpu.memory_space<vmem>>
      %dma_start3A_281 = arith.constant 0 : i32
      %dma_start3A_282 = tpu.memref_slice %arg6[%squeeze3A_270, %dma_start3A_281] : memref<1000x64xf32, #tpu.memory_space<hbm>> -> memref<1x64xf32, #tpu.memory_space<hbm>>
      tpu.enqueue_dma source(%dma_start3A_282 : memref<1x64xf32, #tpu.memory_space<hbm>>) target(%dma_start3A_280 : memref<1x64xf32, #tpu.memory_space<vmem>>) target_semaphore(%arg12 : memref<!tpu.dma_semaphore, #tpu.memory_space<semaphore_mem>>)
      %slice3A_283 = vector.extract_strided_slice %get3A_47 {offsets = [5], sizes = [1], strides = [1]} : vector<16xi32> to vector<1xi32>
      %squeeze3A_284 = vector.extract %slice3A_283[0] : i32 from vector<1xi32>
      %mul3A_285 = arith.constant 3 : i32
      %mul3A_286 = arith.muli %mul3A_285, %add3A_256 : i32
      %add3A_287 = arith.constant 2 : i32
      %add3A_288 = arith.addi %mul3A_286, %add3A_287 : i32
      %dma_start3A_289 = arith.constant 0 : i32
      %dma_start3A_290 = tpu.memref_slice %arg11[%add3A_288, %dma_start3A_289] : memref<768x64xf32, #tpu.memory_space<vmem>> -> memref<1x64xf32, #tpu.memory_space<vmem>>
      %dma_start3A_291 = arith.constant 0 : i32
      %dma_start3A_292 = tpu.memref_slice %arg5[%squeeze3A_284, %dma_start3A_291] : memref<1000000x64xf32, #tpu.memory_space<hbm>> -> memref<1x64xf32, #tpu.memory_space<hbm>>
      %dma_start3A_293 = arith.constant 0 : i32
      %dma_start3A_294 = tpu.memref_slice %arg11[%add3A_288, %dma_start3A_293] : memref<768x64xf32, #tpu.memory_space<vmem>> -> memref<1x64xf32, #tpu.memory_space<vmem>>
      %dma_start3A_295 = arith.constant 0 : i32
      %dma_start3A_296 = tpu.memref_slice %arg5[%squeeze3A_284, %dma_start3A_295] : memref<1000000x64xf32, #tpu.memory_space<hbm>> -> memref<1x64xf32, #tpu.memory_space<hbm>>
      tpu.enqueue_dma source(%dma_start3A_296 : memref<1x64xf32, #tpu.memory_space<hbm>>) target(%dma_start3A_294 : memref<1x64xf32, #tpu.memory_space<vmem>>) target_semaphore(%arg12 : memref<!tpu.dma_semaphore, #tpu.memory_space<semaphore_mem>>)
      %add3A_297 = arith.constant 6 : i32
      %add3A_298 = arith.addi %mul3A_39, %add3A_297 : i32
      %slice3A_299 = vector.extract_strided_slice %get3A_41 {offsets = [6], sizes = [1], strides = [1]} : vector<16xi32> to vector<1xi32>
      %squeeze3A_300 = vector.extract %slice3A_299[0] : i32 from vector<1xi32>
      %mul3A_301 = arith.constant 3 : i32
      %mul3A_302 = arith.muli %mul3A_301, %add3A_298 : i32
      %dma_start3A_303 = arith.constant 0 : i32
      %dma_start3A_304 = tpu.memref_slice %arg11[%mul3A_302, %dma_start3A_303] : memref<768x64xf32, #tpu.memory_space<vmem>> -> memref<1x64xf32, #tpu.memory_space<vmem>>
      %dma_start3A_305 = arith.constant 0 : i32
      %dma_start3A_306 = tpu.memref_slice %arg5[%squeeze3A_300, %dma_start3A_305] : memref<1000000x64xf32, #tpu.memory_space<hbm>> -> memref<1x64xf32, #tpu.memory_space<hbm>>
      %dma_start3A_307 = arith.constant 0 : i32
      %dma_start3A_308 = tpu.memref_slice %arg11[%mul3A_302, %dma_start3A_307] : memref<768x64xf32, #tpu.memory_space<vmem>> -> memref<1x64xf32, #tpu.memory_space<vmem>>
      %dma_start3A_309 = arith.constant 0 : i32
      %dma_start3A_310 = tpu.memref_slice %arg5[%squeeze3A_300, %dma_start3A_309] : memref<1000000x64xf32, #tpu.memory_space<hbm>> -> memref<1x64xf32, #tpu.memory_space<hbm>>
      tpu.enqueue_dma source(%dma_start3A_310 : memref<1x64xf32, #tpu.memory_space<hbm>>) target(%dma_start3A_308 : memref<1x64xf32, #tpu.memory_space<vmem>>) target_semaphore(%arg12 : memref<!tpu.dma_semaphore, #tpu.memory_space<semaphore_mem>>)
      %slice3A_311 = vector.extract_strided_slice %get3A_44 {offsets = [6], sizes = [1], strides = [1]} : vector<16xi32> to vector<1xi32>
      %squeeze3A_312 = vector.extract %slice3A_311[0] : i32 from vector<1xi32>
      %mul3A_313 = arith.constant 3 : i32
      %mul3A_314 = arith.muli %mul3A_313, %add3A_298 : i32
      %add3A_315 = arith.constant 1 : i32
      %add3A_316 = arith.addi %mul3A_314, %add3A_315 : i32
      %dma_start3A_317 = arith.constant 0 : i32
      %dma_start3A_318 = tpu.memref_slice %arg11[%add3A_316, %dma_start3A_317] : memref<768x64xf32, #tpu.memory_space<vmem>> -> memref<1x64xf32, #tpu.memory_space<vmem>>
      %dma_start3A_319 = arith.constant 0 : i32
      %dma_start3A_320 = tpu.memref_slice %arg6[%squeeze3A_312, %dma_start3A_319] : memref<1000x64xf32, #tpu.memory_space<hbm>> -> memref<1x64xf32, #tpu.memory_space<hbm>>
      %dma_start3A_321 = arith.constant 0 : i32
      %dma_start3A_322 = tpu.memref_slice %arg11[%add3A_316, %dma_start3A_321] : memref<768x64xf32, #tpu.memory_space<vmem>> -> memref<1x64xf32, #tpu.memory_space<vmem>>
      %dma_start3A_323 = arith.constant 0 : i32
      %dma_start3A_324 = tpu.memref_slice %arg6[%squeeze3A_312, %dma_start3A_323] : memref<1000x64xf32, #tpu.memory_space<hbm>> -> memref<1x64xf32, #tpu.memory_space<hbm>>
      tpu.enqueue_dma source(%dma_start3A_324 : memref<1x64xf32, #tpu.memory_space<hbm>>) target(%dma_start3A_322 : memref<1x64xf32, #tpu.memory_space<vmem>>) target_semaphore(%arg12 : memref<!tpu.dma_semaphore, #tpu.memory_space<semaphore_mem>>)
      %slice3A_325 = vector.extract_strided_slice %get3A_47 {offsets = [6], sizes = [1], strides = [1]} : vector<16xi32> to vector<1xi32>
      %squeeze3A_326 = vector.extract %slice3A_325[0] : i32 from vector<1xi32>
      %mul3A_327 = arith.constant 3 : i32
      %mul3A_328 = arith.muli %mul3A_327, %add3A_298 : i32
      %add3A_329 = arith.constant 2 : i32
      %add3A_330 = arith.addi %mul3A_328, %add3A_329 : i32
      %dma_start3A_331 = arith.constant 0 : i32
      %dma_start3A_332 = tpu.memref_slice %arg11[%add3A_330, %dma_start3A_331] : memref<768x64xf32, #tpu.memory_space<vmem>> -> memref<1x64xf32, #tpu.memory_space<vmem>>
      %dma_start3A_333 = arith.constant 0 : i32
      %dma_start3A_334 = tpu.memref_slice %arg5[%squeeze3A_326, %dma_start3A_333] : memref<1000000x64xf32, #tpu.memory_space<hbm>> -> memref<1x64xf32, #tpu.memory_space<hbm>>
      %dma_start3A_335 = arith.constant 0 : i32
      %dma_start3A_336 = tpu.memref_slice %arg11[%add3A_330, %dma_start3A_335] : memref<768x64xf32, #tpu.memory_space<vmem>> -> memref<1x64xf32, #tpu.memory_space<vmem>>
      %dma_start3A_337 = arith.constant 0 : i32
      %dma_start3A_338 = tpu.memref_slice %arg5[%squeeze3A_326, %dma_start3A_337] : memref<1000000x64xf32, #tpu.memory_space<hbm>> -> memref<1x64xf32, #tpu.memory_space<hbm>>
      tpu.enqueue_dma source(%dma_start3A_338 : memref<1x64xf32, #tpu.memory_space<hbm>>) target(%dma_start3A_336 : memref<1x64xf32, #tpu.memory_space<vmem>>) target_semaphore(%arg12 : memref<!tpu.dma_semaphore, #tpu.memory_space<semaphore_mem>>)
      %add3A_339 = arith.constant 7 : i32
      %add3A_340 = arith.addi %mul3A_39, %add3A_339 : i32
      %slice3A_341 = vector.extract_strided_slice %get3A_41 {offsets = [7], sizes = [1], strides = [1]} : vector<16xi32> to vector<1xi32>
      %squeeze3A_342 = vector.extract %slice3A_341[0] : i32 from vector<1xi32>
      %mul3A_343 = arith.constant 3 : i32
      %mul3A_344 = arith.muli %mul3A_343, %add3A_340 : i32
      %dma_start3A_345 = arith.constant 0 : i32
      %dma_start3A_346 = tpu.memref_slice %arg11[%mul3A_344, %dma_start3A_345] : memref<768x64xf32, #tpu.memory_space<vmem>> -> memref<1x64xf32, #tpu.memory_space<vmem>>
      %dma_start3A_347 = arith.constant 0 : i32
      %dma_start3A_348 = tpu.memref_slice %arg5[%squeeze3A_342, %dma_start3A_347] : memref<1000000x64xf32, #tpu.memory_space<hbm>> -> memref<1x64xf32, #tpu.memory_space<hbm>>
      %dma_start3A_349 = arith.constant 0 : i32
      %dma_start3A_350 = tpu.memref_slice %arg11[%mul3A_344, %dma_start3A_349] : memref<768x64xf32, #tpu.memory_space<vmem>> -> memref<1x64xf32, #tpu.memory_space<vmem>>
      %dma_start3A_351 = arith.constant 0 : i32
      %dma_start3A_352 = tpu.memref_slice %arg5[%squeeze3A_342, %dma_start3A_351] : memref<1000000x64xf32, #tpu.memory_space<hbm>> -> memref<1x64xf32, #tpu.memory_space<hbm>>
      tpu.enqueue_dma source(%dma_start3A_352 : memref<1x64xf32, #tpu.memory_space<hbm>>) target(%dma_start3A_350 : memref<1x64xf32, #tpu.memory_space<vmem>>) target_semaphore(%arg12 : memref<!tpu.dma_semaphore, #tpu.memory_space<semaphore_mem>>)
      %slice3A_353 = vector.extract_strided_slice %get3A_44 {offsets = [7], sizes = [1], strides = [1]} : vector<16xi32> to vector<1xi32>
      %squeeze3A_354 = vector.extract %slice3A_353[0] : i32 from vector<1xi32>
      %mul3A_355 = arith.constant 3 : i32
      %mul3A_356 = arith.muli %mul3A_355, %add3A_340 : i32
      %add3A_357 = arith.constant 1 : i32
      %add3A_358 = arith.addi %mul3A_356, %add3A_357 : i32
      %dma_start3A_359 = arith.constant 0 : i32
      %dma_start3A_360 = tpu.memref_slice %arg11[%add3A_358, %dma_start3A_359] : memref<768x64xf32, #tpu.memory_space<vmem>> -> memref<1x64xf32, #tpu.memory_space<vmem>>
      %dma_start3A_361 = arith.constant 0 : i32
      %dma_start3A_362 = tpu.memref_slice %arg6[%squeeze3A_354, %dma_start3A_361] : memref<1000x64xf32, #tpu.memory_space<hbm>> -> memref<1x64xf32, #tpu.memory_space<hbm>>
      %dma_start3A_363 = arith.constant 0 : i32
      %dma_start3A_364 = tpu.memref_slice %arg11[%add3A_358, %dma_start3A_363] : memref<768x64xf32, #tpu.memory_space<vmem>> -> memref<1x64xf32, #tpu.memory_space<vmem>>
      %dma_start3A_365 = arith.constant 0 : i32
      %dma_start3A_366 = tpu.memref_slice %arg6[%squeeze3A_354, %dma_start3A_365] : memref<1000x64xf32, #tpu.memory_space<hbm>> -> memref<1x64xf32, #tpu.memory_space<hbm>>
      tpu.enqueue_dma source(%dma_start3A_366 : memref<1x64xf32, #tpu.memory_space<hbm>>) target(%dma_start3A_364 : memref<1x64xf32, #tpu.memory_space<vmem>>) target_semaphore(%arg12 : memref<!tpu.dma_semaphore, #tpu.memory_space<semaphore_mem>>)
      %slice3A_367 = vector.extract_strided_slice %get3A_47 {offsets = [7], sizes = [1], strides = [1]} : vector<16xi32> to vector<1xi32>
      %squeeze3A_368 = vector.extract %slice3A_367[0] : i32 from vector<1xi32>
      %mul3A_369 = arith.constant 3 : i32
      %mul3A_370 = arith.muli %mul3A_369, %add3A_340 : i32
      %add3A_371 = arith.constant 2 : i32
      %add3A_372 = arith.addi %mul3A_370, %add3A_371 : i32
      %dma_start3A_373 = arith.constant 0 : i32
      %dma_start3A_374 = tpu.memref_slice %arg11[%add3A_372, %dma_start3A_373] : memref<768x64xf32, #tpu.memory_space<vmem>> -> memref<1x64xf32, #tpu.memory_space<vmem>>
      %dma_start3A_375 = arith.constant 0 : i32
      %dma_start3A_376 = tpu.memref_slice %arg5[%squeeze3A_368, %dma_start3A_375] : memref<1000000x64xf32, #tpu.memory_space<hbm>> -> memref<1x64xf32, #tpu.memory_space<hbm>>
      %dma_start3A_377 = arith.constant 0 : i32
      %dma_start3A_378 = tpu.memref_slice %arg11[%add3A_372, %dma_start3A_377] : memref<768x64xf32, #tpu.memory_space<vmem>> -> memref<1x64xf32, #tpu.memory_space<vmem>>
      %dma_start3A_379 = arith.constant 0 : i32
      %dma_start3A_380 = tpu.memref_slice %arg5[%squeeze3A_368, %dma_start3A_379] : memref<1000000x64xf32, #tpu.memory_space<hbm>> -> memref<1x64xf32, #tpu.memory_space<hbm>>
      tpu.enqueue_dma source(%dma_start3A_380 : memref<1x64xf32, #tpu.memory_space<hbm>>) target(%dma_start3A_378 : memref<1x64xf32, #tpu.memory_space<vmem>>) target_semaphore(%arg12 : memref<!tpu.dma_semaphore, #tpu.memory_space<semaphore_mem>>)
      %add3A_381 = arith.constant 8 : i32
      %add3A_382 = arith.addi %mul3A_39, %add3A_381 : i32
      %slice3A_383 = vector.extract_strided_slice %get3A_41 {offsets = [8], sizes = [1], strides = [1]} : vector<16xi32> to vector<1xi32>
      %squeeze3A_384 = vector.extract %slice3A_383[0] : i32 from vector<1xi32>
      %mul3A_385 = arith.constant 3 : i32
      %mul3A_386 = arith.muli %mul3A_385, %add3A_382 : i32
      %dma_start3A_387 = arith.constant 0 : i32
      %dma_start3A_388 = tpu.memref_slice %arg11[%mul3A_386, %dma_start3A_387] : memref<768x64xf32, #tpu.memory_space<vmem>> -> memref<1x64xf32, #tpu.memory_space<vmem>>
      %dma_start3A_389 = arith.constant 0 : i32
      %dma_start3A_390 = tpu.memref_slice %arg5[%squeeze3A_384, %dma_start3A_389] : memref<1000000x64xf32, #tpu.memory_space<hbm>> -> memref<1x64xf32, #tpu.memory_space<hbm>>
      %dma_start3A_391 = arith.constant 0 : i32
      %dma_start3A_392 = tpu.memref_slice %arg11[%mul3A_386, %dma_start3A_391] : memref<768x64xf32, #tpu.memory_space<vmem>> -> memref<1x64xf32, #tpu.memory_space<vmem>>
      %dma_start3A_393 = arith.constant 0 : i32
      %dma_start3A_394 = tpu.memref_slice %arg5[%squeeze3A_384, %dma_start3A_393] : memref<1000000x64xf32, #tpu.memory_space<hbm>> -> memref<1x64xf32, #tpu.memory_space<hbm>>
      tpu.enqueue_dma source(%dma_start3A_394 : memref<1x64xf32, #tpu.memory_space<hbm>>) target(%dma_start3A_392 : memref<1x64xf32, #tpu.memory_space<vmem>>) target_semaphore(%arg12 : memref<!tpu.dma_semaphore, #tpu.memory_space<semaphore_mem>>)
      %slice3A_395 = vector.extract_strided_slice %get3A_44 {offsets = [8], sizes = [1], strides = [1]} : vector<16xi32> to vector<1xi32>
      %squeeze3A_396 = vector.extract %slice3A_395[0] : i32 from vector<1xi32>
      %mul3A_397 = arith.constant 3 : i32
      %mul3A_398 = arith.muli %mul3A_397, %add3A_382 : i32
      %add3A_399 = arith.constant 1 : i32
      %add3A_400 = arith.addi %mul3A_398, %add3A_399 : i32
      %dma_start3A_401 = arith.constant 0 : i32
      %dma_start3A_402 = tpu.memref_slice %arg11[%add3A_400, %dma_start3A_401] : memref<768x64xf32, #tpu.memory_space<vmem>> -> memref<1x64xf32, #tpu.memory_space<vmem>>
      %dma_start3A_403 = arith.constant 0 : i32
      %dma_start3A_404 = tpu.memref_slice %arg6[%squeeze3A_396, %dma_start3A_403] : memref<1000x64xf32, #tpu.memory_space<hbm>> -> memref<1x64xf32, #tpu.memory_space<hbm>>
      %dma_start3A_405 = arith.constant 0 : i32
      %dma_start3A_406 = tpu.memref_slice %arg11[%add3A_400, %dma_start3A_405] : memref<768x64xf32, #tpu.memory_space<vmem>> -> memref<1x64xf32, #tpu.memory_space<vmem>>
      %dma_start3A_407 = arith.constant 0 : i32
      %dma_start3A_408 = tpu.memref_slice %arg6[%squeeze3A_396, %dma_start3A_407] : memref<1000x64xf32, #tpu.memory_space<hbm>> -> memref<1x64xf32, #tpu.memory_space<hbm>>
      tpu.enqueue_dma source(%dma_start3A_408 : memref<1x64xf32, #tpu.memory_space<hbm>>) target(%dma_start3A_406 : memref<1x64xf32, #tpu.memory_space<vmem>>) target_semaphore(%arg12 : memref<!tpu.dma_semaphore, #tpu.memory_space<semaphore_mem>>)
      %slice3A_409 = vector.extract_strided_slice %get3A_47 {offsets = [8], sizes = [1], strides = [1]} : vector<16xi32> to vector<1xi32>
      %squeeze3A_410 = vector.extract %slice3A_409[0] : i32 from vector<1xi32>
      %mul3A_411 = arith.constant 3 : i32
      %mul3A_412 = arith.muli %mul3A_411, %add3A_382 : i32
      %add3A_413 = arith.constant 2 : i32
      %add3A_414 = arith.addi %mul3A_412, %add3A_413 : i32
      %dma_start3A_415 = arith.constant 0 : i32
      %dma_start3A_416 = tpu.memref_slice %arg11[%add3A_414, %dma_start3A_415] : memref<768x64xf32, #tpu.memory_space<vmem>> -> memref<1x64xf32, #tpu.memory_space<vmem>>
      %dma_start3A_417 = arith.constant 0 : i32
      %dma_start3A_418 = tpu.memref_slice %arg5[%squeeze3A_410, %dma_start3A_417] : memref<1000000x64xf32, #tpu.memory_space<hbm>> -> memref<1x64xf32, #tpu.memory_space<hbm>>
      %dma_start3A_419 = arith.constant 0 : i32
      %dma_start3A_420 = tpu.memref_slice %arg11[%add3A_414, %dma_start3A_419] : memref<768x64xf32, #tpu.memory_space<vmem>> -> memref<1x64xf32, #tpu.memory_space<vmem>>
      %dma_start3A_421 = arith.constant 0 : i32
      %dma_start3A_422 = tpu.memref_slice %arg5[%squeeze3A_410, %dma_start3A_421] : memref<1000000x64xf32, #tpu.memory_space<hbm>> -> memref<1x64xf32, #tpu.memory_space<hbm>>
      tpu.enqueue_dma source(%dma_start3A_422 : memref<1x64xf32, #tpu.memory_space<hbm>>) target(%dma_start3A_420 : memref<1x64xf32, #tpu.memory_space<vmem>>) target_semaphore(%arg12 : memref<!tpu.dma_semaphore, #tpu.memory_space<semaphore_mem>>)
      %add3A_423 = arith.constant 9 : i32
      %add3A_424 = arith.addi %mul3A_39, %add3A_423 : i32
      %slice3A_425 = vector.extract_strided_slice %get3A_41 {offsets = [9], sizes = [1], strides = [1]} : vector<16xi32> to vector<1xi32>
      %squeeze3A_426 = vector.extract %slice3A_425[0] : i32 from vector<1xi32>
      %mul3A_427 = arith.constant 3 : i32
      %mul3A_428 = arith.muli %mul3A_427, %add3A_424 : i32
      %dma_start3A_429 = arith.constant 0 : i32
      %dma_start3A_430 = tpu.memref_slice %arg11[%mul3A_428, %dma_start3A_429] : memref<768x64xf32, #tpu.memory_space<vmem>> -> memref<1x64xf32, #tpu.memory_space<vmem>>
      %dma_start3A_431 = arith.constant 0 : i32
      %dma_start3A_432 = tpu.memref_slice %arg5[%squeeze3A_426, %dma_start3A_431] : memref<1000000x64xf32, #tpu.memory_space<hbm>> -> memref<1x64xf32, #tpu.memory_space<hbm>>
      %dma_start3A_433 = arith.constant 0 : i32
      %dma_start3A_434 = tpu.memref_slice %arg11[%mul3A_428, %dma_start3A_433] : memref<768x64xf32, #tpu.memory_space<vmem>> -> memref<1x64xf32, #tpu.memory_space<vmem>>
      %dma_start3A_435 = arith.constant 0 : i32
      %dma_start3A_436 = tpu.memref_slice %arg5[%squeeze3A_426, %dma_start3A_435] : memref<1000000x64xf32, #tpu.memory_space<hbm>> -> memref<1x64xf32, #tpu.memory_space<hbm>>
      tpu.enqueue_dma source(%dma_start3A_436 : memref<1x64xf32, #tpu.memory_space<hbm>>) target(%dma_start3A_434 : memref<1x64xf32, #tpu.memory_space<vmem>>) target_semaphore(%arg12 : memref<!tpu.dma_semaphore, #tpu.memory_space<semaphore_mem>>)
      %slice3A_437 = vector.extract_strided_slice %get3A_44 {offsets = [9], sizes = [1], strides = [1]} : vector<16xi32> to vector<1xi32>
      %squeeze3A_438 = vector.extract %slice3A_437[0] : i32 from vector<1xi32>
      %mul3A_439 = arith.constant 3 : i32
      %mul3A_440 = arith.muli %mul3A_439, %add3A_424 : i32
      %add3A_441 = arith.constant 1 : i32
      %add3A_442 = arith.addi %mul3A_440, %add3A_441 : i32
      %dma_start3A_443 = arith.constant 0 : i32
      %dma_start3A_444 = tpu.memref_slice %arg11[%add3A_442, %dma_start3A_443] : memref<768x64xf32, #tpu.memory_space<vmem>> -> memref<1x64xf32, #tpu.memory_space<vmem>>
      %dma_start3A_445 = arith.constant 0 : i32
      %dma_start3A_446 = tpu.memref_slice %arg6[%squeeze3A_438, %dma_start3A_445] : memref<1000x64xf32, #tpu.memory_space<hbm>> -> memref<1x64xf32, #tpu.memory_space<hbm>>
      %dma_start3A_447 = arith.constant 0 : i32
      %dma_start3A_448 = tpu.memref_slice %arg11[%add3A_442, %dma_start3A_447] : memref<768x64xf32, #tpu.memory_space<vmem>> -> memref<1x64xf32, #tpu.memory_space<vmem>>
      %dma_start3A_449 = arith.constant 0 : i32
      %dma_start3A_450 = tpu.memref_slice %arg6[%squeeze3A_438, %dma_start3A_449] : memref<1000x64xf32, #tpu.memory_space<hbm>> -> memref<1x64xf32, #tpu.memory_space<hbm>>
      tpu.enqueue_dma source(%dma_start3A_450 : memref<1x64xf32, #tpu.memory_space<hbm>>) target(%dma_start3A_448 : memref<1x64xf32, #tpu.memory_space<vmem>>) target_semaphore(%arg12 : memref<!tpu.dma_semaphore, #tpu.memory_space<semaphore_mem>>)
      %slice3A_451 = vector.extract_strided_slice %get3A_47 {offsets = [9], sizes = [1], strides = [1]} : vector<16xi32> to vector<1xi32>
      %squeeze3A_452 = vector.extract %slice3A_451[0] : i32 from vector<1xi32>
      %mul3A_453 = arith.constant 3 : i32
      %mul3A_454 = arith.muli %mul3A_453, %add3A_424 : i32
      %add3A_455 = arith.constant 2 : i32
      %add3A_456 = arith.addi %mul3A_454, %add3A_455 : i32
      %dma_start3A_457 = arith.constant 0 : i32
      %dma_start3A_458 = tpu.memref_slice %arg11[%add3A_456, %dma_start3A_457] : memref<768x64xf32, #tpu.memory_space<vmem>> -> memref<1x64xf32, #tpu.memory_space<vmem>>
      %dma_start3A_459 = arith.constant 0 : i32
      %dma_start3A_460 = tpu.memref_slice %arg5[%squeeze3A_452, %dma_start3A_459] : memref<1000000x64xf32, #tpu.memory_space<hbm>> -> memref<1x64xf32, #tpu.memory_space<hbm>>
      %dma_start3A_461 = arith.constant 0 : i32
      %dma_start3A_462 = tpu.memref_slice %arg11[%add3A_456, %dma_start3A_461] : memref<768x64xf32, #tpu.memory_space<vmem>> -> memref<1x64xf32, #tpu.memory_space<vmem>>
      %dma_start3A_463 = arith.constant 0 : i32
      %dma_start3A_464 = tpu.memref_slice %arg5[%squeeze3A_452, %dma_start3A_463] : memref<1000000x64xf32, #tpu.memory_space<hbm>> -> memref<1x64xf32, #tpu.memory_space<hbm>>
      tpu.enqueue_dma source(%dma_start3A_464 : memref<1x64xf32, #tpu.memory_space<hbm>>) target(%dma_start3A_462 : memref<1x64xf32, #tpu.memory_space<vmem>>) target_semaphore(%arg12 : memref<!tpu.dma_semaphore, #tpu.memory_space<semaphore_mem>>)
      %add3A_465 = arith.constant 10 : i32
      %add3A_466 = arith.addi %mul3A_39, %add3A_465 : i32
      %slice3A_467 = vector.extract_strided_slice %get3A_41 {offsets = [10], sizes = [1], strides = [1]} : vector<16xi32> to vector<1xi32>
      %squeeze3A_468 = vector.extract %slice3A_467[0] : i32 from vector<1xi32>
      %mul3A_469 = arith.constant 3 : i32
      %mul3A_470 = arith.muli %mul3A_469, %add3A_466 : i32
      %dma_start3A_471 = arith.constant 0 : i32
      %dma_start3A_472 = tpu.memref_slice %arg11[%mul3A_470, %dma_start3A_471] : memref<768x64xf32, #tpu.memory_space<vmem>> -> memref<1x64xf32, #tpu.memory_space<vmem>>
      %dma_start3A_473 = arith.constant 0 : i32
      %dma_start3A_474 = tpu.memref_slice %arg5[%squeeze3A_468, %dma_start3A_473] : memref<1000000x64xf32, #tpu.memory_space<hbm>> -> memref<1x64xf32, #tpu.memory_space<hbm>>
      %dma_start3A_475 = arith.constant 0 : i32
      %dma_start3A_476 = tpu.memref_slice %arg11[%mul3A_470, %dma_start3A_475] : memref<768x64xf32, #tpu.memory_space<vmem>> -> memref<1x64xf32, #tpu.memory_space<vmem>>
      %dma_start3A_477 = arith.constant 0 : i32
      %dma_start3A_478 = tpu.memref_slice %arg5[%squeeze3A_468, %dma_start3A_477] : memref<1000000x64xf32, #tpu.memory_space<hbm>> -> memref<1x64xf32, #tpu.memory_space<hbm>>
      tpu.enqueue_dma source(%dma_start3A_478 : memref<1x64xf32, #tpu.memory_space<hbm>>) target(%dma_start3A_476 : memref<1x64xf32, #tpu.memory_space<vmem>>) target_semaphore(%arg12 : memref<!tpu.dma_semaphore, #tpu.memory_space<semaphore_mem>>)
      %slice3A_479 = vector.extract_strided_slice %get3A_44 {offsets = [10], sizes = [1], strides = [1]} : vector<16xi32> to vector<1xi32>
      %squeeze3A_480 = vector.extract %slice3A_479[0] : i32 from vector<1xi32>
      %mul3A_481 = arith.constant 3 : i32
      %mul3A_482 = arith.muli %mul3A_481, %add3A_466 : i32
      %add3A_483 = arith.constant 1 : i32
      %add3A_484 = arith.addi %mul3A_482, %add3A_483 : i32
      %dma_start3A_485 = arith.constant 0 : i32
      %dma_start3A_486 = tpu.memref_slice %arg11[%add3A_484, %dma_start3A_485] : memref<768x64xf32, #tpu.memory_space<vmem>> -> memref<1x64xf32, #tpu.memory_space<vmem>>
      %dma_start3A_487 = arith.constant 0 : i32
      %dma_start3A_488 = tpu.memref_slice %arg6[%squeeze3A_480, %dma_start3A_487] : memref<1000x64xf32, #tpu.memory_space<hbm>> -> memref<1x64xf32, #tpu.memory_space<hbm>>
      %dma_start3A_489 = arith.constant 0 : i32
      %dma_start3A_490 = tpu.memref_slice %arg11[%add3A_484, %dma_start3A_489] : memref<768x64xf32, #tpu.memory_space<vmem>> -> memref<1x64xf32, #tpu.memory_space<vmem>>
      %dma_start3A_491 = arith.constant 0 : i32
      %dma_start3A_492 = tpu.memref_slice %arg6[%squeeze3A_480, %dma_start3A_491] : memref<1000x64xf32, #tpu.memory_space<hbm>> -> memref<1x64xf32, #tpu.memory_space<hbm>>
      tpu.enqueue_dma source(%dma_start3A_492 : memref<1x64xf32, #tpu.memory_space<hbm>>) target(%dma_start3A_490 : memref<1x64xf32, #tpu.memory_space<vmem>>) target_semaphore(%arg12 : memref<!tpu.dma_semaphore, #tpu.memory_space<semaphore_mem>>)
      %slice3A_493 = vector.extract_strided_slice %get3A_47 {offsets = [10], sizes = [1], strides = [1]} : vector<16xi32> to vector<1xi32>
      %squeeze3A_494 = vector.extract %slice3A_493[0] : i32 from vector<1xi32>
      %mul3A_495 = arith.constant 3 : i32
      %mul3A_496 = arith.muli %mul3A_495, %add3A_466 : i32
      %add3A_497 = arith.constant 2 : i32
      %add3A_498 = arith.addi %mul3A_496, %add3A_497 : i32
      %dma_start3A_499 = arith.constant 0 : i32
      %dma_start3A_500 = tpu.memref_slice %arg11[%add3A_498, %dma_start3A_499] : memref<768x64xf32, #tpu.memory_space<vmem>> -> memref<1x64xf32, #tpu.memory_space<vmem>>
      %dma_start3A_501 = arith.constant 0 : i32
      %dma_start3A_502 = tpu.memref_slice %arg5[%squeeze3A_494, %dma_start3A_501] : memref<1000000x64xf32, #tpu.memory_space<hbm>> -> memref<1x64xf32, #tpu.memory_space<hbm>>
      %dma_start3A_503 = arith.constant 0 : i32
      %dma_start3A_504 = tpu.memref_slice %arg11[%add3A_498, %dma_start3A_503] : memref<768x64xf32, #tpu.memory_space<vmem>> -> memref<1x64xf32, #tpu.memory_space<vmem>>
      %dma_start3A_505 = arith.constant 0 : i32
      %dma_start3A_506 = tpu.memref_slice %arg5[%squeeze3A_494, %dma_start3A_505] : memref<1000000x64xf32, #tpu.memory_space<hbm>> -> memref<1x64xf32, #tpu.memory_space<hbm>>
      tpu.enqueue_dma source(%dma_start3A_506 : memref<1x64xf32, #tpu.memory_space<hbm>>) target(%dma_start3A_504 : memref<1x64xf32, #tpu.memory_space<vmem>>) target_semaphore(%arg12 : memref<!tpu.dma_semaphore, #tpu.memory_space<semaphore_mem>>)
      %add3A_507 = arith.constant 11 : i32
      %add3A_508 = arith.addi %mul3A_39, %add3A_507 : i32
      %slice3A_509 = vector.extract_strided_slice %get3A_41 {offsets = [11], sizes = [1], strides = [1]} : vector<16xi32> to vector<1xi32>
      %squeeze3A_510 = vector.extract %slice3A_509[0] : i32 from vector<1xi32>
      %mul3A_511 = arith.constant 3 : i32
      %mul3A_512 = arith.muli %mul3A_511, %add3A_508 : i32
      %dma_start3A_513 = arith.constant 0 : i32
      %dma_start3A_514 = tpu.memref_slice %arg11[%mul3A_512, %dma_start3A_513] : memref<768x64xf32, #tpu.memory_space<vmem>> -> memref<1x64xf32, #tpu.memory_space<vmem>>
      %dma_start3A_515 = arith.constant 0 : i32
      %dma_start3A_516 = tpu.memref_slice %arg5[%squeeze3A_510, %dma_start3A_515] : memref<1000000x64xf32, #tpu.memory_space<hbm>> -> memref<1x64xf32, #tpu.memory_space<hbm>>
      %dma_start3A_517 = arith.constant 0 : i32
      %dma_start3A_518 = tpu.memref_slice %arg11[%mul3A_512, %dma_start3A_517] : memref<768x64xf32, #tpu.memory_space<vmem>> -> memref<1x64xf32, #tpu.memory_space<vmem>>
      %dma_start3A_519 = arith.constant 0 : i32
      %dma_start3A_520 = tpu.memref_slice %arg5[%squeeze3A_510, %dma_start3A_519] : memref<1000000x64xf32, #tpu.memory_space<hbm>> -> memref<1x64xf32, #tpu.memory_space<hbm>>
      tpu.enqueue_dma source(%dma_start3A_520 : memref<1x64xf32, #tpu.memory_space<hbm>>) target(%dma_start3A_518 : memref<1x64xf32, #tpu.memory_space<vmem>>) target_semaphore(%arg12 : memref<!tpu.dma_semaphore, #tpu.memory_space<semaphore_mem>>)
      %slice3A_521 = vector.extract_strided_slice %get3A_44 {offsets = [11], sizes = [1], strides = [1]} : vector<16xi32> to vector<1xi32>
      %squeeze3A_522 = vector.extract %slice3A_521[0] : i32 from vector<1xi32>
      %mul3A_523 = arith.constant 3 : i32
      %mul3A_524 = arith.muli %mul3A_523, %add3A_508 : i32
      %add3A_525 = arith.constant 1 : i32
      %add3A_526 = arith.addi %mul3A_524, %add3A_525 : i32
      %dma_start3A_527 = arith.constant 0 : i32
      %dma_start3A_528 = tpu.memref_slice %arg11[%add3A_526, %dma_start3A_527] : memref<768x64xf32, #tpu.memory_space<vmem>> -> memref<1x64xf32, #tpu.memory_space<vmem>>
      %dma_start3A_529 = arith.constant 0 : i32
      %dma_start3A_530 = tpu.memref_slice %arg6[%squeeze3A_522, %dma_start3A_529] : memref<1000x64xf32, #tpu.memory_space<hbm>> -> memref<1x64xf32, #tpu.memory_space<hbm>>
      %dma_start3A_531 = arith.constant 0 : i32
      %dma_start3A_532 = tpu.memref_slice %arg11[%add3A_526, %dma_start3A_531] : memref<768x64xf32, #tpu.memory_space<vmem>> -> memref<1x64xf32, #tpu.memory_space<vmem>>
      %dma_start3A_533 = arith.constant 0 : i32
      %dma_start3A_534 = tpu.memref_slice %arg6[%squeeze3A_522, %dma_start3A_533] : memref<1000x64xf32, #tpu.memory_space<hbm>> -> memref<1x64xf32, #tpu.memory_space<hbm>>
      tpu.enqueue_dma source(%dma_start3A_534 : memref<1x64xf32, #tpu.memory_space<hbm>>) target(%dma_start3A_532 : memref<1x64xf32, #tpu.memory_space<vmem>>) target_semaphore(%arg12 : memref<!tpu.dma_semaphore, #tpu.memory_space<semaphore_mem>>)
      %slice3A_535 = vector.extract_strided_slice %get3A_47 {offsets = [11], sizes = [1], strides = [1]} : vector<16xi32> to vector<1xi32>
      %squeeze3A_536 = vector.extract %slice3A_535[0] : i32 from vector<1xi32>
      %mul3A_537 = arith.constant 3 : i32
      %mul3A_538 = arith.muli %mul3A_537, %add3A_508 : i32
      %add3A_539 = arith.constant 2 : i32
      %add3A_540 = arith.addi %mul3A_538, %add3A_539 : i32
      %dma_start3A_541 = arith.constant 0 : i32
      %dma_start3A_542 = tpu.memref_slice %arg11[%add3A_540, %dma_start3A_541] : memref<768x64xf32, #tpu.memory_space<vmem>> -> memref<1x64xf32, #tpu.memory_space<vmem>>
      %dma_start3A_543 = arith.constant 0 : i32
      %dma_start3A_544 = tpu.memref_slice %arg5[%squeeze3A_536, %dma_start3A_543] : memref<1000000x64xf32, #tpu.memory_space<hbm>> -> memref<1x64xf32, #tpu.memory_space<hbm>>
      %dma_start3A_545 = arith.constant 0 : i32
      %dma_start3A_546 = tpu.memref_slice %arg11[%add3A_540, %dma_start3A_545] : memref<768x64xf32, #tpu.memory_space<vmem>> -> memref<1x64xf32, #tpu.memory_space<vmem>>
      %dma_start3A_547 = arith.constant 0 : i32
      %dma_start3A_548 = tpu.memref_slice %arg5[%squeeze3A_536, %dma_start3A_547] : memref<1000000x64xf32, #tpu.memory_space<hbm>> -> memref<1x64xf32, #tpu.memory_space<hbm>>
      tpu.enqueue_dma source(%dma_start3A_548 : memref<1x64xf32, #tpu.memory_space<hbm>>) target(%dma_start3A_546 : memref<1x64xf32, #tpu.memory_space<vmem>>) target_semaphore(%arg12 : memref<!tpu.dma_semaphore, #tpu.memory_space<semaphore_mem>>)
      %add3A_549 = arith.constant 12 : i32
      %add3A_550 = arith.addi %mul3A_39, %add3A_549 : i32
      %slice3A_551 = vector.extract_strided_slice %get3A_41 {offsets = [12], sizes = [1], strides = [1]} : vector<16xi32> to vector<1xi32>
      %squeeze3A_552 = vector.extract %slice3A_551[0] : i32 from vector<1xi32>
      %mul3A_553 = arith.constant 3 : i32
      %mul3A_554 = arith.muli %mul3A_553, %add3A_550 : i32
      %dma_start3A_555 = arith.constant 0 : i32
      %dma_start3A_556 = tpu.memref_slice %arg11[%mul3A_554, %dma_start3A_555] : memref<768x64xf32, #tpu.memory_space<vmem>> -> memref<1x64xf32, #tpu.memory_space<vmem>>
      %dma_start3A_557 = arith.constant 0 : i32
      %dma_start3A_558 = tpu.memref_slice %arg5[%squeeze3A_552, %dma_start3A_557] : memref<1000000x64xf32, #tpu.memory_space<hbm>> -> memref<1x64xf32, #tpu.memory_space<hbm>>
      %dma_start3A_559 = arith.constant 0 : i32
      %dma_start3A_560 = tpu.memref_slice %arg11[%mul3A_554, %dma_start3A_559] : memref<768x64xf32, #tpu.memory_space<vmem>> -> memref<1x64xf32, #tpu.memory_space<vmem>>
      %dma_start3A_561 = arith.constant 0 : i32
      %dma_start3A_562 = tpu.memref_slice %arg5[%squeeze3A_552, %dma_start3A_561] : memref<1000000x64xf32, #tpu.memory_space<hbm>> -> memref<1x64xf32, #tpu.memory_space<hbm>>
      tpu.enqueue_dma source(%dma_start3A_562 : memref<1x64xf32, #tpu.memory_space<hbm>>) target(%dma_start3A_560 : memref<1x64xf32, #tpu.memory_space<vmem>>) target_semaphore(%arg12 : memref<!tpu.dma_semaphore, #tpu.memory_space<semaphore_mem>>)
      %slice3A_563 = vector.extract_strided_slice %get3A_44 {offsets = [12], sizes = [1], strides = [1]} : vector<16xi32> to vector<1xi32>
      %squeeze3A_564 = vector.extract %slice3A_563[0] : i32 from vector<1xi32>
      %mul3A_565 = arith.constant 3 : i32
      %mul3A_566 = arith.muli %mul3A_565, %add3A_550 : i32
      %add3A_567 = arith.constant 1 : i32
      %add3A_568 = arith.addi %mul3A_566, %add3A_567 : i32
      %dma_start3A_569 = arith.constant 0 : i32
      %dma_start3A_570 = tpu.memref_slice %arg11[%add3A_568, %dma_start3A_569] : memref<768x64xf32, #tpu.memory_space<vmem>> -> memref<1x64xf32, #tpu.memory_space<vmem>>
      %dma_start3A_571 = arith.constant 0 : i32
      %dma_start3A_572 = tpu.memref_slice %arg6[%squeeze3A_564, %dma_start3A_571] : memref<1000x64xf32, #tpu.memory_space<hbm>> -> memref<1x64xf32, #tpu.memory_space<hbm>>
      %dma_start3A_573 = arith.constant 0 : i32
      %dma_start3A_574 = tpu.memref_slice %arg11[%add3A_568, %dma_start3A_573] : memref<768x64xf32, #tpu.memory_space<vmem>> -> memref<1x64xf32, #tpu.memory_space<vmem>>
      %dma_start3A_575 = arith.constant 0 : i32
      %dma_start3A_576 = tpu.memref_slice %arg6[%squeeze3A_564, %dma_start3A_575] : memref<1000x64xf32, #tpu.memory_space<hbm>> -> memref<1x64xf32, #tpu.memory_space<hbm>>
      tpu.enqueue_dma source(%dma_start3A_576 : memref<1x64xf32, #tpu.memory_space<hbm>>) target(%dma_start3A_574 : memref<1x64xf32, #tpu.memory_space<vmem>>) target_semaphore(%arg12 : memref<!tpu.dma_semaphore, #tpu.memory_space<semaphore_mem>>)
      %slice3A_577 = vector.extract_strided_slice %get3A_47 {offsets = [12], sizes = [1], strides = [1]} : vector<16xi32> to vector<1xi32>
      %squeeze3A_578 = vector.extract %slice3A_577[0] : i32 from vector<1xi32>
      %mul3A_579 = arith.constant 3 : i32
      %mul3A_580 = arith.muli %mul3A_579, %add3A_550 : i32
      %add3A_581 = arith.constant 2 : i32
      %add3A_582 = arith.addi %mul3A_580, %add3A_581 : i32
      %dma_start3A_583 = arith.constant 0 : i32
      %dma_start3A_584 = tpu.memref_slice %arg11[%add3A_582, %dma_start3A_583] : memref<768x64xf32, #tpu.memory_space<vmem>> -> memref<1x64xf32, #tpu.memory_space<vmem>>
      %dma_start3A_585 = arith.constant 0 : i32
      %dma_start3A_586 = tpu.memref_slice %arg5[%squeeze3A_578, %dma_start3A_585] : memref<1000000x64xf32, #tpu.memory_space<hbm>> -> memref<1x64xf32, #tpu.memory_space<hbm>>
      %dma_start3A_587 = arith.constant 0 : i32
      %dma_start3A_588 = tpu.memref_slice %arg11[%add3A_582, %dma_start3A_587] : memref<768x64xf32, #tpu.memory_space<vmem>> -> memref<1x64xf32, #tpu.memory_space<vmem>>
      %dma_start3A_589 = arith.constant 0 : i32
      %dma_start3A_590 = tpu.memref_slice %arg5[%squeeze3A_578, %dma_start3A_589] : memref<1000000x64xf32, #tpu.memory_space<hbm>> -> memref<1x64xf32, #tpu.memory_space<hbm>>
      tpu.enqueue_dma source(%dma_start3A_590 : memref<1x64xf32, #tpu.memory_space<hbm>>) target(%dma_start3A_588 : memref<1x64xf32, #tpu.memory_space<vmem>>) target_semaphore(%arg12 : memref<!tpu.dma_semaphore, #tpu.memory_space<semaphore_mem>>)
      %add3A_591 = arith.constant 13 : i32
      %add3A_592 = arith.addi %mul3A_39, %add3A_591 : i32
      %slice3A_593 = vector.extract_strided_slice %get3A_41 {offsets = [13], sizes = [1], strides = [1]} : vector<16xi32> to vector<1xi32>
      %squeeze3A_594 = vector.extract %slice3A_593[0] : i32 from vector<1xi32>
      %mul3A_595 = arith.constant 3 : i32
      %mul3A_596 = arith.muli %mul3A_595, %add3A_592 : i32
      %dma_start3A_597 = arith.constant 0 : i32
      %dma_start3A_598 = tpu.memref_slice %arg11[%mul3A_596, %dma_start3A_597] : memref<768x64xf32, #tpu.memory_space<vmem>> -> memref<1x64xf32, #tpu.memory_space<vmem>>
      %dma_start3A_599 = arith.constant 0 : i32
      %dma_start3A_600 = tpu.memref_slice %arg5[%squeeze3A_594, %dma_start3A_599] : memref<1000000x64xf32, #tpu.memory_space<hbm>> -> memref<1x64xf32, #tpu.memory_space<hbm>>
      %dma_start3A_601 = arith.constant 0 : i32
      %dma_start3A_602 = tpu.memref_slice %arg11[%mul3A_596, %dma_start3A_601] : memref<768x64xf32, #tpu.memory_space<vmem>> -> memref<1x64xf32, #tpu.memory_space<vmem>>
      %dma_start3A_603 = arith.constant 0 : i32
      %dma_start3A_604 = tpu.memref_slice %arg5[%squeeze3A_594, %dma_start3A_603] : memref<1000000x64xf32, #tpu.memory_space<hbm>> -> memref<1x64xf32, #tpu.memory_space<hbm>>
      tpu.enqueue_dma source(%dma_start3A_604 : memref<1x64xf32, #tpu.memory_space<hbm>>) target(%dma_start3A_602 : memref<1x64xf32, #tpu.memory_space<vmem>>) target_semaphore(%arg12 : memref<!tpu.dma_semaphore, #tpu.memory_space<semaphore_mem>>)
      %slice3A_605 = vector.extract_strided_slice %get3A_44 {offsets = [13], sizes = [1], strides = [1]} : vector<16xi32> to vector<1xi32>
      %squeeze3A_606 = vector.extract %slice3A_605[0] : i32 from vector<1xi32>
      %mul3A_607 = arith.constant 3 : i32
      %mul3A_608 = arith.muli %mul3A_607, %add3A_592 : i32
      %add3A_609 = arith.constant 1 : i32
      %add3A_610 = arith.addi %mul3A_608, %add3A_609 : i32
      %dma_start3A_611 = arith.constant 0 : i32
      %dma_start3A_612 = tpu.memref_slice %arg11[%add3A_610, %dma_start3A_611] : memref<768x64xf32, #tpu.memory_space<vmem>> -> memref<1x64xf32, #tpu.memory_space<vmem>>
      %dma_start3A_613 = arith.constant 0 : i32
      %dma_start3A_614 = tpu.memref_slice %arg6[%squeeze3A_606, %dma_start3A_613] : memref<1000x64xf32, #tpu.memory_space<hbm>> -> memref<1x64xf32, #tpu.memory_space<hbm>>
      %dma_start3A_615 = arith.constant 0 : i32
      %dma_start3A_616 = tpu.memref_slice %arg11[%add3A_610, %dma_start3A_615] : memref<768x64xf32, #tpu.memory_space<vmem>> -> memref<1x64xf32, #tpu.memory_space<vmem>>
      %dma_start3A_617 = arith.constant 0 : i32
      %dma_start3A_618 = tpu.memref_slice %arg6[%squeeze3A_606, %dma_start3A_617] : memref<1000x64xf32, #tpu.memory_space<hbm>> -> memref<1x64xf32, #tpu.memory_space<hbm>>
      tpu.enqueue_dma source(%dma_start3A_618 : memref<1x64xf32, #tpu.memory_space<hbm>>) target(%dma_start3A_616 : memref<1x64xf32, #tpu.memory_space<vmem>>) target_semaphore(%arg12 : memref<!tpu.dma_semaphore, #tpu.memory_space<semaphore_mem>>)
      %slice3A_619 = vector.extract_strided_slice %get3A_47 {offsets = [13], sizes = [1], strides = [1]} : vector<16xi32> to vector<1xi32>
      %squeeze3A_620 = vector.extract %slice3A_619[0] : i32 from vector<1xi32>
      %mul3A_621 = arith.constant 3 : i32
      %mul3A_622 = arith.muli %mul3A_621, %add3A_592 : i32
      %add3A_623 = arith.constant 2 : i32
      %add3A_624 = arith.addi %mul3A_622, %add3A_623 : i32
      %dma_start3A_625 = arith.constant 0 : i32
      %dma_start3A_626 = tpu.memref_slice %arg11[%add3A_624, %dma_start3A_625] : memref<768x64xf32, #tpu.memory_space<vmem>> -> memref<1x64xf32, #tpu.memory_space<vmem>>
      %dma_start3A_627 = arith.constant 0 : i32
      %dma_start3A_628 = tpu.memref_slice %arg5[%squeeze3A_620, %dma_start3A_627] : memref<1000000x64xf32, #tpu.memory_space<hbm>> -> memref<1x64xf32, #tpu.memory_space<hbm>>
      %dma_start3A_629 = arith.constant 0 : i32
      %dma_start3A_630 = tpu.memref_slice %arg11[%add3A_624, %dma_start3A_629] : memref<768x64xf32, #tpu.memory_space<vmem>> -> memref<1x64xf32, #tpu.memory_space<vmem>>
      %dma_start3A_631 = arith.constant 0 : i32
      %dma_start3A_632 = tpu.memref_slice %arg5[%squeeze3A_620, %dma_start3A_631] : memref<1000000x64xf32, #tpu.memory_space<hbm>> -> memref<1x64xf32, #tpu.memory_space<hbm>>
      tpu.enqueue_dma source(%dma_start3A_632 : memref<1x64xf32, #tpu.memory_space<hbm>>) target(%dma_start3A_630 : memref<1x64xf32, #tpu.memory_space<vmem>>) target_semaphore(%arg12 : memref<!tpu.dma_semaphore, #tpu.memory_space<semaphore_mem>>)
      %add3A_633 = arith.constant 14 : i32
      %add3A_634 = arith.addi %mul3A_39, %add3A_633 : i32
      %slice3A_635 = vector.extract_strided_slice %get3A_41 {offsets = [14], sizes = [1], strides = [1]} : vector<16xi32> to vector<1xi32>
      %squeeze3A_636 = vector.extract %slice3A_635[0] : i32 from vector<1xi32>
      %mul3A_637 = arith.constant 3 : i32
      %mul3A_638 = arith.muli %mul3A_637, %add3A_634 : i32
      %dma_start3A_639 = arith.constant 0 : i32
      %dma_start3A_640 = tpu.memref_slice %arg11[%mul3A_638, %dma_start3A_639] : memref<768x64xf32, #tpu.memory_space<vmem>> -> memref<1x64xf32, #tpu.memory_space<vmem>>
      %dma_start3A_641 = arith.constant 0 : i32
      %dma_start3A_642 = tpu.memref_slice %arg5[%squeeze3A_636, %dma_start3A_641] : memref<1000000x64xf32, #tpu.memory_space<hbm>> -> memref<1x64xf32, #tpu.memory_space<hbm>>
      %dma_start3A_643 = arith.constant 0 : i32
      %dma_start3A_644 = tpu.memref_slice %arg11[%mul3A_638, %dma_start3A_643] : memref<768x64xf32, #tpu.memory_space<vmem>> -> memref<1x64xf32, #tpu.memory_space<vmem>>
      %dma_start3A_645 = arith.constant 0 : i32
      %dma_start3A_646 = tpu.memref_slice %arg5[%squeeze3A_636, %dma_start3A_645] : memref<1000000x64xf32, #tpu.memory_space<hbm>> -> memref<1x64xf32, #tpu.memory_space<hbm>>
      tpu.enqueue_dma source(%dma_start3A_646 : memref<1x64xf32, #tpu.memory_space<hbm>>) target(%dma_start3A_644 : memref<1x64xf32, #tpu.memory_space<vmem>>) target_semaphore(%arg12 : memref<!tpu.dma_semaphore, #tpu.memory_space<semaphore_mem>>)
      %slice3A_647 = vector.extract_strided_slice %get3A_44 {offsets = [14], sizes = [1], strides = [1]} : vector<16xi32> to vector<1xi32>
      %squeeze3A_648 = vector.extract %slice3A_647[0] : i32 from vector<1xi32>
      %mul3A_649 = arith.constant 3 : i32
      %mul3A_650 = arith.muli %mul3A_649, %add3A_634 : i32
      %add3A_651 = arith.constant 1 : i32
      %add3A_652 = arith.addi %mul3A_650, %add3A_651 : i32
      %dma_start3A_653 = arith.constant 0 : i32
      %dma_start3A_654 = tpu.memref_slice %arg11[%add3A_652, %dma_start3A_653] : memref<768x64xf32, #tpu.memory_space<vmem>> -> memref<1x64xf32, #tpu.memory_space<vmem>>
      %dma_start3A_655 = arith.constant 0 : i32
      %dma_start3A_656 = tpu.memref_slice %arg6[%squeeze3A_648, %dma_start3A_655] : memref<1000x64xf32, #tpu.memory_space<hbm>> -> memref<1x64xf32, #tpu.memory_space<hbm>>
      %dma_start3A_657 = arith.constant 0 : i32
      %dma_start3A_658 = tpu.memref_slice %arg11[%add3A_652, %dma_start3A_657] : memref<768x64xf32, #tpu.memory_space<vmem>> -> memref<1x64xf32, #tpu.memory_space<vmem>>
      %dma_start3A_659 = arith.constant 0 : i32
      %dma_start3A_660 = tpu.memref_slice %arg6[%squeeze3A_648, %dma_start3A_659] : memref<1000x64xf32, #tpu.memory_space<hbm>> -> memref<1x64xf32, #tpu.memory_space<hbm>>
      tpu.enqueue_dma source(%dma_start3A_660 : memref<1x64xf32, #tpu.memory_space<hbm>>) target(%dma_start3A_658 : memref<1x64xf32, #tpu.memory_space<vmem>>) target_semaphore(%arg12 : memref<!tpu.dma_semaphore, #tpu.memory_space<semaphore_mem>>)
      %slice3A_661 = vector.extract_strided_slice %get3A_47 {offsets = [14], sizes = [1], strides = [1]} : vector<16xi32> to vector<1xi32>
      %squeeze3A_662 = vector.extract %slice3A_661[0] : i32 from vector<1xi32>
      %mul3A_663 = arith.constant 3 : i32
      %mul3A_664 = arith.muli %mul3A_663, %add3A_634 : i32
      %add3A_665 = arith.constant 2 : i32
      %add3A_666 = arith.addi %mul3A_664, %add3A_665 : i32
      %dma_start3A_667 = arith.constant 0 : i32
      %dma_start3A_668 = tpu.memref_slice %arg11[%add3A_666, %dma_start3A_667] : memref<768x64xf32, #tpu.memory_space<vmem>> -> memref<1x64xf32, #tpu.memory_space<vmem>>
      %dma_start3A_669 = arith.constant 0 : i32
      %dma_start3A_670 = tpu.memref_slice %arg5[%squeeze3A_662, %dma_start3A_669] : memref<1000000x64xf32, #tpu.memory_space<hbm>> -> memref<1x64xf32, #tpu.memory_space<hbm>>
      %dma_start3A_671 = arith.constant 0 : i32
      %dma_start3A_672 = tpu.memref_slice %arg11[%add3A_666, %dma_start3A_671] : memref<768x64xf32, #tpu.memory_space<vmem>> -> memref<1x64xf32, #tpu.memory_space<vmem>>
      %dma_start3A_673 = arith.constant 0 : i32
      %dma_start3A_674 = tpu.memref_slice %arg5[%squeeze3A_662, %dma_start3A_673] : memref<1000000x64xf32, #tpu.memory_space<hbm>> -> memref<1x64xf32, #tpu.memory_space<hbm>>
      tpu.enqueue_dma source(%dma_start3A_674 : memref<1x64xf32, #tpu.memory_space<hbm>>) target(%dma_start3A_672 : memref<1x64xf32, #tpu.memory_space<vmem>>) target_semaphore(%arg12 : memref<!tpu.dma_semaphore, #tpu.memory_space<semaphore_mem>>)
      %add3A_675 = arith.constant 15 : i32
      %add3A_676 = arith.addi %mul3A_39, %add3A_675 : i32
      %slice3A_677 = vector.extract_strided_slice %get3A_41 {offsets = [15], sizes = [1], strides = [1]} : vector<16xi32> to vector<1xi32>
      %squeeze3A_678 = vector.extract %slice3A_677[0] : i32 from vector<1xi32>
      %mul3A_679 = arith.constant 3 : i32
      %mul3A_680 = arith.muli %mul3A_679, %add3A_676 : i32
      %dma_start3A_681 = arith.constant 0 : i32
      %dma_start3A_682 = tpu.memref_slice %arg11[%mul3A_680, %dma_start3A_681] : memref<768x64xf32, #tpu.memory_space<vmem>> -> memref<1x64xf32, #tpu.memory_space<vmem>>
      %dma_start3A_683 = arith.constant 0 : i32
      %dma_start3A_684 = tpu.memref_slice %arg5[%squeeze3A_678, %dma_start3A_683] : memref<1000000x64xf32, #tpu.memory_space<hbm>> -> memref<1x64xf32, #tpu.memory_space<hbm>>
      %dma_start3A_685 = arith.constant 0 : i32
      %dma_start3A_686 = tpu.memref_slice %arg11[%mul3A_680, %dma_start3A_685] : memref<768x64xf32, #tpu.memory_space<vmem>> -> memref<1x64xf32, #tpu.memory_space<vmem>>
      %dma_start3A_687 = arith.constant 0 : i32
      %dma_start3A_688 = tpu.memref_slice %arg5[%squeeze3A_678, %dma_start3A_687] : memref<1000000x64xf32, #tpu.memory_space<hbm>> -> memref<1x64xf32, #tpu.memory_space<hbm>>
      tpu.enqueue_dma source(%dma_start3A_688 : memref<1x64xf32, #tpu.memory_space<hbm>>) target(%dma_start3A_686 : memref<1x64xf32, #tpu.memory_space<vmem>>) target_semaphore(%arg12 : memref<!tpu.dma_semaphore, #tpu.memory_space<semaphore_mem>>)
      %slice3A_689 = vector.extract_strided_slice %get3A_44 {offsets = [15], sizes = [1], strides = [1]} : vector<16xi32> to vector<1xi32>
      %squeeze3A_690 = vector.extract %slice3A_689[0] : i32 from vector<1xi32>
      %mul3A_691 = arith.constant 3 : i32
      %mul3A_692 = arith.muli %mul3A_691, %add3A_676 : i32
      %add3A_693 = arith.constant 1 : i32
      %add3A_694 = arith.addi %mul3A_692, %add3A_693 : i32
      %dma_start3A_695 = arith.constant 0 : i32
      %dma_start3A_696 = tpu.memref_slice %arg11[%add3A_694, %dma_start3A_695] : memref<768x64xf32, #tpu.memory_space<vmem>> -> memref<1x64xf32, #tpu.memory_space<vmem>>
      %dma_start3A_697 = arith.constant 0 : i32
      %dma_start3A_698 = tpu.memref_slice %arg6[%squeeze3A_690, %dma_start3A_697] : memref<1000x64xf32, #tpu.memory_space<hbm>> -> memref<1x64xf32, #tpu.memory_space<hbm>>
      %dma_start3A_699 = arith.constant 0 : i32
      %dma_start3A_700 = tpu.memref_slice %arg11[%add3A_694, %dma_start3A_699] : memref<768x64xf32, #tpu.memory_space<vmem>> -> memref<1x64xf32, #tpu.memory_space<vmem>>
      %dma_start3A_701 = arith.constant 0 : i32
      %dma_start3A_702 = tpu.memref_slice %arg6[%squeeze3A_690, %dma_start3A_701] : memref<1000x64xf32, #tpu.memory_space<hbm>> -> memref<1x64xf32, #tpu.memory_space<hbm>>
      tpu.enqueue_dma source(%dma_start3A_702 : memref<1x64xf32, #tpu.memory_space<hbm>>) target(%dma_start3A_700 : memref<1x64xf32, #tpu.memory_space<vmem>>) target_semaphore(%arg12 : memref<!tpu.dma_semaphore, #tpu.memory_space<semaphore_mem>>)
      %slice3A_703 = vector.extract_strided_slice %get3A_47 {offsets = [15], sizes = [1], strides = [1]} : vector<16xi32> to vector<1xi32>
      %squeeze3A_704 = vector.extract %slice3A_703[0] : i32 from vector<1xi32>
      %mul3A_705 = arith.constant 3 : i32
      %mul3A_706 = arith.muli %mul3A_705, %add3A_676 : i32
      %add3A_707 = arith.constant 2 : i32
      %add3A_708 = arith.addi %mul3A_706, %add3A_707 : i32
      %dma_start3A_709 = arith.constant 0 : i32
      %dma_start3A_710 = tpu.memref_slice %arg11[%add3A_708, %dma_start3A_709] : memref<768x64xf32, #tpu.memory_space<vmem>> -> memref<1x64xf32, #tpu.memory_space<vmem>>
      %dma_start3A_711 = arith.constant 0 : i32
      %dma_start3A_712 = tpu.memref_slice %arg5[%squeeze3A_704, %dma_start3A_711] : memref<1000000x64xf32, #tpu.memory_space<hbm>> -> memref<1x64xf32, #tpu.memory_space<hbm>>
      %dma_start3A_713 = arith.constant 0 : i32
      %dma_start3A_714 = tpu.memref_slice %arg11[%add3A_708, %dma_start3A_713] : memref<768x64xf32, #tpu.memory_space<vmem>> -> memref<1x64xf32, #tpu.memory_space<vmem>>
      %dma_start3A_715 = arith.constant 0 : i32
      %dma_start3A_716 = tpu.memref_slice %arg5[%squeeze3A_704, %dma_start3A_715] : memref<1000000x64xf32, #tpu.memory_space<hbm>> -> memref<1x64xf32, #tpu.memory_space<hbm>>
      tpu.enqueue_dma source(%dma_start3A_716 : memref<1x64xf32, #tpu.memory_space<hbm>>) target(%dma_start3A_714 : memref<1x64xf32, #tpu.memory_space<vmem>>) target_semaphore(%arg12 : memref<!tpu.dma_semaphore, #tpu.memory_space<semaphore_mem>>)
    }
    %scan3A_24 = arith.constant 16 : i32
    %mul3A_25 = arith.constant 3 : i32
    %mul3A_26 = arith.muli %mul3A_25, %add3A_19 : i32
    %dma_wait3A_27 = arith.constant 0 : i32
    %dma_wait3A_28 = tpu.memref_slice %arg7[%mul3A_26, %dma_wait3A_27] : memref<49152x64xf32, #tpu.memory_space<hbm>> -> memref<768x64xf32, #tpu.memory_space<hbm>>
    %dma_wait3A_29 = arith.constant 0 : i32
    %dma_wait3A_30 = tpu.memref_slice %arg7[%mul3A_26, %dma_wait3A_29] : memref<49152x64xf32, #tpu.memory_space<hbm>> -> memref<768x64xf32, #tpu.memory_space<hbm>>
    tpu.wait_dma2 semaphore(%arg12 : memref<!tpu.dma_semaphore, #tpu.memory_space<semaphore_mem>>) src(%dma_wait3A_30 : memref<768x64xf32, #tpu.memory_space<hbm>>) dst(%arg11 : memref<768x64xf32, #tpu.memory_space<vmem>>)
    %mul3A_31 = arith.constant 3 : i32
    %mul3A_32 = arith.muli %mul3A_31, %add3A_19 : i32
    "tpu.region"() ({
      %run_scoped3A = tpu.sem_alloc : memref<!tpu.dma_semaphore, #tpu.memory_space<semaphore_mem>>
      %dma_start3A = arith.constant 0 : i32
      %dma_start3A_33 = tpu.memref_slice %arg7[%mul3A_32, %dma_start3A] : memref<49152x64xf32, #tpu.memory_space<hbm>> -> memref<768x64xf32, #tpu.memory_space<hbm>>
      %dma_start3A_34 = arith.constant 0 : i32
      %dma_start3A_35 = tpu.memref_slice %arg7[%mul3A_32, %dma_start3A_34] : memref<49152x64xf32, #tpu.memory_space<hbm>> -> memref<768x64xf32, #tpu.memory_space<hbm>>
      tpu.enqueue_dma source(%arg11 : memref<768x64xf32, #tpu.memory_space<vmem>>) target(%dma_start3A_35 : memref<768x64xf32, #tpu.memory_space<hbm>>) target_semaphore(%run_scoped3A : memref<!tpu.dma_semaphore, #tpu.memory_space<semaphore_mem>>)
      %dma_wait3A_36 = arith.constant 0 : i32
      %dma_wait3A_37 = tpu.memref_slice %arg7[%mul3A_32, %dma_wait3A_36] : memref<49152x64xf32, #tpu.memory_space<hbm>> -> memref<768x64xf32, #tpu.memory_space<hbm>>
      %dma_wait3A_38 = arith.constant 0 : i32
      %dma_wait3A_39 = tpu.memref_slice %arg7[%mul3A_32, %dma_wait3A_38] : memref<49152x64xf32, #tpu.memory_space<hbm>> -> memref<768x64xf32, #tpu.memory_space<hbm>>
      tpu.wait_dma2 semaphore(%run_scoped3A : memref<!tpu.dma_semaphore, #tpu.memory_space<semaphore_mem>>) src(%arg11 : memref<768x64xf32, #tpu.memory_space<vmem>>) dst(%dma_wait3A_39 : memref<768x64xf32, #tpu.memory_space<hbm>>)
      tpu.yield
    }) : () -> ()
    return
  }
}

</mosaic_0001>

<sc_bundles>
// kernel: kernel.3.cloned.1.call-start
scs
__scs_entry_jumppad:
0x0: {  	(pc) =	sbr.rel $0x88, $3  }
0x1: {  	(tag) =	ssettag $0x0;
	lr =	simm.s32 $0x1  }
0x2: {  	[smem:$0x3F9C] =	sst lr;
	_ =	strace $0xD0000000  }
0x3: {  	_ = 	snop  }
0x4: {  	_ = 	snop  }
0x5: {  	_ = 	snop  }
0x6: {  	_ = 	snop  }
0x7: {  	_ = 	snop  }
__scs_overlays_trampoline_lowered:
0x8: {  	[smem:$0x3FAB] =	sst s0  }
0x9: {  	[smem:$0x3FAC] =	sst s1  }
0xa: {  	[smem:$0x3FAD] =	sst s2  }
0xb: {  	[smem:$0x3FAE] =	sst s3  }
0xc: {  	[smem:$0x3FAF] =	sst s4  }
0xd: {  	[smem:$0x3FB0] =	sst s5  }
0xe: {  	[smem:$0x3FB1] =	sst s6  }
0xf: {  	[smem:$0x3FB2] =	sst s7  }
0x10: {  	[smem:$0x3FB3] =	sst s8  }
0x11: {  	[smem:$0x3FB4] =	sst s9;
	s0 =	simm.s32 @!p0 $0x0  }
0x12: {  	s1 =	sld [smem:$0x3F9A];
	s0 =	simm.s32 @p0 $0x1  }
0x13: {  	[smem:$0x3FB5] =	sst s0;
	s0 =	simm.s32 @!p1 $0x0  }
0x14: {  	s2 =	sld [smem:$0x3F99];
	s0 =	simm.s32 @p1 $0x1  }
0x15: {  	[smem:$0x3FB6] =	sst s0;
	s0 =	simm.s32 @!p2 $0x0  }
0x16: {  	s3 =	sld [smem:$0x3FDB];
	s0 =	simm.s32 @p2 $0x1  }
0x17: {  	s4 =	simm.s32 $0x1BF5;
	[smem:$0x3FB8] =	sst s0  }
0x18: {  	s0 =	sld [smem:$0x3F9B];
	_ =	swait.ge [sflag:s4], $0x0  }
0x19: {  	s7 =	sld [smem:$0x3F9C]  }
0x1a: {  	s8 =	sadd.s32 $0xFFFFE003, lr  }
0x1b: {  	s9 =	sadd.s32 $0xFFFFFEF7, lr;
	s5 =	simm.s32 $0xFFFFFFFF;
	p2 =	slt.u32 s8, $0xFFFFF086  }
0x1c: {  	p1 =	slt.u32 s9, $0xF7A;
	s5 =	simm.s32 @!p2 $0x0  }
0x1d: {  	s5 =	simm.s32 @p1 $0x1;
	p0 =	seq.s32 s7, s2  }
0x1e: {  	s7 =	smul.u32 @!p0 $0xF7A, s2;
	p2 =	seq.s32 @!p0 s5, $0x0  }
0x1f: {  	s9 =	smul.u32 $0xF7A, s1;
	s8 =	simm.s32 @!p0 $0x1BF5;
	p2 =	por !p2, p0  }
0x20: {  	[sflag:s8] =	ssyncset.s32 @!p0 $0xFFFFF086;
	s6 =	sadd.s32 @!p0 s3, s7;
	s7 =	simm.s32 @!p0 $0x108  }
0x21: {  	s3 =	sadd.s32 s3, s9;
	s6 =	sadd.s32 @!p0 $0x88, s6;
	s7 =	simm.s32 @p2 $0x1082  }
0x22: {  	[simem:s7], [sflag:s8] =	dma.local @!p0 [hbm:s6], $0xF7A  }
0x23: {  	s9 =	sor.u32 $0xD0000000, s2;
	s6 =	simm.s32 $0x108;
	_ =	swait.ge @!p0 [sflag:s8], $0x0  }
0x24: {  	s3 =	sadd.s32 $0x88, s3;
	s6 =	simm.s32 @!p1 $0x1082;
	[sflag:s4] =	ssyncset.s32 $0xFFFFF086  }
0x25: {  	[simem:s6], [sflag:s4] =	dma.local [hbm:s3], $0xF7A  }
0x26: {  	[smem:$0x3F9C] =	sst s1;
	(tag) =	ssettag s2;
	_ =	strace s9  }
0x27: {  	s1 =	sld [smem:$0x3FAC]  }
0x28: {  	s2 =	sld [smem:$0x3FAD]  }
0x29: {  	s4 =	sld [smem:$0x3FAF]  }
0x2a: {  	p0 =	seq.s32 s5, $0x0;
	s5 =	sld [smem:$0x3FB0]  }
0x2b: {  	s6 =	sld [smem:$0x3FB1]  }
0x2c: {  	s7 =	sld [smem:$0x3FB2]  }
0x2d: {  	s3 =	simm.s32 $0x108;
	s8 =	sld [smem:$0x3FB3]  }
0x2e: {  	s3 =	simm.s32 @!p0 $0x1082;
	s9 =	sld [smem:$0x3FB4]  }
0x2f: {  	lr =	sadd.s32 s0, s3;
	s0 =	sld [smem:$0x3FAB]  }
0x30: {  	s3 =	sld [smem:$0x3FAE]  }
0x31: {  	[smem:$0x3FB7] =	sst s10  }
0x32: {  	s10 =	sld [smem:$0x3FB5];
	_ =	sdelay $0x3  }
0x33: {  	p0 =	seq.s32 s10, $0x1;
	s10 =	sld [smem:$0x3FB7];
	_ =	sdelay $0x3  }
0x34: {  	[smem:$0x3FB7] =	sst s10  }
0x35: {  	s10 =	sld [smem:$0x3FB6];
	_ =	sdelay $0x3  }
0x36: {  	p1 =	seq.s32 s10, $0x1;
	s10 =	sld [smem:$0x3FB7];
	_ =	sdelay $0x3  }
0x37: {  	[smem:$0x3FB7] =	sst s10  }
0x38: {  	s10 =	sld [smem:$0x3FB8]  }
0x39: {  	_ = 	snop;
	(pc) =	sbr.ind lr, $3  }
0x3a: {  	_ = 	snop  }
0x3b: {  	_ = 	snop  }
0x3c: {  	p2 =	seq.s32 s10, $0x1;
	s10 =	sld [smem:$0x3FB7]  }
0x3d: {  	_ =	shalt  }
0x3e: {  	_ =	shalt  }
0x3f: {  	_ =	shalt  }
0x40: {  	_ =	shalt  }
0x41: {  	_ =	shalt  }
0x42: {  	_ =	shalt  }
0x43: {  	_ =	shalt  }
0x44: {  	_ =	shalt  }
0x45: {  	_ =	shalt  }
0x46: {  	_ =	shalt  }
0x47: {  	_ =	shalt  }
0x48: {  	_ =	shalt  }
0x49: {  	_ =	shalt  }
0x4a: {  	_ =	shalt  }
0x4b: {  	_ =	shalt  }
0x4c: {  	_ =	shalt  }
0x4d: {  	_ =	shalt  }
0x4e: {  	_ =	shalt  }
0x4f: {  	_ =	shalt  }
0x50: {  	_ =	shalt  }
0x51: {  	_ =	shalt  }
0x52: {  	_ =	shalt  }
0x53: {  	_ =	shalt  }
0x54: {  	_ =	shalt  }
0x55: {  	_ =	shalt  }
0x56: {  	_ =	shalt  }
0x57: {  	_ =	shalt  }
0x58: {  	_ =	shalt  }
0x59: {  	_ =	shalt  }
0x5a: {  	_ =	shalt  }
0x5b: {  	_ =	shalt  }
0x5c: {  	_ =	shalt  }
0x5d: {  	_ =	shalt  }
0x5e: {  	_ =	shalt  }
0x5f: {  	_ =	shalt  }
0x60: {  	_ =	shalt  }
0x61: {  	_ =	shalt  }
0x62: {  	_ =	shalt  }
0x63: {  	_ =	shalt  }
0x64: {  	_ =	shalt  }
0x65: {  	_ =	shalt  }
0x66: {  	_ =	shalt  }
0x67: {  	_ =	shalt  }
0x68: {  	_ =	shalt  }
0x69: {  	_ =	shalt  }
0x6a: {  	_ =	shalt  }
0x6b: {  	_ =	shalt  }
0x6c: {  	_ =	shalt  }
0x6d: {  	_ =	shalt  }
0x6e: {  	_ =	shalt  }
0x6f: {  	_ =	shalt  }
0x70: {  	_ =	shalt  }
0x71: {  	_ =	shalt  }
0x72: {  	_ =	shalt  }
0x73: {  	_ =	shalt  }
0x74: {  	_ =	shalt  }
0x75: {  	_ =	shalt  }
0x76: {  	_ =	shalt  }
0x77: {  	_ =	shalt  }
0x78: {  	_ =	shalt  }
0x79: {  	_ =	shalt  }
0x7a: {  	_ =	shalt  }
0x7b: {  	_ =	shalt  }
0x7c: {  	_ =	shalt  }
0x7d: {  	_ =	shalt  }
0x7e: {  	_ =	shalt  }
0x7f: {  	_ =	shalt  }
0x80: {  	_ =	shalt  }
0x81: {  	_ =	shalt  }
0x82: {  	_ =	shalt  }
0x83: {  	_ =	shalt  }
0x84: {  	_ =	shalt  }
0x85: {  	_ =	shalt  }
0x86: {  	_ =	shalt  }
0x87: {  	_ =	shalt  }
.Lfunc_end0:
.L_simem_size_0:
called_computation_lowered:
.L_overlay_start_0:
0x88: {  	s2 =	sld [smem:$0x3FD9]  }
0x89: {  	s3 =	sld [smem:$0x3FFE];
	_ =	sdelay $0x1  }
0x8a: {  	s1 =	srdreg.scid  }
0x8b: {  	s0 =	sand.u32 $0x1, s1  }
0x8c: {  	s17 =	sshll.u32 s0, $0xA;
	s2 =	sadd.s32 s3, s2  }
0x8d: {  	s2 =	sadd.s32 s2, s17  }
0x8e: {  	[smem:$0x3FC3] =	sst s2  }
0x8f: {  	_ = 	snop  }
0x90: {  	s2 =	sld [smem:$0x3FC9]  }
0x91: {  	s18 =	sld [smem:$0x3FC8]  }
0x92: {  	s4 =	sld [smem:$0x3FC7]  }
0x93: {  	s5 =	sld [smem:$0x3FD0];
	(tm) =	ssettm $0x1  }
0x94: {  	s6 =	sld [smem:$0x3FFB];
	_ =	sdelay $0x3  }
0x95: {  	_ =	strace s6  }
0x96: {  	s6 =	sld [smem:$0x3FFC];
	_ =	sdelay $0x3  }
0x97: {  	_ =	strace s6  }
0x98: {  	s6 =	sld [smem:$0x3FFD];
	_ =	sdelay $0x3  }
0x99: {  	_ =	strace s6  }
0x9a: {  	_ =	strace $0x8FFFFFFF  }
0x9b: {  	s19 =	sld [smem:$0x3FDB];
	_ =	sdelay $0x1  }
0x9c: {  	s7 =	simm.s32 $_scs_section_size  }
0x9d: {  	s8 =	simm.s32 $_size__tile_overlayer_lowered;
	s9 =	simm.s32 $_tile_overlayer_lowered  }
0x9e: {  	s22 =	simm.s32 $0x1BFF;
	s21 =	sshll.u32 s9, $0x1;
	s6 =	sadd.s32 s7, s19  }
0x9f: {  	s10 =	simm.s32 $0x0;
	s20 =	sshll.u32 s8, $0x1;
	s8 =	sadd.s32 s21, s6  }
0xa0: {  	[timem:s10], [sflag:s22] =	dma.local [hbm:s8], s20  }
0xa1: {  	_ =	swait.ge [sflag:s22], s20  }
0xa2: {  	s7 =	ssub.s32 $0x0, s20;
	[sflag:s22] =	ssyncset.done $0x0  }
0xa3: {  	[sflag:s22] =	ssyncadd.s32 s7;
	_ =	sdelay $0x1  }
0xa4: {  	s23 =	simm.s32 $0x1B8B  }
0xa5: {  	_ =	swait.ge [sflag:s23], $0x1  }
0xa6: {  	[sflag:s23] =	ssyncset.done $0x0  }
0xa7: {  	s25 =	simm.s32 $0x1B8E;
	s24 =	sld [smem:$0x3FFE];
	[sflag:s23] =	ssyncadd.s32 $0xFFFFFFFF  }
0xa8: {  	s26 =	simm.s32 $execute0_lowered;
	[smem:$0x3FD2] =	sst s25  }
0xa9: {  	s8 =	sshll.u32 s26, $0x1;
	_ =	strace $0x80000046;
	[dreg:$0x1] =	wrdreg $0xFFFFFFFF  }
0xaa: {  	s28 =	simm.s32 $_size_execute0_lowered;
	s6 =	sadd.s32 s6, s8;
	[dreg:$0x0] =	wrdreg $0x0  }
0xab: {  	s8 =	sshll.u32 s28, $0x1;
	[dreg:$0x2] =	wrdreg s6  }
0xac: {  	[dreg:$0x3] =	wrdreg s8  }
0xad: {  	[dreg:$0x4] =	wrdreg $0xC0  }
0xae: {  	_ =	task [dreg:s10], $0x5FFFF  }
0xaf: {  	[dreg:$0x1] =	wrdreg $0xFFFFFFFF  }
0xb0: {  	[dreg:$0x0] =	wrdreg $0x60  }
0xb1: {  	[dreg:$0x2] =	wrdreg s2  }
0xb2: {  	[dreg:$0x3] =	wrdreg s18  }
0xb3: {  	[dreg:$0x4] =	wrdreg s4  }
0xb4: {  	[dreg:$0x5] =	wrdreg s24  }
0xb5: {  	[dreg:$0x6] =	wrdreg s5  }
0xb6: {  	[dreg:$0x7] =	wrdreg $0x9  }
0xb7: {  	_ =	task.clear_ibuf [dreg:s10], $0x8FFFF;
	_ =	strace $0x90000046  }
0xb8: {  	s29 =	simm.s32 $0x9;
	_ =	strace $0x80000048  }
0xb9: {  	_ =	swait.ge [sflag:s29], $0x1  }
0xba: {  	[sflag:s29] =	ssyncadd.s32 $0xFFFFFFFF  }
0xbb: {  	_ =	strace $0x90000048  }
0xbc: {  	_ =	sfence  }
0xbd: {  	s30 =	sld [smem:$0x0];
	_ =	sdelay $0x2  }
0xbe: {  	s31 =	sshll.u32 s1, $0xD;
	s1 =	sshrl.u32 s1, $0x2  }
0xbf: {  	s3 =	sand.u32 $0x4000, s31;
	s1 =	sadd.s32 s1, s30  }
0xc0: {  	s0 =	sor.u32 s3, s0;
	s1 =	sshll.u32 s1, $0x11  }
0xc1: {  	s0 =	sor.u32 s1, s0  }
0xc2: {  	s0 =	sadd.s32 $0x8F2B, s0  }
0xc3: {  	[sflag:s0] =	ssyncadd.remote.s32 $0x1  }
0xc4: {  	_ =	sfence.sel $0xFFFF  }
0xc5: {  	[dreg:$0x0] =	wrdreg $0xFFFFFFFF;
	(pc) =	sbr.abs _section_cstart, $3  }
0xc6: {  	[dreg:$0x1] =	wrdreg $0xFFFFFFFF  }
0xc7: {  	_ =	task.clear_ibuf [dreg:s10], $0x2FFFF;
	_ =	strace $0x9FFFFFFF  }
0xc8: {  	(tm) =	ssettm $0x7FFFFFFF  }
0xc9: {  	_ =	shalt  }
tec
execute0_lowered:
.L_overlay_start_1:
0x0: {  	(tag) =	ssettag $0x1  }
0x1: {  	s0 =	rddreg [dreg:$0x0]  }
0x2: {  	s2 =	rddreg [dreg:$0x1]  }
0x3: {  	s5 =	rddreg [dreg:$0x2]  }
0x4: {  	s6 =	rddreg [dreg:$0x3]  }
0x5: {  	s3 =	simm.s32 $0x0;
	s4 =	srdreg.scid;
	s1 =	stileid.u32  }
0x6: {  	[smem:$0x7FF] =	sst s3;
	s7 =	sand.u32 $0x1, s4;
	s9 =	sshll.u32 s1, $0x1  }
0x7: {  	s4 =	sadd.s32 $0x400, s6;
	s8 =	ssub.s32 $0x2, s7;
	s7 =	sor.u32 s7, s9  }
0x8: {  	s6 =	sadd.s32 $0xF42800, s6;
	_ =	strace $0x80000047;
	s9 =	sshll.u32 s7, $0x6  }
0x9: {  	s10 =	sshrl.u32 s8, $0x1;
	s20 =	sshll.u32 s7, $0x9;
	s21 =	sadd.s32 s0, s9  }
0xa: {  	s7 =	smul.u32 $0x6000, s7;
	s22 =	sadd.s32 s2, s9;
	[smem:$0x7F5] =	sst s21  }
0xb: {  	s8 =	ssub.s32 s8, s10;
	s23 =	sadd.s32 s5, s9;
	[smem:$0x7F6] =	sst s22  }
0xc: {  	s24 =	sor.u32 $0x100, s20;
	[smem:$0x7F7] =	sst s23;
	s25 =	sadd.s32 s6, s7  }
0xd: {  	s26 =	sshrl.u32 s24, $0x3;
	s31 =	smax.u32 s8, $0x1;
	[smem:$0x7F8] =	sst s25  }
0xe: {  	s0 =	sadd.s32 s0, s26;
	[smem:$0x7FD] =	sst s31  }
0xf: {  	s9 =	smul.u32 $0x30, s24;
	s28 =	sadd.s32 s2, s26;
	[smem:$0x7F9] =	sst s0  }
0x10: {  	s29 =	sadd.s32 s5, s26;
	[smem:$0x7FA] =	sst s28  }
0x11: {  	[smem:$0x7FB] =	sst s29;
	s30 =	sadd.s32 s6, s9  }
0x12: {  	s1 =	simm.s32 $0x0;
	s5 =	simm.s32 $0x2;
	[smem:$0x7FC] =	sst s30  }
.LBB2_1:
0x13: {  	s0 =	sld [smem:$0x7F5];
	_ =	sdelay $0x1  }
0x14: {  	[smem:$0x7F4] =	sst s1  }
0x15: {  	[tilespmem:s3], [sflag:$0x2] =	stream.linear.gather [hbm4b:s0+s3], $0x100, $0x38;
	[tilespmem:$0x18300] =	vst v63  }
0x16: {  	_ =	swait.ge [sflag:s5], $0x100  }
0x17: {  	s14 =	sld [smem:$0x7F6]  }
0x18: {  	[sflag:s5] =	ssyncset.done $0x0  }
0x19: {  	s13 =	simm.s32 $0x100;
	[sflag:s5] =	ssyncadd.s32 $0xFFFFFF00  }
0x1a: {  	[tilespmem:s13], [sflag:$0x2] =	stream.linear.gather [hbm4b:s14+s3], $0x100, $0x38;
	[tilespmem:$0x18300] =	vst v63  }
0x1b: {  	_ =	swait.ge [sflag:s5], $0x100  }
0x1c: {  	s15 =	sld [smem:$0x7F7]  }
0x1d: {  	[sflag:s5] =	ssyncset.done $0x0  }
0x1e: {  	s2 =	simm.s32 $0x200;
	[sflag:s5] =	ssyncadd.s32 $0xFFFFFF00  }
0x1f: {  	[tilespmem:s2], [sflag:$0x2] =	stream.linear.gather [hbm4b:s15+s3], $0x100, $0x38;
	[tilespmem:$0x18300] =	vst v63  }
0x20: {  	_ =	swait.ge [sflag:s5], $0x100  }
0x21: {  	[sflag:s5] =	ssyncset.done $0x0  }
0x22: {  	[sflag:s5] =	ssyncadd.s32 $0xFFFFFF00  }
0x23: {  	v0 =	vld [tilespmem:s3+$0x0]  }
0x24: {  	v1 =	vld [tilespmem:s13+$0x0]  }
0x25: {  	v3 =	vld [tilespmem:s2+$0x0];
	_ =	sdelay $0x2  }
0x26: {  	v2 =	vshll.u32 v0, $0x4  }
0x27: {  	v1 =	vshll.u32 v1, $0x4;
	(v2sf) =	vpush v2, $0x0  }
0x28: {  	v63 =	vshll.u32 v3, $0x4;
	(v2sf) =	vpush v1, $0x0  }
0x29: {  	(v2sf) =	vpush v63, $0x0;
	_ =	sdelay $0x2  }
0x2a: {  	(v2sf) =	vpush v2, $0x1  }
0x2b: {  	(v2sf) =	vpush v1, $0x1;
	_ =	sdelay $0x3  }
0x2c: {  	s17 =	simm.s32 $0x6000;
	s18 =	simm.s32 $0x0;
	(v2sf) =	vpush v63, $0x1  }
0x2d: {  	s6 =	simm.s32 $0x400;
	s7 =	simm.s32 $0x800;
	s16 =	simm.s32 $0x300  }
0x2e: {  	s8 =	simm.s32 $0x380;
	s10 =	simm.s32 $0x580;
	s11 =	simm.s32 $0x780;
	(v2sf) =	vpush v2, $0x2  }
0x2f: {  	s22 =	simm.s32 $0x480;
	s24 =	simm.s32 $0x500;
	s29 =	simm.s32 $0x1680  }
0x30: {  	s30 =	simm.s32 $0x1780;
	s31 =	simm.s32 $0x1700;
	s0 =	simm.s32 $0x1080  }
0x31: {  	s14 =	simm.s32 $0x110;
	s15 =	simm.s32 $0x210;
	s9 =	spop (v2sf)  }
0x32: {  	s5 =	simm.s32 $0xD80;
	(v2sf) =	vpush v1, $0x2;
	s9 =	sand.u32 $0x1FFFFFF0, s9;
	s12 =	spop (v2sf)  }
0x33: {  	s2 =	simm.s32 $0xF00;
	s9 =	sadd.s32 s4, s9;
	s20 =	spop (v2sf)  }
0x34: {  	(v2sf) =	vpush v63, $0x2;
	[tilespmem:s16], [sflag:$0x1] =	stream.linear.gather [hbm4b:s9+s3], $0x80, $0x38;
	[tilespmem:$0x18300] =	vst v63  }
0x35: {  	s1 =	rddreg [dreg:$0x4];
	s19 =	sand.u32 $0x1FFFFFF0, s12;
	(v2sf) =	vpush v2, $0x3;
	s12 =	sand.u32 $0x1FFFFFF0, s20  }
0x36: {  	s13 =	spop (v2sf);
	s9 =	sadd.s32 s1, s19;
	s16 =	simm.s32 $0x600  }
0x37: {  	(v2sf) =	vpush v1, $0x3;
	s20 =	simm.s32 $0x680;
	s21 =	sand.u32 $0x1FFFFFF0, s13;
	s23 =	spop (v2sf)  }
0x38: {  	(v2sf) =	vpush v63, $0x3;
	[tilespmem:s8], [sflag:$0x1] =	stream.linear.gather [hbm4b:s9+s3], $0x80, $0x38;
	[tilespmem:$0x18300] =	vst v63  }
0x39: {  	s12 =	sadd.s32 s4, s12;
	s8 =	simm.s32 $0x880;
	s9 =	sadd.s32 s4, s21  }
0x3a: {  	(v2sf) =	vpush v2, $0x4;
	[tilespmem:s6], [sflag:$0x1] =	stream.linear.gather [hbm4b:s12+s3], $0x80, $0x38;
	[tilespmem:$0x18300] =	vst v63  }
0x3b: {  	s25 =	sand.u32 $0x1FFFFFF0, s23;
	s26 =	spop (v2sf);
	s23 =	simm.s32 $0x700  }
0x3c: {  	[tilespmem:s22], [sflag:$0x1] =	stream.linear.gather [hbm4b:s9+s3], $0x80, $0x38;
	[tilespmem:$0x18300] =	vst v63  }
0x3d: {  	s28 =	spop (v2sf);
	s12 =	sand.u32 $0x1FFFFFF0, s26;
	s9 =	sadd.s32 s1, s25  }
0x3e: {  	(v2sf) =	vpush v1, $0x4;
	[tilespmem:s24], [sflag:$0x1] =	stream.linear.gather [hbm4b:s9+s3], $0x80, $0x38;
	[tilespmem:$0x18300] =	vst v63  }
0x3f: {  	s13 =	sand.u32 $0x1FFFFFF0, s28;
	s6 =	simm.s32 $0x1180;
	s12 =	sadd.s32 s4, s12  }
0x40: {  	[tilespmem:s10], [sflag:$0x1] =	stream.linear.gather [hbm4b:s12+s3], $0x80, $0x38;
	[tilespmem:$0x18300] =	vst v63  }
0x41: {  	s28 =	simm.s32 $0x980;
	s12 =	sadd.s32 s4, s13;
	s19 =	spop (v2sf)  }
0x42: {  	(v2sf) =	vpush v63, $0x4;
	[tilespmem:s16], [sflag:$0x1] =	stream.linear.gather [hbm4b:s12+s3], $0x80, $0x38;
	[tilespmem:$0x18300] =	vst v63  }
0x43: {  	s9 =	simm.s32 $0xB00;
	s10 =	sand.u32 $0x1FFFFFF0, s19;
	s21 =	spop (v2sf)  }
0x44: {  	(v2sf) =	vpush v2, $0x5;
	s10 =	sadd.s32 s1, s10;
	s12 =	sand.u32 $0x1FFFFFF0, s21;
	s22 =	spop (v2sf)  }
0x45: {  	(v2sf) =	vpush v1, $0x5;
	[tilespmem:s20], [sflag:$0x1] =	stream.linear.gather [hbm4b:s10+s3], $0x80, $0x38;
	[tilespmem:$0x18300] =	vst v63  }
0x46: {  	s19 =	simm.s32 $0xA00;
	s24 =	sadd.s32 s4, s12;
	s26 =	spop (v2sf)  }
0x47: {  	s25 =	sand.u32 $0x1FFFFFF0, s22;
	(v2sf) =	vpush v63, $0x5;
	s22 =	simm.s32 $0x900;
	s13 =	spop (v2sf)  }
0x48: {  	(v2sf) =	vpush v2, $0x6;
	[tilespmem:s23], [sflag:$0x1] =	stream.linear.gather [hbm4b:s24+s3], $0x80, $0x38;
	[tilespmem:$0x18300] =	vst v63  }
0x49: {  	s12 =	sadd.s32 s4, s25;
	s10 =	sand.u32 $0x1FFFFFF0, s26;
	s16 =	spop (v2sf)  }
0x4a: {  	[tilespmem:s11], [sflag:$0x1] =	stream.linear.gather [hbm4b:s12+s3], $0x80, $0x38;
	[tilespmem:$0x18300] =	vst v63  }
0x4b: {  	s10 =	sadd.s32 s1, s10;
	(v2sf) =	vpush v1, $0x6;
	s21 =	sand.u32 $0x1FFFFFF0, s16;
	s12 =	sand.u32 $0x1FFFFFF0, s13  }
0x4c: {  	[tilespmem:s7], [sflag:$0x1] =	stream.linear.gather [hbm4b:s10+s3], $0x80, $0x38;
	[tilespmem:$0x18300] =	vst v63  }
0x4d: {  	s23 =	spop (v2sf);
	(v2sf) =	vpush v63, $0x6;
	s11 =	simm.s32 $0xC80;
	s20 =	sadd.s32 s4, s12  }
0x4e: {  	[tilespmem:s8], [sflag:$0x1] =	stream.linear.gather [hbm4b:s20+s3], $0x80, $0x38;
	[tilespmem:$0x18300] =	vst v63  }
0x4f: {  	(v2sf) =	vpush v2, $0x7;
	s13 =	simm.s32 $0xA80;
	s12 =	sadd.s32 s4, s21;
	s8 =	sand.u32 $0x1FFFFFF0, s23  }
0x50: {  	[tilespmem:s22], [sflag:$0x1] =	stream.linear.gather [hbm4b:s12+s3], $0x80, $0x38;
	[tilespmem:$0x18300] =	vst v63  }
0x51: {  	s21 =	simm.s32 $0xB80;
	s8 =	sadd.s32 s1, s8;
	s24 =	spop (v2sf)  }
0x52: {  	[tilespmem:s28], [sflag:$0x1] =	stream.linear.gather [hbm4b:s8+s3], $0x80, $0x38;
	[tilespmem:$0x18300] =	vst v63  }
0x53: {  	s7 =	simm.s32 $0x1200;
	s12 =	sand.u32 $0x1FFFFFF0, s24;
	s25 =	spop (v2sf)  }
0x54: {  	s8 =	simm.s32 $0x1280;
	s26 =	sadd.s32 s4, s12;
	s16 =	spop (v2sf)  }
0x55: {  	(v2sf) =	vpush v1, $0x7;
	[tilespmem:s19], [sflag:$0x1] =	stream.linear.gather [hbm4b:s26+s3], $0x80, $0x38;
	[tilespmem:$0x18300] =	vst v63  }
0x56: {  	(v2sf) =	vpush v63, $0x7;
	s24 =	simm.s32 $0xC00;
	s28 =	sand.u32 $0x1FFFFFF0, s25;
	s19 =	spop (v2sf)  }
0x57: {  	s12 =	sadd.s32 s4, s28;
	s10 =	sand.u32 $0x1FFFFFF0, s16;
	s20 =	spop (v2sf)  }
0x58: {  	(v2sf) =	vpush v2, $0x8;
	[tilespmem:s13], [sflag:$0x1] =	stream.linear.gather [hbm4b:s12+s3], $0x80, $0x38;
	[tilespmem:$0x18300] =	vst v63  }
0x59: {  	s10 =	sadd.s32 s1, s10;
	s12 =	sand.u32 $0x1FFFFFF0, s19;
	s23 =	sand.u32 $0x1FFFFFF0, s20  }
0x5a: {  	(v2sf) =	vpush v1, $0x8;
	s25 =	spop (v2sf);
	s13 =	simm.s32 $0x1A00;
	s22 =	sadd.s32 s4, s12  }
0x5b: {  	(v2sf) =	vpush v63, $0x8;
	[tilespmem:s9], [sflag:$0x1] =	stream.linear.gather [hbm4b:s10+s3], $0x80, $0x38;
	[tilespmem:$0x18300] =	vst v63  }
0x5c: {  	s12 =	sadd.s32 s4, s23;
	s26 =	spop (v2sf);
	s10 =	sand.u32 $0x1FFFFFF0, s25  }
0x5d: {  	(v2sf) =	vpush v2, $0x9;
	[tilespmem:s21], [sflag:$0x1] =	stream.linear.gather [hbm4b:s22+s3], $0x80, $0x38;
	[tilespmem:$0x18300] =	vst v63  }
0x5e: {  	s9 =	simm.s32 $0x1100;
	s28 =	spop (v2sf);
	s10 =	sadd.s32 s1, s10  }
0x5f: {  	(v2sf) =	vpush v1, $0x9;
	[tilespmem:s24], [sflag:$0x1] =	stream.linear.gather [hbm4b:s12+s3], $0x80, $0x38;
	[tilespmem:$0x18300] =	vst v63  }
0x60: {  	s19 =	sand.u32 $0x1FFFFFF0, s28;
	s28 =	simm.s32 $0x1000;
	s12 =	sand.u32 $0x1FFFFFF0, s26  }
0x61: {  	[tilespmem:s11], [sflag:$0x1] =	stream.linear.gather [hbm4b:s10+s3], $0x80, $0x38;
	[tilespmem:$0x18300] =	vst v63  }
0x62: {  	s21 =	simm.s32 $0xE00;
	s16 =	sadd.s32 s4, s12;
	s11 =	simm.s32 $0xD00  }
0x63: {  	[tilespmem:s11], [sflag:$0x1] =	stream.linear.gather [hbm4b:s16+s3], $0x80, $0x38;
	[tilespmem:$0x18300] =	vst v63  }
0x64: {  	s24 =	simm.s32 $0xE80;
	s12 =	sadd.s32 s4, s19;
	s20 =	spop (v2sf)  }
0x65: {  	s10 =	simm.s32 $0xF80;
	(v2sf) =	vpush v63, $0x9;
	s11 =	sand.u32 $0x1FFFFFF0, s20;
	s22 =	spop (v2sf)  }
0x66: {  	(v2sf) =	vpush v2, $0xA;
	[tilespmem:s5], [sflag:$0x1] =	stream.linear.gather [hbm4b:s12+s3], $0x80, $0x38;
	[tilespmem:$0x18300] =	vst v63  }
0x67: {  	s11 =	sadd.s32 s1, s11;
	s12 =	sand.u32 $0x1FFFFFF0, s22;
	s23 =	spop (v2sf)  }
0x68: {  	(v2sf) =	vpush v1, $0xA;
	[tilespmem:s21], [sflag:$0x1] =	stream.linear.gather [hbm4b:s11+s3], $0x80, $0x38;
	[tilespmem:$0x18300] =	vst v63  }
0x69: {  	s25 =	sadd.s32 s4, s12;
	s26 =	sand.u32 $0x1FFFFFF0, s23;
	s16 =	spop (v2sf)  }
0x6a: {  	(v2sf) =	vpush v63, $0xA;
	s12 =	sadd.s32 s4, s26;
	s19 =	sand.u32 $0x1FFFFFF0, s16;
	s20 =	spop (v2sf)  }
0x6b: {  	(v2sf) =	vpush v2, $0xB;
	[tilespmem:s24], [sflag:$0x1] =	stream.linear.gather [hbm4b:s25+s3], $0x80, $0x38;
	[tilespmem:$0x18300] =	vst v63  }
0x6c: {  	s11 =	sand.u32 $0x1FFFFFF0, s20;
	s21 =	spop (v2sf);
	s20 =	simm.s32 $0x1300  }
0x6d: {  	(v2sf) =	vpush v1, $0xB;
	[tilespmem:s2], [sflag:$0x1] =	stream.linear.gather [hbm4b:s12+s3], $0x80, $0x38;
	[tilespmem:$0x18300] =	vst v63  }
0x6e: {  	s22 =	sadd.s32 s4, s11;
	s24 =	spop (v2sf);
	s2 =	sadd.s32 s1, s19  }
0x6f: {  	(v2sf) =	vpush v63, $0xB;
	[tilespmem:s10], [sflag:$0x1] =	stream.linear.gather [hbm4b:s2+s3], $0x80, $0x38;
	[tilespmem:$0x18300] =	vst v63  }
0x70: {  	s23 =	sand.u32 $0x1FFFFFF0, s21;
	s11 =	simm.s32 $0x1900;
	s2 =	sand.u32 $0x1FFFFFF0, s24  }
0x71: {  	(v2sf) =	vpush v2, $0xC;
	[tilespmem:s28], [sflag:$0x1] =	stream.linear.gather [hbm4b:s22+s3], $0x80, $0x38;
	[tilespmem:$0x18300] =	vst v63  }
0x72: {  	s25 =	sadd.s32 s4, s23;
	s23 =	simm.s32 $0x1380;
	s2 =	sadd.s32 s1, s2  }
0x73: {  	[tilespmem:s0], [sflag:$0x1] =	stream.linear.gather [hbm4b:s25+s3], $0x80, $0x38;
	[tilespmem:$0x18300] =	vst v63  }
0x74: {  	s22 =	simm.s32 $0x10;
	s0 =	simm.s32 $0x1580;
	s26 =	spop (v2sf)  }
0x75: {  	s25 =	simm.s32 $0x1400;
	s5 =	sand.u32 $0x1FFFFFF0, s26;
	s28 =	spop (v2sf)  }
0x76: {  	(v2sf) =	vpush v1, $0xC;
	[tilespmem:s9], [sflag:$0x1] =	stream.linear.gather [hbm4b:s2+s3], $0x80, $0x38;
	[tilespmem:$0x18300] =	vst v63  }
0x77: {  	s9 =	sadd.s32 s4, s5;
	s10 =	sand.u32 $0x1FFFFFF0, s28;
	s12 =	spop (v2sf)  }
0x78: {  	(v2sf) =	vpush v63, $0xC;
	[tilespmem:s6], [sflag:$0x1] =	stream.linear.gather [hbm4b:s9+s3], $0x80, $0x38;
	[tilespmem:$0x18300] =	vst v63  }
0x79: {  	s2 =	simm.s32 $0x1480;
	s5 =	sadd.s32 s4, s10;
	s16 =	spop (v2sf)  }
0x7a: {  	s6 =	sand.u32 $0x1FFFFFF0, s12;
	(v2sf) =	vpush v2, $0xD;
	s9 =	simm.s32 $0x1980;
	s19 =	spop (v2sf)  }
0x7b: {  	[tilespmem:s7], [sflag:$0x1] =	stream.linear.gather [hbm4b:s5+s3], $0x80, $0x38;
	[tilespmem:$0x18300] =	vst v63  }
0x7c: {  	s6 =	sadd.s32 s1, s6;
	(v2sf) =	vpush v1, $0xD;
	s7 =	sand.u32 $0x1FFFFFF0, s16;
	s24 =	spop (v2sf)  }
0x7d: {  	[tilespmem:s8], [sflag:$0x1] =	stream.linear.gather [hbm4b:s6+s3], $0x80, $0x38;
	[tilespmem:$0x18300] =	vst v63  }
0x7e: {  	s21 =	sand.u32 $0x1FFFFFF0, s19;
	s7 =	sadd.s32 s4, s7;
	s26 =	spop (v2sf)  }
0x7f: {  	[tilespmem:s20], [sflag:$0x1] =	stream.linear.gather [hbm4b:s7+s3], $0x80, $0x38;
	[tilespmem:$0x18300] =	vst v63  }
0x80: {  	s5 =	simm.s32 $0x1500;
	s8 =	sadd.s32 s4, s21;
	s28 =	spop (v2sf)  }
0x81: {  	[tilespmem:s23], [sflag:$0x1] =	stream.linear.gather [hbm4b:s8+s3], $0x80, $0x38;
	[tilespmem:$0x18300] =	vst v63  }
0x82: {  	s12 =	sand.u32 $0x1FFFFFF0, s28;
	s7 =	sand.u32 $0x1FFFFFF0, s24;
	s8 =	sand.u32 $0x1FFFFFF0, s26  }
0x83: {  	s19 =	sadd.s32 s4, s12;
	s7 =	sadd.s32 s1, s7;
	s10 =	sadd.s32 s4, s8  }
0x84: {  	[tilespmem:s25], [sflag:$0x1] =	stream.linear.gather [hbm4b:s7+s3], $0x80, $0x38;
	[tilespmem:$0x18300] =	vst v63  }
0x85: {  	s8 =	simm.s32 $0x1800;
	s7 =	simm.s32 $0x1880;
	s16 =	spop (v2sf)  }
0x86: {  	(v2sf) =	vpush v63, $0xD;
	[tilespmem:s2], [sflag:$0x1] =	stream.linear.gather [hbm4b:s10+s3], $0x80, $0x38;
	[tilespmem:$0x18300] =	vst v63  }
0x87: {  	s25 =	simm.s32 $0x1600;
	(v2sf) =	vpush v2, $0xE;
	s20 =	sand.u32 $0x1FFFFFF0, s16;
	s21 =	spop (v2sf)  }
0x88: {  	(v2sf) =	vpush v1, $0xE;
	[tilespmem:s5], [sflag:$0x1] =	stream.linear.gather [hbm4b:s19+s3], $0x80, $0x38;
	[tilespmem:$0x18300] =	vst v63  }
0x89: {  	s23 =	sadd.s32 s1, s20;
	s24 =	sand.u32 $0x1FFFFFF0, s21;
	(v2sf) =	vpush v63, $0xE;
	s28 =	spop (v2sf)  }
0x8a: {  	(v2sf) =	vpush v2, $0xF;
	[tilespmem:s0], [sflag:$0x1] =	stream.linear.gather [hbm4b:s23+s3], $0x80, $0x38;
	[tilespmem:$0x18300] =	vst v63  }
0x8b: {  	s26 =	sadd.s32 s4, s24;
	(v2sf) =	vpush v1, $0xF;
	s0 =	sand.u32 $0x1FFFFFF0, s28;
	s2 =	spop (v2sf)  }
0x8c: {  	(v2sf) =	vpush v63, $0xF;
	[tilespmem:s25], [sflag:$0x1] =	stream.linear.gather [hbm4b:s26+s3], $0x80, $0x38;
	[tilespmem:$0x18300] =	vst v63  }
.LBB2_2:
0x8d: {  	_ =	sdelay $0x3  }
0x8e: {  	s0 =	sadd.s32 s4, s0;
	s2 =	sand.u32 $0x1FFFFFF0, s2;
	s28 =	rddreg [dreg:$0x4]  }
0x8f: {  	[tilespmem:s29], [sflag:$0x1] =	stream.linear.gather [hbm4b:s0+s3], $0x80, $0x38;
	[tilespmem:$0x18300] =	vst v63  }
0x90: {  	s21 =	sadd.s32 s28, s2  }
0x91: {  	[tilespmem:s31], [sflag:$0x1] =	stream.linear.gather [hbm4b:s21+s3], $0x80, $0x38;
	[tilespmem:$0x18300] =	vst v63  }
0x92: {  	s5 =	spop (v2sf)  }
0x93: {  	s6 =	smov.u32 s17;
	s23 =	sand.u32 $0x1FFFFFF0, s5;
	s24 =	spop (v2sf)  }
0x94: {  	s25 =	sadd.s32 s4, s23;
	s26 =	sand.u32 $0x1FFFFFF0, s24;
	s1 =	spop (v2sf)  }
0x95: {  	[tilespmem:s30], [sflag:$0x1] =	stream.linear.gather [hbm4b:s25+s3], $0x80, $0x38;
	[tilespmem:$0x18300] =	vst v63  }
0x96: {  	s2 =	sadd.s32 s4, s26;
	s10 =	sand.u32 $0x1FFFFFF0, s1;
	s12 =	spop (v2sf)  }
0x97: {  	s16 =	sadd.s32 s28, s10;
	s19 =	sand.u32 $0x1FFFFFF0, s12;
	s20 =	spop (v2sf)  }
0x98: {  	[tilespmem:s8], [sflag:$0x1] =	stream.linear.gather [hbm4b:s2+s3], $0x80, $0x38;
	[tilespmem:$0x18300] =	vst v63  }
0x99: {  	s21 =	sadd.s32 s4, s19;
	s23 =	sand.u32 $0x1FFFFFF0, s20;
	s24 =	spop (v2sf)  }
0x9a: {  	s8 =	sadd.s32 $0x1A80, s18;
	s18 =	sshra.s32 s6, $0x2;
	s25 =	sadd.s32 s4, s23  }
0x9b: {  	[tilespmem:s7], [sflag:$0x1] =	stream.linear.gather [hbm4b:s16+s3], $0x80, $0x38;
	[tilespmem:$0x18300] =	vst v63  }
0x9c: {  	s26 =	sand.u32 $0x1FFFFFF0, s24;
	s1 =	spop (v2sf);
	s10 =	sadd.s32 $0x800, s18  }
0x9d: {  	[tilespmem:s11], [sflag:$0x1] =	stream.linear.gather [hbm4b:s21+s3], $0x80, $0x38;
	[tilespmem:$0x18300] =	vst v63  }
0x9e: {  	s12 =	sadd.s32 $0xF00, s18;
	s19 =	sadd.s32 $0x1180, s18;
	[smem:$0x7E7] =	sst s10  }
0x9f: {  	[tilespmem:s9], [sflag:$0x1] =	stream.linear.gather [hbm4b:s25+s3], $0x80, $0x38;
	[tilespmem:$0x18300] =	vst v63  }
0xa0: {  	s7 =	sadd.s32 s28, s26;
	s5 =	sand.u32 $0x1FFFFFF0, s1;
	[dreg:$0x1b] =	wrdreg s12  }
0xa1: {  	[tilespmem:s13], [sflag:$0x1] =	stream.linear.gather [hbm4b:s7+s3], $0x80, $0x38;
	[tilespmem:$0x18300] =	vst v63  }
0xa2: {  	s20 =	sadd.s32 $0x980, s18;
	[dreg:$0x10] =	wrdreg s19;
	s9 =	sadd.s32 s4, s5  }
0xa3: {  	[tilespmem:s8], [sflag:$0x1] =	stream.linear.gather [hbm4b:s9+s3], $0x80, $0x38;
	[tilespmem:$0x18300] =	vst v63  }
0xa4: {  	p0 =	sne.s32 s17, $0x5A000;
	s23 =	sadd.s32 $0x1200, s18;
	[smem:$0x7E8] =	sst s20;
	v0 =	vld [tilespmem:s22+$0x0]  }
0xa5: {  	s17 =	sadd.s32 $0x6000, s17;
	s16 =	sadd.s32 $0xB00, s18;
	[dreg:$0xe] =	wrdreg s23;
	v1 =	vld [tilespmem:s14+$0x0]  }
0xa6: {  	s24 =	sadd.s32 $0x400, s18;
	s26 =	sadd.s32 $0x1280, s18;
	[smem:$0x7EB] =	sst s16;
	v3 =	vld [tilespmem:s15+$0x0]  }
0xa7: {  	s31 =	sadd.s32 $0x300, s18;
	s1 =	sadd.s32 $0x1100, s18;
	[dreg:$0xa] =	wrdreg s26  }
0xa8: {  	s2 =	sadd.s32 $0x380, s18;
	s19 =	sadd.s32 $0x1A00, s18;
	[dreg:$0x19] =	wrdreg s1  }
0xa9: {  	s6 =	sadd.s32 $0x780, s18;
	s20 =	sadd.s32 $0x1580, s18;
	[smem:$0x7ED] =	sst s19;
	v2 =	vshll.u32 v0, $0x4  }
0xaa: {  	s0 =	sadd.s32 $0x680, s18;
	s1 =	sadd.s32 $0xF80, s18;
	[dreg:$0x6] =	wrdreg s20;
	v1 =	vshll.u32 v1, $0x4;
	(v2sf) =	vpush v2, $0x0  }
0xab: {  	s29 =	sadd.s32 $0x1680, s18;
	s16 =	sadd.s32 $0xD00, s18;
	[smem:$0x7F2] =	sst s1;
	v63 =	vshll.u32 v3, $0x4;
	(v2sf) =	vpush v1, $0x0  }
0xac: {  	s12 =	sadd.s32 $0x880, s18;
	s11 =	sadd.s32 $0xD80, s18;
	[smem:$0x7EF] =	sst s16;
	(v2sf) =	vpush v63, $0x0  }
0xad: {  	s10 =	sadd.s32 $0x900, s18;
	s21 =	sadd.s32 $0xA00, s18;
	[dreg:$0x1f] =	wrdreg s11  }
0xae: {  	s23 =	sadd.s32 $0x600, s18;
	[smem:$0x7E9] =	sst s21;
	s11 =	sadd.s32 $0xE80, s18;
	(v2sf) =	vpush v2, $0x1  }
0xaf: {  	s26 =	sadd.s32 $0x480, s18;
	s21 =	sadd.s32 $0x1480, s18;
	[smem:$0x7F1] =	sst s11  }
0xb0: {  	s16 =	sadd.s32 $0x500, s18;
	s25 =	sadd.s32 $0xC80, s18;
	[dreg:$0xc] =	wrdreg s21  }
0xb1: {  	s5 =	sadd.s32 $0x10, s14;
	[smem:$0x7EE] =	sst s25;
	s13 =	sadd.s32 $0x1080, s18;
	(v2sf) =	vpush v1, $0x1  }
0xb2: {  	s11 =	sadd.s32 $0x1900, s18;
	s7 =	sadd.s32 $0x1000, s18;
	[dreg:$0x14] =	wrdreg s13  }
0xb3: {  	s25 =	sadd.s32 $0x700, s18;
	[dreg:$0x1d] =	wrdreg s7;
	s13 =	sadd.s32 $0xB80, s18;
	(v2sf) =	vpush v63, $0x1  }
0xb4: {  	s7 =	sadd.s32 $0x1500, s18;
	s8 =	sadd.s32 $0xA80, s18;
	[smem:$0x7EC] =	sst s13  }
0xb5: {  	s9 =	sadd.s32 $0xE00, s18;
	[dreg:$0x8] =	wrdreg s7;
	s13 =	sadd.s32 $0x1400, s18;
	(v2sf) =	vpush v2, $0x2  }
0xb6: {  	s7 =	sadd.s32 $0x1880, s18;
	s15 =	sadd.s32 $0x10, s15;
	[smem:$0x7EA] =	sst s8  }
0xb7: {  	s14 =	sadd.s32 $0x580, s18;
	[smem:$0x7F0] =	sst s9;
	s22 =	sadd.s32 $0x10, s22;
	(v2sf) =	vpush v1, $0x2  }
0xb8: {  	s9 =	sadd.s32 $0x1980, s18;
	s8 =	sadd.s32 $0x1380, s18;
	[dreg:$0x12] =	wrdreg s13  }
0xb9: {  	s13 =	sadd.s32 $0xC00, s18;
	[dreg:$0x17] =	wrdreg s8;
	s30 =	spop (v2sf);
	(v2sf) =	vpush v63, $0x2  }
0xba: {  	s8 =	sadd.s32 $0x1800, s18;
	s20 =	sand.u32 $0x1FFFFFF0, s30;
	s21 =	spop (v2sf)  }
0xbb: {  	s30 =	sadd.s32 $0x1780, s18;
	s20 =	sadd.s32 s4, s20;
	s19 =	spop (v2sf)  }
0xbc: {  	[tilespmem:s31], [sflag:$0x1] =	stream.linear.gather [hbm4b:s20+s3], $0x80, $0x38;
	[tilespmem:$0x18300] =	vst v63  }
0xbd: {  	s21 =	sand.u32 $0x1FFFFFF0, s21;
	(v2sf) =	vpush v2, $0x3;
	s1 =	sand.u32 $0x1FFFFFF0, s19;
	s19 =	spop (v2sf)  }
0xbe: {  	(v2sf) =	vpush v1, $0x3;
	s21 =	sadd.s32 s28, s21;
	s20 =	sand.u32 $0x1FFFFFF0, s19;
	s19 =	sadd.s32 $0x1300, s18  }
0xbf: {  	[tilespmem:s2], [sflag:$0x1] =	stream.linear.gather [hbm4b:s21+s3], $0x80, $0x38;
	[tilespmem:$0x18300] =	vst v63  }
0xc0: {  	(v2sf) =	vpush v63, $0x3;
	s1 =	sadd.s32 s4, s1;
	[smem:$0x7F3] =	sst s19;
	s19 =	spop (v2sf)  }
0xc1: {  	(v2sf) =	vpush v2, $0x4;
	[tilespmem:s24], [sflag:$0x1] =	stream.linear.gather [hbm4b:s1+s3], $0x80, $0x38;
	[tilespmem:$0x18300] =	vst v63  }
0xc2: {  	s20 =	sadd.s32 s4, s20;
	s2 =	sand.u32 $0x1FFFFFF0, s19;
	s24 =	spop (v2sf)  }
0xc3: {  	(v2sf) =	vpush v1, $0x4;
	[tilespmem:s26], [sflag:$0x1] =	stream.linear.gather [hbm4b:s20+s3], $0x80, $0x38;
	[tilespmem:$0x18300] =	vst v63  }
0xc4: {  	s19 =	sadd.s32 s28, s2;
	s24 =	sand.u32 $0x1FFFFFF0, s24;
	s26 =	spop (v2sf)  }
0xc5: {  	(v2sf) =	vpush v63, $0x4;
	[tilespmem:s16], [sflag:$0x1] =	stream.linear.gather [hbm4b:s19+s3], $0x80, $0x38;
	[tilespmem:$0x18300] =	vst v63  }
0xc6: {  	s19 =	sadd.s32 s4, s24;
	s24 =	sand.u32 $0x1FFFFFF0, s26;
	s26 =	spop (v2sf)  }
0xc7: {  	[tilespmem:s14], [sflag:$0x1] =	stream.linear.gather [hbm4b:s19+s3], $0x80, $0x38;
	[tilespmem:$0x18300] =	vst v63  }
0xc8: {  	s14 =	sadd.s32 s4, s24;
	s19 =	sand.u32 $0x1FFFFFF0, s26;
	s20 =	spop (v2sf)  }
0xc9: {  	(v2sf) =	vpush v2, $0x5;
	[tilespmem:s23], [sflag:$0x1] =	stream.linear.gather [hbm4b:s14+s3], $0x80, $0x38;
	[tilespmem:$0x18300] =	vst v63  }
0xca: {  	s31 =	sadd.s32 $0x1700, s18;
	s23 =	sadd.s32 s28, s19;
	s24 =	sand.u32 $0x1FFFFFF0, s20  }
0xcb: {  	(v2sf) =	vpush v1, $0x5;
	[tilespmem:s0], [sflag:$0x1] =	stream.linear.gather [hbm4b:s23+s3], $0x80, $0x38;
	[tilespmem:$0x18300] =	vst v63  }
0xcc: {  	s14 =	smov.u32 s5;
	s26 =	spop (v2sf);
	s1 =	sadd.s32 s4, s24  }
0xcd: {  	s2 =	sand.u32 $0x1FFFFFF0, s26;
	s5 =	spop (v2sf);
	s26 =	sld [smem:$0x7E7]  }
0xce: {  	(v2sf) =	vpush v63, $0x5;
	[tilespmem:s25], [sflag:$0x1] =	stream.linear.gather [hbm4b:s1+s3], $0x80, $0x38;
	[tilespmem:$0x18300] =	vst v63  }
0xcf: {  	s16 =	sadd.s32 s4, s2;
	s19 =	sand.u32 $0x1FFFFFF0, s5;
	s20 =	spop (v2sf)  }
0xd0: {  	(v2sf) =	vpush v2, $0x6;
	s23 =	sadd.s32 s28, s19;
	s24 =	sand.u32 $0x1FFFFFF0, s20;
	s25 =	spop (v2sf)  }
0xd1: {  	(v2sf) =	vpush v1, $0x6;
	[tilespmem:s6], [sflag:$0x1] =	stream.linear.gather [hbm4b:s16+s3], $0x80, $0x38;
	[tilespmem:$0x18300] =	vst v63  }
0xd2: {  	s1 =	sadd.s32 s4, s24;
	s5 =	sand.u32 $0x1FFFFFF0, s25;
	s6 =	spop (v2sf)  }
0xd3: {  	[tilespmem:s26], [sflag:$0x1] =	stream.linear.gather [hbm4b:s23+s3], $0x80, $0x38;
	[tilespmem:$0x18300] =	vst v63  }
0xd4: {  	(v2sf) =	vpush v63, $0x6;
	s16 =	sadd.s32 s4, s5;
	s26 =	sld [smem:$0x7E8];
	s20 =	spop (v2sf)  }
0xd5: {  	[tilespmem:s12], [sflag:$0x1] =	stream.linear.gather [hbm4b:s1+s3], $0x80, $0x38;
	[tilespmem:$0x18300] =	vst v63  }
0xd6: {  	(v2sf) =	vpush v2, $0x7;
	s19 =	sand.u32 $0x1FFFFFF0, s6;
	s24 =	sand.u32 $0x1FFFFFF0, s20;
	s20 =	sld [smem:$0x7EA]  }
0xd7: {  	[tilespmem:s10], [sflag:$0x1] =	stream.linear.gather [hbm4b:s16+s3], $0x80, $0x38;
	[tilespmem:$0x18300] =	vst v63  }
0xd8: {  	(v2sf) =	vpush v1, $0x7;
	s23 =	sadd.s32 s28, s19;
	s25 =	spop (v2sf);
	s10 =	sld [smem:$0x7E9]  }
0xd9: {  	[tilespmem:s26], [sflag:$0x1] =	stream.linear.gather [hbm4b:s23+s3], $0x80, $0x38;
	[tilespmem:$0x18300] =	vst v63  }
0xda: {  	s1 =	sadd.s32 s4, s24;
	s2 =	sand.u32 $0x1FFFFFF0, s25;
	s6 =	spop (v2sf)  }
0xdb: {  	[tilespmem:s10], [sflag:$0x1] =	stream.linear.gather [hbm4b:s1+s3], $0x80, $0x38;
	[tilespmem:$0x18300] =	vst v63  }
0xdc: {  	s21 =	sadd.s32 $0x1600, s18;
	(v2sf) =	vpush v63, $0x7;
	s12 =	sadd.s32 s4, s2;
	s16 =	sand.u32 $0x1FFFFFF0, s6  }
0xdd: {  	s26 =	sld [smem:$0x7EB];
	s19 =	spop (v2sf);
	s23 =	sadd.s32 s28, s16  }
0xde: {  	(v2sf) =	vpush v2, $0x8;
	[tilespmem:s20], [sflag:$0x1] =	stream.linear.gather [hbm4b:s12+s3], $0x80, $0x38;
	[tilespmem:$0x18300] =	vst v63  }
0xdf: {  	s24 =	sand.u32 $0x1FFFFFF0, s19;
	s25 =	spop (v2sf);
	s12 =	sld [smem:$0x7EC]  }
0xe0: {  	(v2sf) =	vpush v1, $0x8;
	s5 =	sadd.s32 s4, s24;
	s6 =	sand.u32 $0x1FFFFFF0, s25;
	s10 =	spop (v2sf)  }
0xe1: {  	[tilespmem:s26], [sflag:$0x1] =	stream.linear.gather [hbm4b:s23+s3], $0x80, $0x38;
	[tilespmem:$0x18300] =	vst v63  }
0xe2: {  	s16 =	sadd.s32 s4, s6;
	s19 =	sand.u32 $0x1FFFFFF0, s10;
	s26 =	sld [smem:$0x7EE]  }
0xe3: {  	(v2sf) =	vpush v63, $0x8;
	s20 =	spop (v2sf);
	s10 =	sld [smem:$0x7EF];
	s23 =	sadd.s32 s28, s19  }
0xe4: {  	(v2sf) =	vpush v2, $0x9;
	[tilespmem:s12], [sflag:$0x1] =	stream.linear.gather [hbm4b:s5+s3], $0x80, $0x38;
	[tilespmem:$0x18300] =	vst v63  }
0xe5: {  	(v2sf) =	vpush v1, $0x9;
	s24 =	sand.u32 $0x1FFFFFF0, s20;
	s20 =	rddreg [dreg:$0x1f];
	s25 =	spop (v2sf)  }
0xe6: {  	[tilespmem:s13], [sflag:$0x1] =	stream.linear.gather [hbm4b:s16+s3], $0x80, $0x38;
	[tilespmem:$0x18300] =	vst v63  }
0xe7: {  	(v2sf) =	vpush v63, $0x9;
	s1 =	sadd.s32 s4, s24;
	s2 =	sand.u32 $0x1FFFFFF0, s25;
	s6 =	spop (v2sf)  }
0xe8: {  	[tilespmem:s26], [sflag:$0x1] =	stream.linear.gather [hbm4b:s23+s3], $0x80, $0x38;
	[tilespmem:$0x18300] =	vst v63  }
0xe9: {  	s13 =	sld [smem:$0x7ED];
	s12 =	sadd.s32 s4, s2;
	s16 =	sand.u32 $0x1FFFFFF0, s6  }
0xea: {  	[tilespmem:s10], [sflag:$0x1] =	stream.linear.gather [hbm4b:s1+s3], $0x80, $0x38;
	[tilespmem:$0x18300] =	vst v63  }
0xeb: {  	(v2sf) =	vpush v2, $0xA;
	s19 =	spop (v2sf);
	s23 =	sadd.s32 s28, s16;
	s26 =	sld [smem:$0x7F0]  }
0xec: {  	(v2sf) =	vpush v1, $0xA;
	[tilespmem:s20], [sflag:$0x1] =	stream.linear.gather [hbm4b:s12+s3], $0x80, $0x38;
	[tilespmem:$0x18300] =	vst v63  }
0xed: {  	s24 =	sand.u32 $0x1FFFFFF0, s19;
	s10 =	sld [smem:$0x7F1];
	s25 =	spop (v2sf)  }
0xee: {  	[tilespmem:s26], [sflag:$0x1] =	stream.linear.gather [hbm4b:s23+s3], $0x80, $0x38;
	[tilespmem:$0x18300] =	vst v63  }
0xef: {  	s1 =	sadd.s32 s4, s24;
	s2 =	sand.u32 $0x1FFFFFF0, s25;
	s6 =	spop (v2sf)  }
0xf0: {  	(v2sf) =	vpush v63, $0xA;
	s20 =	rddreg [dreg:$0x1b];
	s12 =	sadd.s32 s4, s2;
	s16 =	sand.u32 $0x1FFFFFF0, s6  }
0xf1: {  	[tilespmem:s10], [sflag:$0x1] =	stream.linear.gather [hbm4b:s1+s3], $0x80, $0x38;
	[tilespmem:$0x18300] =	vst v63  }
0xf2: {  	(v2sf) =	vpush v2, $0xB;
	s26 =	sld [smem:$0x7F2];
	s19 =	spop (v2sf);
	s23 =	sadd.s32 s28, s16  }
0xf3: {  	s24 =	sand.u32 $0x1FFFFFF0, s19;
	s25 =	spop (v2sf);
	s10 =	rddreg [dreg:$0x1d]  }
0xf4: {  	(v2sf) =	vpush v1, $0xB;
	s1 =	sadd.s32 s4, s24;
	s2 =	sand.u32 $0x1FFFFFF0, s25;
	s6 =	spop (v2sf)  }
0xf5: {  	[tilespmem:s20], [sflag:$0x1] =	stream.linear.gather [hbm4b:s12+s3], $0x80, $0x38;
	[tilespmem:$0x18300] =	vst v63  }
0xf6: {  	(v2sf) =	vpush v63, $0xB;
	s12 =	sadd.s32 s4, s2;
	s16 =	sand.u32 $0x1FFFFFF0, s6;
	s19 =	spop (v2sf)  }
0xf7: {  	[tilespmem:s26], [sflag:$0x1] =	stream.linear.gather [hbm4b:s23+s3], $0x80, $0x38;
	[tilespmem:$0x18300] =	vst v63  }
0xf8: {  	s20 =	rddreg [dreg:$0x14];
	s23 =	sadd.s32 s28, s16;
	s24 =	sand.u32 $0x1FFFFFF0, s19  }
0xf9: {  	[tilespmem:s10], [sflag:$0x1] =	stream.linear.gather [hbm4b:s1+s3], $0x80, $0x38;
	[tilespmem:$0x18300] =	vst v63  }
0xfa: {  	(v2sf) =	vpush v2, $0xC;
	s26 =	rddreg [dreg:$0x19];
	s25 =	spop (v2sf);
	s1 =	sadd.s32 s4, s24  }
0xfb: {  	s2 =	sand.u32 $0x1FFFFFF0, s25;
	s10 =	rddreg [dreg:$0x10];
	s6 =	spop (v2sf)  }
0xfc: {  	(v2sf) =	vpush v1, $0xC;
	[tilespmem:s20], [sflag:$0x1] =	stream.linear.gather [hbm4b:s12+s3], $0x80, $0x38;
	[tilespmem:$0x18300] =	vst v63  }
0xfd: {  	s12 =	sadd.s32 s4, s2;
	s16 =	sand.u32 $0x1FFFFFF0, s6;
	s20 =	rddreg [dreg:$0xe]  }
0xfe: {  	[tilespmem:s26], [sflag:$0x1] =	stream.linear.gather [hbm4b:s23+s3], $0x80, $0x38;
	[tilespmem:$0x18300] =	vst v63  }
0xff: {  	s23 =	sadd.s32 s28, s16;
	s26 =	rddreg [dreg:$0xa];
	s19 =	spop (v2sf)  }
0x100: {  	(v2sf) =	vpush v63, $0xC;
	[tilespmem:s10], [sflag:$0x1] =	stream.linear.gather [hbm4b:s1+s3], $0x80, $0x38;
	[tilespmem:$0x18300] =	vst v63  }
0x101: {  	(v2sf) =	vpush v2, $0xD;
	s24 =	sand.u32 $0x1FFFFFF0, s19;
	s10 =	sld [smem:$0x7F3];
	s25 =	spop (v2sf)  }
0x102: {  	[tilespmem:s20], [sflag:$0x1] =	stream.linear.gather [hbm4b:s12+s3], $0x80, $0x38;
	[tilespmem:$0x18300] =	vst v63  }
0x103: {  	(v2sf) =	vpush v1, $0xD;
	s1 =	sadd.s32 s4, s24;
	s2 =	sand.u32 $0x1FFFFFF0, s25;
	s6 =	spop (v2sf)  }
0x104: {  	[tilespmem:s26], [sflag:$0x1] =	stream.linear.gather [hbm4b:s23+s3], $0x80, $0x38;
	[tilespmem:$0x18300] =	vst v63  }
0x105: {  	s20 =	rddreg [dreg:$0x17];
	s16 =	sand.u32 $0x1FFFFFF0, s6;
	s19 =	spop (v2sf)  }
0x106: {  	[tilespmem:s10], [sflag:$0x1] =	stream.linear.gather [hbm4b:s1+s3], $0x80, $0x38;
	[tilespmem:$0x18300] =	vst v63  }
0x107: {  	s12 =	sadd.s32 s4, s2;
	s23 =	sadd.s32 s28, s16;
	s24 =	sand.u32 $0x1FFFFFF0, s19  }
0x108: {  	[tilespmem:s20], [sflag:$0x1] =	stream.linear.gather [hbm4b:s12+s3], $0x80, $0x38;
	[tilespmem:$0x18300] =	vst v63  }
0x109: {  	s25 =	spop (v2sf);
	s26 =	rddreg [dreg:$0x12];
	s5 =	sadd.s32 s4, s24  }
0x10a: {  	[tilespmem:s26], [sflag:$0x1] =	stream.linear.gather [hbm4b:s23+s3], $0x80, $0x38;
	[tilespmem:$0x18300] =	vst v63  }
0x10b: {  	s6 =	sand.u32 $0x1FFFFFF0, s25;
	s10 =	spop (v2sf);
	s12 =	rddreg [dreg:$0xc]  }
0x10c: {  	[tilespmem:s12], [sflag:$0x1] =	stream.linear.gather [hbm4b:s5+s3], $0x80, $0x38;
	[tilespmem:$0x18300] =	vst v63  }
0x10d: {  	(v2sf) =	vpush v63, $0xD;
	s16 =	sadd.s32 s4, s6;
	s19 =	sand.u32 $0x1FFFFFF0, s10;
	s23 =	rddreg [dreg:$0x8]  }
0x10e: {  	(v2sf) =	vpush v2, $0xE;
	[tilespmem:s23], [sflag:$0x1] =	stream.linear.gather [hbm4b:s16+s3], $0x80, $0x38;
	[tilespmem:$0x18300] =	vst v63  }
.Ltmp0:
0x10f: {  	(v2sf) =	vpush v1, $0xE;
	s20 =	spop (v2sf);
	s24 =	sadd.s32 s28, s19;
	(pc) =	sbr.rel @p0 .LBB2_2-.Ltmp0, $4  }
0x110: {  	(v2sf) =	vpush v63, $0xE;
	s28 =	rddreg [dreg:$0x6];
	s25 =	sand.u32 $0x1FFFFFF0, s20;
	s26 =	spop (v2sf)  }
0x111: {  	(v2sf) =	vpush v2, $0xF;
	[tilespmem:s28], [sflag:$0x1] =	stream.linear.gather [hbm4b:s24+s3], $0x80, $0x38;
	[tilespmem:$0x18300] =	vst v63  }
0x112: {  	(v2sf) =	vpush v1, $0xF;
	s1 =	sadd.s32 s4, s25;
	s0 =	sand.u32 $0x1FFFFFF0, s26;
	s2 =	spop (v2sf)  }
0x113: {  	(v2sf) =	vpush v63, $0xF;
	[tilespmem:s21], [sflag:$0x1] =	stream.linear.gather [hbm4b:s1+s3], $0x80, $0x38;
	[tilespmem:$0x18300] =	vst v63  }
0x114: {  	_ =	sdelay $0x3  }
0x115: {  	s0 =	sadd.s32 s4, s0;
	s1 =	sand.u32 $0x1FFFFFF0, s2;
	s14 =	rddreg [dreg:$0x4]  }
0x116: {  	[tilespmem:s29], [sflag:$0x1] =	stream.linear.gather [hbm4b:s0+s3], $0x80, $0x38;
	[tilespmem:$0x18300] =	vst v63  }
0x117: {  	s15 =	sadd.s32 s14, s1  }
0x118: {  	[tilespmem:s31], [sflag:$0x1] =	stream.linear.gather [hbm4b:s15+s3], $0x80, $0x38;
	[tilespmem:$0x18300] =	vst v63  }
0x119: {  	s12 =	spop (v2sf)  }
0x11a: {  	s16 =	sand.u32 $0x1FFFFFF0, s12;
	s17 =	spop (v2sf)  }
0x11b: {  	s19 =	sadd.s32 s4, s16;
	s20 =	sand.u32 $0x1FFFFFF0, s17;
	s21 =	spop (v2sf)  }
0x11c: {  	[tilespmem:s30], [sflag:$0x1] =	stream.linear.gather [hbm4b:s19+s3], $0x80, $0x38;
	[tilespmem:$0x18300] =	vst v63  }
0x11d: {  	s22 =	sadd.s32 s4, s20;
	s23 =	sand.u32 $0x1FFFFFF0, s21;
	s24 =	spop (v2sf)  }
0x11e: {  	[tilespmem:s8], [sflag:$0x1] =	stream.linear.gather [hbm4b:s22+s3], $0x80, $0x38;
	[tilespmem:$0x18300] =	vst v63  }
0x11f: {  	s25 =	sadd.s32 s14, s23;
	s26 =	sand.u32 $0x1FFFFFF0, s24;
	s29 =	spop (v2sf)  }
0x120: {  	[tilespmem:s7], [sflag:$0x1] =	stream.linear.gather [hbm4b:s25+s3], $0x80, $0x38;
	[tilespmem:$0x18300] =	vst v63  }
0x121: {  	s1 =	sadd.s32 s4, s26;
	s2 =	sand.u32 $0x1FFFFFF0, s29;
	s5 =	spop (v2sf)  }
0x122: {  	[tilespmem:s11], [sflag:$0x1] =	stream.linear.gather [hbm4b:s1+s3], $0x80, $0x38;
	[tilespmem:$0x18300] =	vst v63  }
0x123: {  	s6 =	sadd.s32 s4, s2;
	s8 =	spop (v2sf);
	s7 =	sand.u32 $0x1FFFFFF0, s5  }
0x124: {  	[tilespmem:s9], [sflag:$0x1] =	stream.linear.gather [hbm4b:s6+s3], $0x80, $0x38;
	[tilespmem:$0x18300] =	vst v63  }
0x125: {  	s10 =	sadd.s32 s14, s7;
	s11 =	sand.u32 $0x1FFFFFF0, s8  }
0x126: {  	[tilespmem:s13], [sflag:$0x1] =	stream.linear.gather [hbm4b:s10+s3], $0x80, $0x38;
	[tilespmem:$0x18300] =	vst v63  }
0x127: {  	s12 =	sadd.s32 $0x1A80, s18;
	s1 =	sadd.s32 s4, s11;
	s13 =	simm.s32 $0x1  }
0x128: {  	[tilespmem:s12], [sflag:$0x1] =	stream.linear.gather [hbm4b:s1+s3], $0x80, $0x38;
	[tilespmem:$0x18300] =	vst v63  }
0x129: {  	_ =	swait.ge [sflag:s13], $0x18000  }
0x12a: {  	s16 =	sld [smem:$0x7F8]  }
0x12b: {  	s15 =	simm.s32 $0x0;
	[sflag:s13] =	ssyncset.done $0x0  }
0x12c: {  	s17 =	simm.s32 $0x300;
	s6 =	simm.s32 $0x2;
	[sflag:s13] =	ssyncadd.s32 $0xFFFE8000  }
0x12d: {  	[hbm4b:s16+s15] =	stream.linear.scatter [tilespmem:s17], [sflag:$0x2], $0x18000, $0x38;
	[tilespmem:$0x18300] =	vst v63  }
0x12e: {  	_ =	swait.ge [sflag:s6], $0x18000  }
0x12f: {  	s18 =	sld [smem:$0x7F9]  }
0x130: {  	[sflag:s6] =	ssyncset.done $0x0  }
0x131: {  	[sflag:s6] =	ssyncadd.s32 $0xFFFE8000  }
0x132: {  	[tilespmem:s15], [sflag:$0x2] =	stream.linear.gather [hbm4b:s18+s15], $0x100, $0x38;
	[tilespmem:$0x18300] =	vst v63  }
0x133: {  	_ =	swait.ge [sflag:s6], $0x100  }
0x134: {  	s20 =	sld [smem:$0x7FA]  }
0x135: {  	[sflag:s6] =	ssyncset.done $0x0  }
0x136: {  	s19 =	simm.s32 $0x100;
	[sflag:s6] =	ssyncadd.s32 $0xFFFFFF00  }
0x137: {  	[tilespmem:s19], [sflag:$0x2] =	stream.linear.gather [hbm4b:s20+s15], $0x100, $0x38;
	[tilespmem:$0x18300] =	vst v63  }
0x138: {  	_ =	swait.ge [sflag:s6], $0x100  }
0x139: {  	s5 =	sld [smem:$0x7FB]  }
0x13a: {  	[sflag:s6] =	ssyncset.done $0x0  }
0x13b: {  	s21 =	simm.s32 $0x200;
	[sflag:s6] =	ssyncadd.s32 $0xFFFFFF00  }
0x13c: {  	[tilespmem:s21], [sflag:$0x2] =	stream.linear.gather [hbm4b:s5+s15], $0x100, $0x38;
	[tilespmem:$0x18300] =	vst v63  }
0x13d: {  	_ =	swait.ge [sflag:s6], $0x100  }
0x13e: {  	[sflag:s6] =	ssyncset.done $0x0  }
0x13f: {  	[sflag:s6] =	ssyncadd.s32 $0xFFFFFF00  }
0x140: {  	v0 =	vld [tilespmem:s15+$0x0]  }
0x141: {  	v1 =	vld [tilespmem:s19+$0x0]  }
0x142: {  	v3 =	vld [tilespmem:s21+$0x0];
	_ =	sdelay $0x2  }
0x143: {  	v2 =	vshll.u32 v0, $0x4  }
0x144: {  	v1 =	vshll.u32 v1, $0x4;
	(v2sf) =	vpush v2, $0x0  }
0x145: {  	v63 =	vshll.u32 v3, $0x4;
	(v2sf) =	vpush v1, $0x0  }
0x146: {  	(v2sf) =	vpush v63, $0x0;
	_ =	sdelay $0x1  }
0x147: {  	(v2sf) =	vpush v2, $0x1;
	_ =	sdelay $0x2  }
0x148: {  	(v2sf) =	vpush v1, $0x1;
	_ =	sdelay $0x1  }
0x149: {  	(v2sf) =	vpush v63, $0x1  }
0x14a: {  	s28 =	simm.s32 $0x210  }
0x14b: {  	s0 =	simm.s32 $0x1080;
	s31 =	simm.s32 $0x1700;
	s30 =	simm.s32 $0x1780;
	(v2sf) =	vpush v2, $0x2  }
0x14c: {  	s23 =	simm.s32 $0x300;
	s24 =	simm.s32 $0x380;
	s22 =	simm.s32 $0x400  }
0x14d: {  	s2 =	simm.s32 $0xF00;
	s7 =	simm.s32 $0x800;
	s11 =	simm.s32 $0x780  }
0x14e: {  	s10 =	simm.s32 $0x580;
	s17 =	simm.s32 $0x6000;
	s18 =	simm.s32 $0x0  }
0x14f: {  	s5 =	simm.s32 $0xD80;
	s15 =	simm.s32 $0x110;
	(v2sf) =	vpush v1, $0x2;
	s25 =	spop (v2sf)  }
0x150: {  	s19 =	simm.s32 $0x480;
	s8 =	sand.u32 $0x1FFFFFF0, s25;
	s26 =	spop (v2sf)  }
0x151: {  	s21 =	simm.s32 $0x500;
	(v2sf) =	vpush v63, $0x2;
	s8 =	sadd.s32 s4, s8;
	s13 =	spop (v2sf)  }
0x152: {  	[tilespmem:s23], [sflag:$0x1] =	stream.linear.gather [hbm4b:s8+s3], $0x80, $0x38;
	[tilespmem:$0x18300] =	vst v63  }
0x153: {  	s29 =	sand.u32 $0x1FFFFFF0, s26;
	s9 =	sand.u32 $0x1FFFFFF0, s13;
	s12 =	spop (v2sf)  }
0x154: {  	(v2sf) =	vpush v2, $0x3;
	s8 =	sadd.s32 s14, s29;
	s13 =	simm.s32 $0x680;
	s16 =	sand.u32 $0x1FFFFFF0, s12  }
0x155: {  	(v2sf) =	vpush v1, $0x3;
	[tilespmem:s24], [sflag:$0x1] =	stream.linear.gather [hbm4b:s8+s3], $0x80, $0x38;
	[tilespmem:$0x18300] =	vst v63  }
0x156: {  	(v2sf) =	vpush v63, $0x3;
	s9 =	sadd.s32 s4, s9;
	s20 =	spop (v2sf);
	s8 =	simm.s32 $0x880  }
0x157: {  	[tilespmem:s22], [sflag:$0x1] =	stream.linear.gather [hbm4b:s9+s3], $0x80, $0x38;
	[tilespmem:$0x18300] =	vst v63  }
0x158: {  	(v2sf) =	vpush v2, $0x4;
	s6 =	sadd.s32 s4, s16;
	s23 =	spop (v2sf);
	s22 =	sand.u32 $0x1FFFFFF0, s20  }
0x159: {  	[tilespmem:s19], [sflag:$0x1] =	stream.linear.gather [hbm4b:s6+s3], $0x80, $0x38;
	[tilespmem:$0x18300] =	vst v63  }
0x15a: {  	s24 =	sand.u32 $0x1FFFFFF0, s23;
	s25 =	spop (v2sf);
	s6 =	sadd.s32 s14, s22  }
0x15b: {  	[tilespmem:s21], [sflag:$0x1] =	stream.linear.gather [hbm4b:s6+s3], $0x80, $0x38;
	[tilespmem:$0x18300] =	vst v63  }
0x15c: {  	(v2sf) =	vpush v1, $0x4;
	s9 =	simm.s32 $0xB00;
	s26 =	sadd.s32 s4, s24;
	s29 =	sand.u32 $0x1FFFFFF0, s25  }
0x15d: {  	[tilespmem:s10], [sflag:$0x1] =	stream.linear.gather [hbm4b:s26+s3], $0x80, $0x38;
	[tilespmem:$0x18300] =	vst v63  }
0x15e: {  	s12 =	spop (v2sf);
	(v2sf) =	vpush v63, $0x4;
	s6 =	sadd.s32 s4, s29;
	s10 =	simm.s32 $0x600  }
0x15f: {  	[tilespmem:s10], [sflag:$0x1] =	stream.linear.gather [hbm4b:s6+s3], $0x80, $0x38;
	[tilespmem:$0x18300] =	vst v63  }
0x160: {  	s25 =	simm.s32 $0x980;
	s16 =	sand.u32 $0x1FFFFFF0, s12;
	s19 =	spop (v2sf)  }
0x161: {  	s12 =	simm.s32 $0x1A00;
	s6 =	sadd.s32 s14, s16;
	s10 =	sand.u32 $0x1FFFFFF0, s19  }
0x162: {  	(v2sf) =	vpush v2, $0x5;
	[tilespmem:s13], [sflag:$0x1] =	stream.linear.gather [hbm4b:s6+s3], $0x80, $0x38;
	[tilespmem:$0x18300] =	vst v63  }
0x163: {  	s21 =	simm.s32 $0x700;
	s20 =	spop (v2sf);
	s22 =	sadd.s32 s4, s10  }
0x164: {  	(v2sf) =	vpush v1, $0x5;
	s23 =	sand.u32 $0x1FFFFFF0, s20;
	s6 =	simm.s32 $0x1180;
	s24 =	spop (v2sf)  }
0x165: {  	s13 =	simm.s32 $0xA00;
	s20 =	simm.s32 $0x900;
	s26 =	spop (v2sf)  }
0x166: {  	[tilespmem:s21], [sflag:$0x1] =	stream.linear.gather [hbm4b:s22+s3], $0x80, $0x38;
	[tilespmem:$0x18300] =	vst v63  }
0x167: {  	(v2sf) =	vpush v63, $0x5;
	s10 =	sadd.s32 s4, s23;
	s1 =	sand.u32 $0x1FFFFFF0, s24;
	s29 =	spop (v2sf)  }
0x168: {  	(v2sf) =	vpush v2, $0x6;
	[tilespmem:s11], [sflag:$0x1] =	stream.linear.gather [hbm4b:s10+s3], $0x80, $0x38;
	[tilespmem:$0x18300] =	vst v63  }
0x169: {  	s1 =	sadd.s32 s14, s1;
	(v2sf) =	vpush v1, $0x6;
	s19 =	sand.u32 $0x1FFFFFF0, s29;
	s11 =	sand.u32 $0x1FFFFFF0, s26  }
0x16a: {  	[tilespmem:s7], [sflag:$0x1] =	stream.linear.gather [hbm4b:s1+s3], $0x80, $0x38;
	[tilespmem:$0x18300] =	vst v63  }
0x16b: {  	s21 =	spop (v2sf);
	(v2sf) =	vpush v63, $0x6;
	s10 =	simm.s32 $0xC80;
	s16 =	sadd.s32 s4, s11  }
0x16c: {  	(v2sf) =	vpush v2, $0x7;
	[tilespmem:s8], [sflag:$0x1] =	stream.linear.gather [hbm4b:s16+s3], $0x80, $0x38;
	[tilespmem:$0x18300] =	vst v63  }
0x16d: {  	s11 =	sadd.s32 s4, s19;
	s22 =	spop (v2sf);
	s8 =	sand.u32 $0x1FFFFFF0, s21  }
0x16e: {  	(v2sf) =	vpush v1, $0x7;
	[tilespmem:s20], [sflag:$0x1] =	stream.linear.gather [hbm4b:s11+s3], $0x80, $0x38;
	[tilespmem:$0x18300] =	vst v63  }
0x16f: {  	s26 =	simm.s32 $0xA80;
	s8 =	sadd.s32 s14, s8;
	s11 =	sand.u32 $0x1FFFFFF0, s22  }
0x170: {  	(v2sf) =	vpush v63, $0x7;
	[tilespmem:s25], [sflag:$0x1] =	stream.linear.gather [hbm4b:s8+s3], $0x80, $0x38;
	[tilespmem:$0x18300] =	vst v63  }
0x171: {  	s7 =	simm.s32 $0x1200;
	s23 =	spop (v2sf);
	s24 =	sadd.s32 s4, s11  }
0x172: {  	(v2sf) =	vpush v2, $0x8;
	[tilespmem:s13], [sflag:$0x1] =	stream.linear.gather [hbm4b:s24+s3], $0x80, $0x38;
	[tilespmem:$0x18300] =	vst v63  }
0x173: {  	s21 =	simm.s32 $0xB80;
	s25 =	sand.u32 $0x1FFFFFF0, s23;
	s29 =	spop (v2sf)  }
0x174: {  	s8 =	simm.s32 $0x1280;
	s13 =	sadd.s32 s4, s25;
	s16 =	sand.u32 $0x1FFFFFF0, s29  }
0x175: {  	[tilespmem:s26], [sflag:$0x1] =	stream.linear.gather [hbm4b:s13+s3], $0x80, $0x38;
	[tilespmem:$0x18300] =	vst v63  }
0x176: {  	s24 =	simm.s32 $0xC00;
	s19 =	spop (v2sf);
	s1 =	sadd.s32 s14, s16  }
0x177: {  	s11 =	sand.u32 $0x1FFFFFF0, s19;
	s20 =	spop (v2sf);
	s13 =	simm.s32 $0xD00  }
0x178: {  	(v2sf) =	vpush v1, $0x8;
	s22 =	sadd.s32 s4, s11;
	s23 =	sand.u32 $0x1FFFFFF0, s20;
	s25 =	spop (v2sf)  }
0x179: {  	[tilespmem:s9], [sflag:$0x1] =	stream.linear.gather [hbm4b:s1+s3], $0x80, $0x38;
	[tilespmem:$0x18300] =	vst v63  }
0x17a: {  	(v2sf) =	vpush v63, $0x8;
	s11 =	sadd.s32 s4, s23;
	s9 =	sand.u32 $0x1FFFFFF0, s25;
	s26 =	spop (v2sf)  }
0x17b: {  	s1 =	simm.s32 $0x1100;
	s9 =	sadd.s32 s14, s9;
	s29 =	spop (v2sf)  }
0x17c: {  	(v2sf) =	vpush v2, $0x9;
	[tilespmem:s21], [sflag:$0x1] =	stream.linear.gather [hbm4b:s22+s3], $0x80, $0x38;
	[tilespmem:$0x18300] =	vst v63  }
0x17d: {  	(v2sf) =	vpush v1, $0x9;
	s19 =	sand.u32 $0x1FFFFFF0, s29;
	s20 =	spop (v2sf);
	s21 =	simm.s32 $0xE00  }
0x17e: {  	[tilespmem:s24], [sflag:$0x1] =	stream.linear.gather [hbm4b:s11+s3], $0x80, $0x38;
	[tilespmem:$0x18300] =	vst v63  }
0x17f: {  	s29 =	simm.s32 $0x1000;
	s22 =	spop (v2sf);
	s11 =	sand.u32 $0x1FFFFFF0, s26  }
0x180: {  	(v2sf) =	vpush v63, $0x9;
	[tilespmem:s10], [sflag:$0x1] =	stream.linear.gather [hbm4b:s9+s3], $0x80, $0x38;
	[tilespmem:$0x18300] =	vst v63  }
0x181: {  	s23 =	spop (v2sf);
	s24 =	simm.s32 $0xE80;
	s16 =	sadd.s32 s4, s11  }
0x182: {  	(v2sf) =	vpush v2, $0xA;
	[tilespmem:s13], [sflag:$0x1] =	stream.linear.gather [hbm4b:s16+s3], $0x80, $0x38;
	[tilespmem:$0x18300] =	vst v63  }
0x183: {  	s11 =	sadd.s32 s4, s19;
	s26 =	sand.u32 $0x1FFFFFF0, s23;
	s10 =	sand.u32 $0x1FFFFFF0, s20  }
0x184: {  	(v2sf) =	vpush v1, $0xA;
	[tilespmem:s5], [sflag:$0x1] =	stream.linear.gather [hbm4b:s11+s3], $0x80, $0x38;
	[tilespmem:$0x18300] =	vst v63  }
0x185: {  	s9 =	simm.s32 $0xF80;
	s10 =	sadd.s32 s14, s10;
	s11 =	sand.u32 $0x1FFFFFF0, s22  }
0x186: {  	(v2sf) =	vpush v63, $0xA;
	[tilespmem:s21], [sflag:$0x1] =	stream.linear.gather [hbm4b:s10+s3], $0x80, $0x38;
	[tilespmem:$0x18300] =	vst v63  }
0x187: {  	s13 =	simm.s32 $0x1680;
	s25 =	sadd.s32 s4, s11;
	s16 =	spop (v2sf)  }
0x188: {  	[tilespmem:s24], [sflag:$0x1] =	stream.linear.gather [hbm4b:s25+s3], $0x80, $0x38;
	[tilespmem:$0x18300] =	vst v63  }
0x189: {  	s11 =	sadd.s32 s4, s26;
	s19 =	sand.u32 $0x1FFFFFF0, s16;
	s20 =	spop (v2sf)  }
0x18a: {  	(v2sf) =	vpush v2, $0xB;
	[tilespmem:s2], [sflag:$0x1] =	stream.linear.gather [hbm4b:s11+s3], $0x80, $0x38;
	[tilespmem:$0x18300] =	vst v63  }
0x18b: {  	(v2sf) =	vpush v1, $0xB;
	s10 =	sand.u32 $0x1FFFFFF0, s20;
	s21 =	spop (v2sf);
	s2 =	sadd.s32 s14, s19  }
0x18c: {  	s22 =	sadd.s32 s4, s10;
	s23 =	sand.u32 $0x1FFFFFF0, s21;
	s24 =	spop (v2sf)  }
0x18d: {  	(v2sf) =	vpush v63, $0xB;
	s10 =	simm.s32 $0x1900;
	s21 =	simm.s32 $0x1300;
	s25 =	sadd.s32 s4, s23  }
0x18e: {  	(v2sf) =	vpush v2, $0xC;
	[tilespmem:s9], [sflag:$0x1] =	stream.linear.gather [hbm4b:s2+s3], $0x80, $0x38;
	[tilespmem:$0x18300] =	vst v63  }
0x18f: {  	s26 =	spop (v2sf);
	s23 =	simm.s32 $0x1380;
	s2 =	sand.u32 $0x1FFFFFF0, s24  }
0x190: {  	(v2sf) =	vpush v1, $0xC;
	[tilespmem:s29], [sflag:$0x1] =	stream.linear.gather [hbm4b:s22+s3], $0x80, $0x38;
	[tilespmem:$0x18300] =	vst v63  }
0x191: {  	s5 =	sand.u32 $0x1FFFFFF0, s26;
	s2 =	sadd.s32 s14, s2;
	s29 =	spop (v2sf)  }
0x192: {  	[tilespmem:s0], [sflag:$0x1] =	stream.linear.gather [hbm4b:s25+s3], $0x80, $0x38;
	[tilespmem:$0x18300] =	vst v63  }
0x193: {  	s5 =	sadd.s32 s4, s5;
	s22 =	simm.s32 $0x10;
	s16 =	spop (v2sf)  }
0x194: {  	(v2sf) =	vpush v63, $0xC;
	[tilespmem:s1], [sflag:$0x1] =	stream.linear.gather [hbm4b:s2+s3], $0x80, $0x38;
	[tilespmem:$0x18300] =	vst v63  }
0x195: {  	s11 =	sand.u32 $0x1FFFFFF0, s29;
	s0 =	simm.s32 $0x1580;
	s19 =	spop (v2sf)  }
0x196: {  	[tilespmem:s6], [sflag:$0x1] =	stream.linear.gather [hbm4b:s5+s3], $0x80, $0x38;
	[tilespmem:$0x18300] =	vst v63  }
0x197: {  	s25 =	simm.s32 $0x1400;
	s1 =	simm.s32 $0x1480;
	s2 =	sadd.s32 s4, s11  }
0x198: {  	(v2sf) =	vpush v2, $0xD;
	[tilespmem:s7], [sflag:$0x1] =	stream.linear.gather [hbm4b:s2+s3], $0x80, $0x38;
	[tilespmem:$0x18300] =	vst v63  }
0x199: {  	s5 =	sand.u32 $0x1FFFFFF0, s16;
	s6 =	sand.u32 $0x1FFFFFF0, s19;
	s20 =	spop (v2sf)  }
0x19a: {  	s5 =	sadd.s32 s14, s5;
	s6 =	sadd.s32 s4, s6;
	(v2sf) =	vpush v1, $0xD;
	s24 =	spop (v2sf)  }
0x19b: {  	[tilespmem:s8], [sflag:$0x1] =	stream.linear.gather [hbm4b:s5+s3], $0x80, $0x38;
	[tilespmem:$0x18300] =	vst v63  }
0x19c: {  	s2 =	simm.s32 $0x1500;
	s7 =	sand.u32 $0x1FFFFFF0, s20;
	s26 =	spop (v2sf)  }
0x19d: {  	s7 =	sadd.s32 s4, s7;
	s8 =	simm.s32 $0x1880;
	s29 =	spop (v2sf)  }
0x19e: {  	[tilespmem:s21], [sflag:$0x1] =	stream.linear.gather [hbm4b:s6+s3], $0x80, $0x38;
	[tilespmem:$0x18300] =	vst v63  }
0x19f: {  	s6 =	sand.u32 $0x1FFFFFF0, s24;
	s11 =	sand.u32 $0x1FFFFFF0, s29;
	s16 =	spop (v2sf)  }
0x1a0: {  	[tilespmem:s23], [sflag:$0x1] =	stream.linear.gather [hbm4b:s7+s3], $0x80, $0x38;
	[tilespmem:$0x18300] =	vst v63  }
0x1a1: {  	s6 =	sadd.s32 s14, s6;
	s19 =	sadd.s32 s4, s11;
	s7 =	sand.u32 $0x1FFFFFF0, s26  }
0x1a2: {  	[tilespmem:s25], [sflag:$0x1] =	stream.linear.gather [hbm4b:s6+s3], $0x80, $0x38;
	[tilespmem:$0x18300] =	vst v63  }
0x1a3: {  	s20 =	sand.u32 $0x1FFFFFF0, s16;
	s9 =	sadd.s32 s4, s7;
	s21 =	spop (v2sf)  }
0x1a4: {  	(v2sf) =	vpush v63, $0xD;
	[tilespmem:s1], [sflag:$0x1] =	stream.linear.gather [hbm4b:s9+s3], $0x80, $0x38;
	[tilespmem:$0x18300] =	vst v63  }
0x1a5: {  	(v2sf) =	vpush v2, $0xE;
	s23 =	sadd.s32 s14, s20;
	s7 =	simm.s32 $0x1980;
	s24 =	sand.u32 $0x1FFFFFF0, s21  }
0x1a6: {  	(v2sf) =	vpush v1, $0xE;
	[tilespmem:s2], [sflag:$0x1] =	stream.linear.gather [hbm4b:s19+s3], $0x80, $0x38;
	[tilespmem:$0x18300] =	vst v63  }
0x1a7: {  	(v2sf) =	vpush v63, $0xE;
	s25 =	simm.s32 $0x1600;
	s26 =	sadd.s32 s4, s24;
	s29 =	spop (v2sf)  }
0x1a8: {  	(v2sf) =	vpush v2, $0xF;
	[tilespmem:s0], [sflag:$0x1] =	stream.linear.gather [hbm4b:s23+s3], $0x80, $0x38;
	[tilespmem:$0x18300] =	vst v63  }
0x1a9: {  	(v2sf) =	vpush v1, $0xF;
	s9 =	simm.s32 $0x1800;
	s0 =	sand.u32 $0x1FFFFFF0, s29;
	s2 =	spop (v2sf)  }
0x1aa: {  	(v2sf) =	vpush v63, $0xF;
	[tilespmem:s25], [sflag:$0x1] =	stream.linear.gather [hbm4b:s26+s3], $0x80, $0x38;
	[tilespmem:$0x18300] =	vst v63  }
.LBB2_4:
0x1ab: {  	_ =	sdelay $0x3  }
0x1ac: {  	s0 =	sadd.s32 s4, s0;
	s1 =	sand.u32 $0x1FFFFFF0, s2;
	s6 =	rddreg [dreg:$0x4]  }
0x1ad: {  	[tilespmem:s13], [sflag:$0x1] =	stream.linear.gather [hbm4b:s0+s3], $0x80, $0x38;
	[tilespmem:$0x18300] =	vst v63  }
0x1ae: {  	s21 =	sadd.s32 s6, s1  }
0x1af: {  	[tilespmem:s31], [sflag:$0x1] =	stream.linear.gather [hbm4b:s21+s3], $0x80, $0x38;
	[tilespmem:$0x18300] =	vst v63  }
0x1b0: {  	s20 =	spop (v2sf)  }
0x1b1: {  	s5 =	smov.u32 s17;
	s23 =	sand.u32 $0x1FFFFFF0, s20;
	s24 =	spop (v2sf)  }
0x1b2: {  	s25 =	sadd.s32 s4, s23;
	s26 =	sand.u32 $0x1FFFFFF0, s24;
	s29 =	spop (v2sf)  }
0x1b3: {  	[tilespmem:s30], [sflag:$0x1] =	stream.linear.gather [hbm4b:s25+s3], $0x80, $0x38;
	[tilespmem:$0x18300] =	vst v63  }
0x1b4: {  	s11 =	sadd.s32 s4, s26;
	s13 =	sand.u32 $0x1FFFFFF0, s29;
	s14 =	spop (v2sf)  }
0x1b5: {  	s16 =	sadd.s32 s6, s13;
	s19 =	sand.u32 $0x1FFFFFF0, s14;
	s20 =	spop (v2sf)  }
0x1b6: {  	[tilespmem:s9], [sflag:$0x1] =	stream.linear.gather [hbm4b:s11+s3], $0x80, $0x38;
	[tilespmem:$0x18300] =	vst v63  }
0x1b7: {  	s21 =	sadd.s32 s4, s19;
	s23 =	sand.u32 $0x1FFFFFF0, s20;
	s24 =	spop (v2sf)  }
0x1b8: {  	[tilespmem:s8], [sflag:$0x1] =	stream.linear.gather [hbm4b:s16+s3], $0x80, $0x38;
	[tilespmem:$0x18300] =	vst v63  }
0x1b9: {  	s25 =	sadd.s32 s4, s23;
	s8 =	sadd.s32 $0x1A80, s18;
	s18 =	sshra.s32 s5, $0x2  }
0x1ba: {  	s26 =	sand.u32 $0x1FFFFFF0, s24;
	s29 =	spop (v2sf);
	s11 =	sadd.s32 $0xD80, s18  }
0x1bb: {  	[tilespmem:s10], [sflag:$0x1] =	stream.linear.gather [hbm4b:s21+s3], $0x80, $0x38;
	[tilespmem:$0x18300] =	vst v63  }
0x1bc: {  	s2 =	sand.u32 $0x1FFFFFF0, s29;
	s13 =	sadd.s32 $0x1080, s18;
	[smem:$0x7E2] =	sst s11  }
0x1bd: {  	[tilespmem:s7], [sflag:$0x1] =	stream.linear.gather [hbm4b:s25+s3], $0x80, $0x38;
	[tilespmem:$0x18300] =	vst v63  }
0x1be: {  	s16 =	sadd.s32 $0xB00, s18;
	[dreg:$0x15] =	wrdreg s13;
	s7 =	sadd.s32 s6, s26  }
0x1bf: {  	[tilespmem:s12], [sflag:$0x1] =	stream.linear.gather [hbm4b:s7+s3], $0x80, $0x38;
	[tilespmem:$0x18300] =	vst v63  }
0x1c0: {  	s9 =	sadd.s32 s4, s2;
	s19 =	sadd.s32 $0x1180, s18;
	[smem:$0x7DD] =	sst s16  }
0x1c1: {  	[tilespmem:s8], [sflag:$0x1] =	stream.linear.gather [hbm4b:s9+s3], $0x80, $0x38;
	[tilespmem:$0x18300] =	vst v63  }
0x1c2: {  	s20 =	sadd.s32 $0x980, s18;
	[dreg:$0x11] =	wrdreg s19;
	v0 =	vld [tilespmem:s22+$0x0]  }
0x1c3: {  	s23 =	sadd.s32 $0x1200, s18;
	[smem:$0x7DA] =	sst s20;
	v1 =	vld [tilespmem:s15+$0x0]  }
0x1c4: {  	p0 =	sne.s32 s17, $0x5A000;
	s1 =	sadd.s32 $0x1100, s18;
	[dreg:$0xf] =	wrdreg s23;
	v3 =	vld [tilespmem:s28+$0x0]  }
0x1c5: {  	s17 =	sadd.s32 $0x6000, s17;
	s10 =	sadd.s32 $0x800, s18;
	[dreg:$0x1a] =	wrdreg s1  }
0x1c6: {  	s24 =	sadd.s32 $0x400, s18;
	s21 =	sadd.s32 $0xA00, s18;
	[smem:$0x7D9] =	sst s10  }
0x1c7: {  	s31 =	sadd.s32 $0x300, s18;
	s13 =	sadd.s32 $0xB80, s18;
	[smem:$0x7DB] =	sst s21;
	v2 =	vshll.u32 v0, $0x4  }
0x1c8: {  	s2 =	sadd.s32 $0x380, s18;
	s16 =	sadd.s32 $0xD00, s18;
	[smem:$0x7DE] =	sst s13;
	v1 =	vshll.u32 v1, $0x4;
	(v2sf) =	vpush v2, $0x0  }
0x1c9: {  	s14 =	sadd.s32 $0x580, s18;
	s19 =	sadd.s32 $0x1680, s18;
	[smem:$0x7E1] =	sst s16;
	v63 =	vshll.u32 v3, $0x4;
	(v2sf) =	vpush v1, $0x0  }
0x1ca: {  	s5 =	sadd.s32 $0x780, s18;
	s20 =	sadd.s32 $0x1580, s18;
	[smem:$0x7DF] =	sst s19;
	(v2sf) =	vpush v63, $0x0  }
0x1cb: {  	s29 =	sadd.s32 $0x880, s18;
	s10 =	sadd.s32 $0xE00, s18;
	[dreg:$0x7] =	wrdreg s20  }
0x1cc: {  	s0 =	sadd.s32 $0x680, s18;
	s21 =	sadd.s32 $0x1480, s18;
	[smem:$0x7E3] =	sst s10;
	(v2sf) =	vpush v2, $0x1  }
0x1cd: {  	s11 =	sadd.s32 $0x900, s18;
	s13 =	sadd.s32 $0x1380, s18;
	[dreg:$0xd] =	wrdreg s21  }
0x1ce: {  	s23 =	sadd.s32 $0x600, s18;
	s16 =	sadd.s32 $0x1400, s18;
	[dreg:$0x18] =	wrdreg s13  }
0x1cf: {  	s1 =	sadd.s32 $0x500, s18;
	s25 =	sadd.s32 $0xC80, s18;
	[dreg:$0x13] =	wrdreg s16  }
0x1d0: {  	s26 =	sadd.s32 $0x1280, s18;
	s10 =	sadd.s32 $0x1900, s18;
	[smem:$0x7E0] =	sst s25;
	(v2sf) =	vpush v1, $0x1  }
0x1d1: {  	s13 =	sadd.s32 $0xC00, s18;
	[dreg:$0xb] =	wrdreg s26;
	s12 =	sadd.s32 $0xF00, s18  }
0x1d2: {  	s26 =	sadd.s32 $0x480, s18;
	s7 =	sadd.s32 $0xF80, s18;
	[dreg:$0x1c] =	wrdreg s12;
	(v2sf) =	vpush v63, $0x1  }
0x1d3: {  	s25 =	sadd.s32 $0x700, s18;
	[smem:$0x7E5] =	sst s7;
	s12 =	sadd.s32 $0xE80, s18  }
0x1d4: {  	s7 =	sadd.s32 $0x1980, s18;
	s8 =	sadd.s32 $0x1000, s18;
	[smem:$0x7E4] =	sst s12;
	(v2sf) =	vpush v2, $0x2  }
0x1d5: {  	s9 =	sadd.s32 $0xA80, s18;
	s12 =	sadd.s32 $0x1A00, s18;
	[dreg:$0x1e] =	wrdreg s8  }
0x1d6: {  	s15 =	sadd.s32 $0x10, s15;
	s28 =	sadd.s32 $0x10, s28;
	[smem:$0x7DC] =	sst s9;
	(v2sf) =	vpush v1, $0x2  }
0x1d7: {  	s22 =	sadd.s32 $0x10, s22;
	s9 =	sadd.s32 $0x1500, s18;
	s30 =	spop (v2sf)  }
0x1d8: {  	s8 =	sadd.s32 $0x1880, s18;
	(v2sf) =	vpush v63, $0x2;
	s16 =	sand.u32 $0x1FFFFFF0, s30;
	s20 =	spop (v2sf)  }
0x1d9: {  	[dreg:$0x9] =	wrdreg s9;
	s16 =	sadd.s32 s4, s16;
	s21 =	spop (v2sf)  }
0x1da: {  	(v2sf) =	vpush v2, $0x3;
	[tilespmem:s31], [sflag:$0x1] =	stream.linear.gather [hbm4b:s16+s3], $0x80, $0x38;
	[tilespmem:$0x18300] =	vst v63  }
0x1db: {  	s20 =	sand.u32 $0x1FFFFFF0, s20;
	s16 =	sand.u32 $0x1FFFFFF0, s21;
	s19 =	spop (v2sf)  }
0x1dc: {  	(v2sf) =	vpush v1, $0x3;
	s20 =	sadd.s32 s6, s20;
	s21 =	sand.u32 $0x1FFFFFF0, s19;
	s19 =	sadd.s32 $0x1300, s18  }
0x1dd: {  	[tilespmem:s2], [sflag:$0x1] =	stream.linear.gather [hbm4b:s20+s3], $0x80, $0x38;
	[tilespmem:$0x18300] =	vst v63  }
0x1de: {  	s9 =	sadd.s32 $0x1800, s18;
	(v2sf) =	vpush v63, $0x3;
	[smem:$0x7E6] =	sst s19;
	s20 =	sadd.s32 $0x1600, s18  }
0x1df: {  	s2 =	sadd.s32 s4, s16;
	s19 =	spop (v2sf);
	(v2sf) =	vpush v2, $0x4;
	[dreg:$0x16] =	wrdreg s20  }
0x1e0: {  	[tilespmem:s24], [sflag:$0x1] =	stream.linear.gather [hbm4b:s2+s3], $0x80, $0x38;
	[tilespmem:$0x18300] =	vst v63  }
0x1e1: {  	s20 =	sadd.s32 s4, s21;
	s16 =	sand.u32 $0x1FFFFFF0, s19;
	s21 =	spop (v2sf)  }
0x1e2: {  	(v2sf) =	vpush v1, $0x4;
	[tilespmem:s26], [sflag:$0x1] =	stream.linear.gather [hbm4b:s20+s3], $0x80, $0x38;
	[tilespmem:$0x18300] =	vst v63  }
0x1e3: {  	s24 =	sadd.s32 s6, s16;
	s19 =	spop (v2sf);
	s26 =	sand.u32 $0x1FFFFFF0, s21  }
0x1e4: {  	(v2sf) =	vpush v63, $0x4;
	[tilespmem:s1], [sflag:$0x1] =	stream.linear.gather [hbm4b:s24+s3], $0x80, $0x38;
	[tilespmem:$0x18300] =	vst v63  }
0x1e5: {  	s21 =	sadd.s32 s4, s26;
	s26 =	spop (v2sf);
	s24 =	sand.u32 $0x1FFFFFF0, s19  }
0x1e6: {  	(v2sf) =	vpush v2, $0x5;
	[tilespmem:s14], [sflag:$0x1] =	stream.linear.gather [hbm4b:s21+s3], $0x80, $0x38;
	[tilespmem:$0x18300] =	vst v63  }
0x1e7: {  	s20 =	sand.u32 $0x1FFFFFF0, s26;
	s19 =	sadd.s32 s4, s24;
	s21 =	spop (v2sf)  }
0x1e8: {  	[tilespmem:s23], [sflag:$0x1] =	stream.linear.gather [hbm4b:s19+s3], $0x80, $0x38;
	[tilespmem:$0x18300] =	vst v63  }
0x1e9: {  	s23 =	sadd.s32 s6, s20;
	s24 =	sand.u32 $0x1FFFFFF0, s21;
	s26 =	spop (v2sf)  }
0x1ea: {  	(v2sf) =	vpush v1, $0x5;
	[tilespmem:s0], [sflag:$0x1] =	stream.linear.gather [hbm4b:s23+s3], $0x80, $0x38;
	[tilespmem:$0x18300] =	vst v63  }
0x1eb: {  	s30 =	sadd.s32 $0x1780, s18;
	s2 =	sadd.s32 s4, s24;
	s16 =	spop (v2sf)  }
0x1ec: {  	(v2sf) =	vpush v63, $0x5;
	[tilespmem:s25], [sflag:$0x1] =	stream.linear.gather [hbm4b:s2+s3], $0x80, $0x38;
	[tilespmem:$0x18300] =	vst v63  }
0x1ed: {  	s14 =	sand.u32 $0x1FFFFFF0, s26;
	s26 =	sld [smem:$0x7D9];
	s21 =	spop (v2sf)  }
0x1ee: {  	(v2sf) =	vpush v2, $0x6;
	s19 =	sadd.s32 s4, s14;
	s20 =	sand.u32 $0x1FFFFFF0, s16;
	s25 =	spop (v2sf)  }
0x1ef: {  	[tilespmem:s5], [sflag:$0x1] =	stream.linear.gather [hbm4b:s19+s3], $0x80, $0x38;
	[tilespmem:$0x18300] =	vst v63  }
0x1f0: {  	s23 =	sadd.s32 s6, s20;
	s24 =	sand.u32 $0x1FFFFFF0, s21;
	s16 =	sand.u32 $0x1FFFFFF0, s25  }
0x1f1: {  	(v2sf) =	vpush v1, $0x6;
	s14 =	sadd.s32 s4, s24;
	s19 =	spop (v2sf);
	s20 =	sadd.s32 s4, s16  }
0x1f2: {  	(v2sf) =	vpush v63, $0x6;
	[tilespmem:s26], [sflag:$0x1] =	stream.linear.gather [hbm4b:s23+s3], $0x80, $0x38;
	[tilespmem:$0x18300] =	vst v63  }
0x1f3: {  	(v2sf) =	vpush v2, $0x7;
	s21 =	sand.u32 $0x1FFFFFF0, s19;
	s16 =	sld [smem:$0x7DB];
	s23 =	spop (v2sf)  }
0x1f4: {  	[tilespmem:s29], [sflag:$0x1] =	stream.linear.gather [hbm4b:s14+s3], $0x80, $0x38;
	[tilespmem:$0x18300] =	vst v63  }
0x1f5: {  	s24 =	sadd.s32 s6, s21;
	s26 =	spop (v2sf);
	s29 =	sld [smem:$0x7DA]  }
0x1f6: {  	[tilespmem:s11], [sflag:$0x1] =	stream.linear.gather [hbm4b:s20+s3], $0x80, $0x38;
	[tilespmem:$0x18300] =	vst v63  }
0x1f7: {  	(v2sf) =	vpush v1, $0x7;
	s25 =	sand.u32 $0x1FFFFFF0, s23;
	s23 =	sld [smem:$0x7DC];
	s11 =	sand.u32 $0x1FFFFFF0, s26  }
0x1f8: {  	[tilespmem:s29], [sflag:$0x1] =	stream.linear.gather [hbm4b:s24+s3], $0x80, $0x38;
	[tilespmem:$0x18300] =	vst v63  }
0x1f9: {  	(v2sf) =	vpush v63, $0x7;
	s5 =	sadd.s32 s4, s25;
	s19 =	sadd.s32 s4, s11;
	s14 =	spop (v2sf)  }
0x1fa: {  	[tilespmem:s16], [sflag:$0x1] =	stream.linear.gather [hbm4b:s5+s3], $0x80, $0x38;
	[tilespmem:$0x18300] =	vst v63  }
0x1fb: {  	s29 =	sld [smem:$0x7DD];
	s20 =	sand.u32 $0x1FFFFFF0, s14;
	s21 =	spop (v2sf)  }
0x1fc: {  	[tilespmem:s23], [sflag:$0x1] =	stream.linear.gather [hbm4b:s19+s3], $0x80, $0x38;
	[tilespmem:$0x18300] =	vst v63  }
0x1fd: {  	s31 =	sadd.s32 $0x1700, s18;
	(v2sf) =	vpush v2, $0x8;
	s24 =	sadd.s32 s6, s20;
	s26 =	spop (v2sf)  }
0x1fe: {  	s25 =	sand.u32 $0x1FFFFFF0, s21;
	s19 =	sld [smem:$0x7DE];
	s14 =	sand.u32 $0x1FFFFFF0, s26  }
0x1ff: {  	(v2sf) =	vpush v1, $0x8;
	[tilespmem:s29], [sflag:$0x1] =	stream.linear.gather [hbm4b:s24+s3], $0x80, $0x38;
	[tilespmem:$0x18300] =	vst v63  }
0x200: {  	(v2sf) =	vpush v63, $0x8;
	s11 =	sadd.s32 s4, s25;
	s16 =	spop (v2sf);
	s20 =	sadd.s32 s4, s14  }
0x201: {  	s21 =	sand.u32 $0x1FFFFFF0, s16;
	s23 =	spop (v2sf);
	s29 =	sld [smem:$0x7E0]  }
0x202: {  	(v2sf) =	vpush v2, $0x9;
	s16 =	sld [smem:$0x7E1];
	s24 =	sadd.s32 s6, s21;
	s26 =	spop (v2sf)  }
0x203: {  	[tilespmem:s19], [sflag:$0x1] =	stream.linear.gather [hbm4b:s11+s3], $0x80, $0x38;
	[tilespmem:$0x18300] =	vst v63  }
0x204: {  	s25 =	sand.u32 $0x1FFFFFF0, s23;
	s23 =	sld [smem:$0x7E2];
	s11 =	sand.u32 $0x1FFFFFF0, s26  }
0x205: {  	(v2sf) =	vpush v1, $0x9;
	[tilespmem:s13], [sflag:$0x1] =	stream.linear.gather [hbm4b:s20+s3], $0x80, $0x38;
	[tilespmem:$0x18300] =	vst v63  }
0x206: {  	(v2sf) =	vpush v63, $0x9;
	s5 =	sadd.s32 s4, s25;
	s14 =	spop (v2sf);
	s19 =	sadd.s32 s4, s11  }
0x207: {  	[tilespmem:s29], [sflag:$0x1] =	stream.linear.gather [hbm4b:s24+s3], $0x80, $0x38;
	[tilespmem:$0x18300] =	vst v63  }
0x208: {  	(v2sf) =	vpush v2, $0xA;
	s13 =	sld [smem:$0x7DF];
	s20 =	sand.u32 $0x1FFFFFF0, s14;
	s21 =	spop (v2sf)  }
0x209: {  	[tilespmem:s16], [sflag:$0x1] =	stream.linear.gather [hbm4b:s5+s3], $0x80, $0x38;
	[tilespmem:$0x18300] =	vst v63  }
0x20a: {  	(v2sf) =	vpush v1, $0xA;
	s24 =	sadd.s32 s6, s20;
	s25 =	sand.u32 $0x1FFFFFF0, s21;
	s29 =	sld [smem:$0x7E3]  }
0x20b: {  	[tilespmem:s23], [sflag:$0x1] =	stream.linear.gather [hbm4b:s19+s3], $0x80, $0x38;
	[tilespmem:$0x18300] =	vst v63  }
0x20c: {  	s5 =	sadd.s32 s4, s25;
	s16 =	sld [smem:$0x7E4];
	s26 =	spop (v2sf)  }
0x20d: {  	[tilespmem:s29], [sflag:$0x1] =	stream.linear.gather [hbm4b:s24+s3], $0x80, $0x38;
	[tilespmem:$0x18300] =	vst v63  }
0x20e: {  	(v2sf) =	vpush v63, $0xA;
	s23 =	rddreg [dreg:$0x1c];
	s11 =	sand.u32 $0x1FFFFFF0, s26;
	s14 =	spop (v2sf)  }
0x20f: {  	s19 =	sadd.s32 s4, s11;
	s20 =	sand.u32 $0x1FFFFFF0, s14;
	s21 =	spop (v2sf)  }
0x210: {  	[tilespmem:s16], [sflag:$0x1] =	stream.linear.gather [hbm4b:s5+s3], $0x80, $0x38;
	[tilespmem:$0x18300] =	vst v63  }
0x211: {  	(v2sf) =	vpush v2, $0xB;
	s29 =	sld [smem:$0x7E5];
	s24 =	sadd.s32 s6, s20;
	s26 =	spop (v2sf)  }
0x212: {  	s25 =	sand.u32 $0x1FFFFFF0, s21;
	s16 =	rddreg [dreg:$0x1e];
	s11 =	sand.u32 $0x1FFFFFF0, s26  }
0x213: {  	(v2sf) =	vpush v1, $0xB;
	[tilespmem:s23], [sflag:$0x1] =	stream.linear.gather [hbm4b:s19+s3], $0x80, $0x38;
	[tilespmem:$0x18300] =	vst v63  }
0x214: {  	s5 =	sadd.s32 s4, s25;
	s14 =	spop (v2sf);
	s19 =	sadd.s32 s4, s11  }
0x215: {  	s20 =	sand.u32 $0x1FFFFFF0, s14;
	s21 =	spop (v2sf);
	s23 =	rddreg [dreg:$0x15]  }
0x216: {  	[tilespmem:s29], [sflag:$0x1] =	stream.linear.gather [hbm4b:s24+s3], $0x80, $0x38;
	[tilespmem:$0x18300] =	vst v63  }
0x217: {  	(v2sf) =	vpush v63, $0xB;
	s25 =	sand.u32 $0x1FFFFFF0, s21;
	s24 =	sadd.s32 s6, s20;
	s26 =	spop (v2sf)  }
0x218: {  	[tilespmem:s16], [sflag:$0x1] =	stream.linear.gather [hbm4b:s5+s3], $0x80, $0x38;
	[tilespmem:$0x18300] =	vst v63  }
0x219: {  	(v2sf) =	vpush v2, $0xC;
	s29 =	rddreg [dreg:$0x1a];
	s11 =	sand.u32 $0x1FFFFFF0, s26;
	s14 =	spop (v2sf)  }
0x21a: {  	[tilespmem:s23], [sflag:$0x1] =	stream.linear.gather [hbm4b:s19+s3], $0x80, $0x38;
	[tilespmem:$0x18300] =	vst v63  }
0x21b: {  	(v2sf) =	vpush v1, $0xC;
	s5 =	sadd.s32 s4, s25;
	s16 =	rddreg [dreg:$0x11];
	s20 =	sand.u32 $0x1FFFFFF0, s14  }
0x21c: {  	[tilespmem:s29], [sflag:$0x1] =	stream.linear.gather [hbm4b:s24+s3], $0x80, $0x38;
	[tilespmem:$0x18300] =	vst v63  }
0x21d: {  	(v2sf) =	vpush v63, $0xC;
	s19 =	sadd.s32 s4, s11;
	s23 =	rddreg [dreg:$0xf];
	s21 =	spop (v2sf)  }
0x21e: {  	[tilespmem:s16], [sflag:$0x1] =	stream.linear.gather [hbm4b:s5+s3], $0x80, $0x38;
	[tilespmem:$0x18300] =	vst v63  }
0x21f: {  	(v2sf) =	vpush v2, $0xD;
	s24 =	sadd.s32 s6, s20;
	s29 =	rddreg [dreg:$0xb];
	s25 =	sand.u32 $0x1FFFFFF0, s21  }
0x220: {  	s16 =	sld [smem:$0x7E6];
	s26 =	spop (v2sf);
	s5 =	sadd.s32 s4, s25  }
0x221: {  	[tilespmem:s23], [sflag:$0x1] =	stream.linear.gather [hbm4b:s19+s3], $0x80, $0x38;
	[tilespmem:$0x18300] =	vst v63  }
0x222: {  	(v2sf) =	vpush v1, $0xD;
	s11 =	sand.u32 $0x1FFFFFF0, s26;
	s14 =	spop (v2sf);
	s23 =	rddreg [dreg:$0x18]  }
0x223: {  	[tilespmem:s29], [sflag:$0x1] =	stream.linear.gather [hbm4b:s24+s3], $0x80, $0x38;
	[tilespmem:$0x18300] =	vst v63  }
0x224: {  	s19 =	sadd.s32 s4, s11;
	s20 =	sand.u32 $0x1FFFFFF0, s14;
	s14 =	rddreg [dreg:$0xd]  }
0x225: {  	[tilespmem:s16], [sflag:$0x1] =	stream.linear.gather [hbm4b:s5+s3], $0x80, $0x38;
	[tilespmem:$0x18300] =	vst v63  }
0x226: {  	s21 =	spop (v2sf);
	s24 =	sadd.s32 s6, s20;
	s29 =	rddreg [dreg:$0x13]  }
0x227: {  	[tilespmem:s23], [sflag:$0x1] =	stream.linear.gather [hbm4b:s19+s3], $0x80, $0x38;
	[tilespmem:$0x18300] =	vst v63  }
0x228: {  	s25 =	sand.u32 $0x1FFFFFF0, s21;
	s26 =	spop (v2sf);
	s21 =	rddreg [dreg:$0x9]  }
0x229: {  	[tilespmem:s29], [sflag:$0x1] =	stream.linear.gather [hbm4b:s24+s3], $0x80, $0x38;
	[tilespmem:$0x18300] =	vst v63  }
0x22a: {  	s1 =	sadd.s32 s4, s25;
	s2 =	sand.u32 $0x1FFFFFF0, s26;
	s11 =	spop (v2sf)  }
0x22b: {  	[tilespmem:s14], [sflag:$0x1] =	stream.linear.gather [hbm4b:s1+s3], $0x80, $0x38;
	[tilespmem:$0x18300] =	vst v63  }
0x22c: {  	(v2sf) =	vpush v63, $0xD;
	s26 =	rddreg [dreg:$0x7];
	s16 =	sadd.s32 s4, s2;
	s20 =	spop (v2sf)  }
0x22d: {  	(v2sf) =	vpush v2, $0xE;
	[tilespmem:s21], [sflag:$0x1] =	stream.linear.gather [hbm4b:s16+s3], $0x80, $0x38;
	[tilespmem:$0x18300] =	vst v63  }
.Ltmp1:
0x22e: {  	(v2sf) =	vpush v1, $0xE;
	s19 =	sand.u32 $0x1FFFFFF0, s11;
	s25 =	spop (v2sf);
	(pc) =	sbr.rel @p0 .LBB2_4-.Ltmp1, $4  }
0x22f: {  	(v2sf) =	vpush v63, $0xE;
	s23 =	sadd.s32 s6, s19;
	s24 =	sand.u32 $0x1FFFFFF0, s20;
	s0 =	sand.u32 $0x1FFFFFF0, s25  }
0x230: {  	(v2sf) =	vpush v2, $0xF;
	[tilespmem:s26], [sflag:$0x1] =	stream.linear.gather [hbm4b:s23+s3], $0x80, $0x38;
	[tilespmem:$0x18300] =	vst v63  }
0x231: {  	(v2sf) =	vpush v1, $0xF;
	s29 =	rddreg [dreg:$0x16];
	s1 =	sadd.s32 s4, s24;
	s2 =	spop (v2sf)  }
0x232: {  	(v2sf) =	vpush v63, $0xF;
	[tilespmem:s29], [sflag:$0x1] =	stream.linear.gather [hbm4b:s1+s3], $0x80, $0x38;
	[tilespmem:$0x18300] =	vst v63  }
0x233: {  	_ =	sdelay $0x3  }
0x234: {  	s0 =	sadd.s32 s4, s0;
	s1 =	sand.u32 $0x1FFFFFF0, s2;
	s5 =	rddreg [dreg:$0x4]  }
0x235: {  	[tilespmem:s13], [sflag:$0x1] =	stream.linear.gather [hbm4b:s0+s3], $0x80, $0x38;
	[tilespmem:$0x18300] =	vst v63  }
0x236: {  	s24 =	sadd.s32 s5, s1  }
0x237: {  	[tilespmem:s31], [sflag:$0x1] =	stream.linear.gather [hbm4b:s24+s3], $0x80, $0x38;
	[tilespmem:$0x18300] =	vst v63  }
0x238: {  	s23 =	spop (v2sf)  }
0x239: {  	s25 =	sand.u32 $0x1FFFFFF0, s23;
	s26 =	spop (v2sf)  }
0x23a: {  	s28 =	sadd.s32 s4, s25;
	s29 =	sand.u32 $0x1FFFFFF0, s26;
	s31 =	spop (v2sf)  }
0x23b: {  	[tilespmem:s30], [sflag:$0x1] =	stream.linear.gather [hbm4b:s28+s3], $0x80, $0x38;
	[tilespmem:$0x18300] =	vst v63  }
0x23c: {  	s1 =	sadd.s32 s4, s29;
	s6 =	sand.u32 $0x1FFFFFF0, s31;
	s11 =	spop (v2sf)  }
0x23d: {  	[tilespmem:s9], [sflag:$0x1] =	stream.linear.gather [hbm4b:s1+s3], $0x80, $0x38;
	[tilespmem:$0x18300] =	vst v63  }
0x23e: {  	s13 =	sadd.s32 s5, s6;
	s14 =	sand.u32 $0x1FFFFFF0, s11;
	s15 =	spop (v2sf)  }
0x23f: {  	[tilespmem:s8], [sflag:$0x1] =	stream.linear.gather [hbm4b:s13+s3], $0x80, $0x38;
	[tilespmem:$0x18300] =	vst v63  }
0x240: {  	s16 =	sadd.s32 s4, s14;
	s17 =	sand.u32 $0x1FFFFFF0, s15;
	s19 =	spop (v2sf)  }
0x241: {  	[tilespmem:s10], [sflag:$0x1] =	stream.linear.gather [hbm4b:s16+s3], $0x80, $0x38;
	[tilespmem:$0x18300] =	vst v63  }
0x242: {  	s20 =	sadd.s32 s4, s17;
	s21 =	sand.u32 $0x1FFFFFF0, s19;
	s22 =	spop (v2sf)  }
0x243: {  	[tilespmem:s7], [sflag:$0x1] =	stream.linear.gather [hbm4b:s20+s3], $0x80, $0x38;
	[tilespmem:$0x18300] =	vst v63  }
0x244: {  	s23 =	sadd.s32 s5, s21;
	s24 =	sand.u32 $0x1FFFFFF0, s22  }
0x245: {  	[tilespmem:s12], [sflag:$0x1] =	stream.linear.gather [hbm4b:s23+s3], $0x80, $0x38;
	[tilespmem:$0x18300] =	vst v63  }
0x246: {  	s25 =	sadd.s32 $0x1A80, s18;
	s26 =	simm.s32 $0x1;
	s1 =	sadd.s32 s4, s24  }
0x247: {  	[tilespmem:s25], [sflag:$0x1] =	stream.linear.gather [hbm4b:s1+s3], $0x80, $0x38;
	[tilespmem:$0x18300] =	vst v63  }
0x248: {  	_ =	swait.ge [sflag:s26], $0x18000  }
0x249: {  	s28 =	sld [smem:$0x7FC]  }
0x24a: {  	[sflag:s26] =	ssyncset.done $0x0  }
0x24b: {  	s29 =	simm.s32 $0x300;
	s5 =	simm.s32 $0x2;
	[sflag:s26] =	ssyncadd.s32 $0xFFFE8000  }
0x24c: {  	[hbm4b:s28+s3] =	stream.linear.scatter [tilespmem:s29], [sflag:$0x2], $0x18000, $0x38;
	[tilespmem:$0x18300] =	vst v63  }
0x24d: {  	_ =	swait.ge [sflag:s5], $0x18000  }
0x24e: {  	s30 =	sld [smem:$0x7F4]  }
0x24f: {  	s31 =	sld [smem:$0x7FD];
	_ =	sdelay $0x1  }
0x250: {  	s1 =	sadd.s32 $0x1, s30  }
0x251: {  	p0 =	sne.s32 s1, s31  }
.Ltmp2:
0x252: {  	_ = 	snop;
	(pc) =	sbr.rel @p0 .LBB2_1-.Ltmp2, $3  }
0x253: {  	_ =	sdelay $0x1  }
0x254: {  	[sflag:s5] =	ssyncset.done $0x0  }
0x255: {  	[sflag:s5] =	ssyncadd.s32 $0xFFFE8000  }
0x256: {  	_ =	sfence.sel $0x180000  }
0x257: {  	[bflag:$0x0] =	sbarrier.arrive $0xFFFF  }
0x258: {  	_ =	strace $0x90000047  }
0x259: {  	s0 =	stileid.u32;
	[bflag:$0x2] =	sbarrier.arrive $0xFFFF  }
0x25a: {  	p0 =	sne.s32 s0, $0x0;
	s0 =	rddreg [dreg:$0x5]  }
0x25b: {  	s0 =	sadd.s32 @!p0 $0x100000, s0  }
0x25c: {  	[sflag:s0] =	ssyncadd.tile.s32 @!p0 $0x1;
	_ =	shalt  }
.Lfunc_end2:
_tile_overlayer_lowered:
.L_overlay_start_2:
0x25d: {  	(tag) =	ssettag $0x2  }
0x25e: {  	s0 =	rddreg [dreg:$0x0];
	s2 =	stileid.u32  }
0x25f: {  	s1 =	rddreg [dreg:$0x1];
	p0 =	sne.s32 s2, $0x0  }
0x260: {  	s3 =	rddreg [dreg:$0x2];
	[bflag:$0x3] =	sbarrier.arrive $0xFFFF;
	s2 =	simm.s32 @!p0 $0x1C02  }
0x261: {  	[timem:s3], [sflag:s2] =	dma.local @!p0 [hbm:s0], s1  }
0x262: {  	s0 =	simm.s32 @!p0 $0x2  }
0x263: {  	_ =	swait.ge @!p0 [sflag:s0], s1  }
0x264: {  	s1 =	ssub.s32 @!p0 $0x0, s1;
	[sflag:s0] =	ssyncset.done @!p0 $0x0  }
0x265: {  	[sflag:s0] =	ssyncadd.s32 @!p0 s1  }
0x266: {  	[bflag:$0x3] =	sbarrier.arrive $0xFFFF  }
0x267: {  	_ =	shalt  }

</sc_bundles>
